<compile_context>
chip_gen: v7x
topology: tpu7x:2x2x1
jax: 0.10.2.dev20260603
libtpu: 0.0.44.dev20260713+nightly
codegen_flags: <defaults>
</compile_context>

<pallas_src>
import functools

import jax
import jax.numpy as jnp
from jax import lax
from jax.experimental import pallas as pl
from jax.experimental.pallas import tpu as pltpu
from jax.experimental.pallas import tpu_sc as plsc

B, L = 16384, 50
NUM_DIM = 8
ITEM_DIM = 50
CATE_DIM = 12
OUT_DIM = 2 * NUM_DIM + ITEM_DIM + CATE_DIM
CATE_ROWS = 1001
ITEM_ROWS = 1000001
RT_ROWS = 1000064
FULL_COLS = ITEM_ROWS // 128
TAIL0 = FULL_COLS * 128

NW = 32
COL_UNITS = 245
NBLK = B // 128
UNITS = L * NBLK // NW

_mesh = plsc.VectorSubcoreMesh(core_axis_name="c", subcore_axis_name="s")
_params = pltpu.CompilerParams(needs_layout_passes=False)


RL_BLK = 4096
SPLIT = 503808
RL_GRID = SPLIT // RL_BLK
HI_LAST = (ITEM_ROWS - 1) // RL_BLK


def _relayout_body(lo_ref, hi_ref, rt_ref):
    pad = jnp.zeros((RL_BLK, 64 - ITEM_DIM), jnp.float32)
    rt_ref[...] = jnp.concatenate(
        [lo_ref[...], pad, hi_ref[...], pad], axis=1)


def _relayout(table_items):
    return pl.pallas_call(
        _relayout_body,
        grid=(RL_GRID,),
        in_specs=[
            pl.BlockSpec((RL_BLK, ITEM_DIM), lambda i: (i, 0)),
            pl.BlockSpec((RL_BLK, ITEM_DIM),
                         lambda i: (jnp.minimum(i + RL_GRID, HI_LAST), 0)),
        ],
        out_specs=pl.BlockSpec((RL_BLK, 128), lambda i: (i, 0)),
        out_shape=jax.ShapeDtypeStruct((SPLIT, 128), jnp.float32),
        compiler_params=pltpu.CompilerParams(
            dimension_semantics=("parallel",)),
    )(table_items, table_items)


NC_DIM = 2 * NUM_DIM + CATE_DIM


@functools.partial(
    pl.kernel,
    out_type=jax.ShapeDtypeStruct((L, NC_DIM, B), jnp.float32),
    mesh=_mesh,
    compiler_params=_params,
    scratch_types=[
        pltpu.VMEM((128,), jnp.float32),
        pltpu.VMEM((128,), jnp.float32),
        pltpu.VMEM((128,), jnp.int32),
        pltpu.VMEM((CATE_DIM, CATE_ROWS), jnp.float32),
        pltpu.VMEM((16, 16), jnp.float32),
        pltpu.VMEM((NC_DIM, 128), jnp.float32),
    ],
)
def _enc_nc(pT_h, cT_h, catT_h, ctT_h, wb_h, pa_h,
            pv, cv, gv, ctab, wbv, slab):
    wid = lax.axis_index("s") * 2 + lax.axis_index("c")

    pltpu.sync_copy(ctT_h, ctab)
    pltpu.sync_copy(wb_h, wbv)
    ws = [wbv[2 * d, :] for d in range(NUM_DIM)]
    bs = [wbv[2 * d + 1, :] for d in range(NUM_DIM)]

    def unit_body(u, carry):
        unit = u * NW + wid
        l = unit // NBLK
        b0 = (unit % NBLK) * 128

        pltpu.sync_copy(pT_h.at[l, pl.ds(b0, 128)], pv)
        pltpu.sync_copy(cT_h.at[l, pl.ds(b0, 128)], cv)
        pltpu.sync_copy(catT_h.at[l, pl.ds(b0, 128)], gv)

        def grp_a(g, c2):
            s = g * 16
            p = pv[pl.ds(s, 16)]
            c = cv[pl.ds(s, 16)]
            pm = p == p
            cm = c == c
            pc = jnp.where(pm, p, 0.0)
            cc = jnp.where(cm, c, 0.0)
            for d in range(NUM_DIM):
                vp = jnp.maximum(pc * ws[d] + bs[d], 0.0)
                slab[d, pl.ds(s, 16)] = jnp.where(pm, vp, 0.0)
                vc = jnp.maximum(cc * ws[d] + bs[d], 0.0)
                slab[NUM_DIM + d, pl.ds(s, 16)] = jnp.where(cm, vc, 0.0)
            ids = gv[pl.ds(s, 16)]
            cols = [plsc.load_gather(
                ctab, [jnp.full((16,), k, jnp.int32), ids])
                for k in range(CATE_DIM)]
            for k in range(CATE_DIM):
                slab[2 * NUM_DIM + k, pl.ds(s, 16)] = cols[k]
            return c2

        lax.fori_loop(0, 8, grp_a, 0)
        pltpu.sync_copy(slab, pa_h.at[l, :, pl.ds(b0, 128)])
        return carry

    lax.fori_loop(0, UNITS, unit_body, 0)


@functools.partial(
    pl.kernel,
    out_type=jax.ShapeDtypeStruct((L, OUT_DIM, B), jnp.float32),
    mesh=_mesh,
    compiler_params=_params,
    scratch_types=[
        pltpu.VMEM((128,), jnp.int32),
        pltpu.VMEM((128,), jnp.int32),
        pltpu.VMEM((128,), jnp.int32),
        pltpu.VMEM((128,), jnp.int32),
        pltpu.VMEM((128, 128), jnp.float32),
        pltpu.VMEM((128, 128), jnp.float32),
        pltpu.VMEM((OUT_DIM, 128), jnp.float32),
        pltpu.VMEM((OUT_DIM, 128), jnp.float32),
        pltpu.SemaphoreType.DMA,
        pltpu.SemaphoreType.DMA,
        pltpu.SemaphoreType.DMA,
        pltpu.SemaphoreType.DMA,
        pltpu.SemaphoreType.DMA,
        pltpu.SemaphoreType.DMA,
    ],
)
def _enc_item(itT_h, rt_h, pa_h, out_h,
              iv0, iv1, r0, r1, ir0, ir1, slabA, slabB,
              si0, si1, sg0, sg1, psA, psB):
    wid = lax.axis_index("s") * 2 + lax.axis_index("c")

    def lb(u):
        unit = u * NW + wid
        return unit // NBLK, (unit % NBLK) * 128

    def ids_src(u):
        l, b0 = lb(u)
        return itT_h.at[l, pl.ds(b0, 128)]

    def adjust(ivr, radj):
        def g8(g, c2):
            s = g * 16
            v = ivr[pl.ds(s, 16)]
            radj[pl.ds(s, 16)] = v - jnp.where(v >= SPLIT, SPLIT, 0)
            return c2

        lax.fori_loop(0, 8, g8, 0)

    def partial_descs(u, slab, ps):
        l, b0 = lb(u)
        return (
            (pa_h.at[l, pl.ds(0, NUM_DIM * 2), pl.ds(b0, 128)],
             slab.at[pl.ds(0, NUM_DIM * 2)], ps),
            (pa_h.at[l, pl.ds(NUM_DIM * 2, CATE_DIM), pl.ds(b0, 128)],
             slab.at[pl.ds(2 * NUM_DIM + ITEM_DIM, CATE_DIM)], ps),
        )

    def partial_start(u, slab, ps):
        for d in partial_descs(u, slab, ps):
            pltpu.async_copy(*d)

    def process(u, ivraw, r, ir, sg, slab, ps):
        l, b0 = lb(u)
        for d in partial_descs(u, slab, ps):
            pltpu.make_async_copy(*d).wait()
        pltpu.make_async_copy(rt_h.at[r], ir, sg).wait()

        def grp_b(g, c2):
            s = g * 16
            iv16 = lax.iota(jnp.int32, 16) + s
            base16 = jnp.where(ivraw[pl.ds(s, 16)] >= SPLIT, 64, 0)
            for cb in range(0, ITEM_DIM, 8):
                n = min(8, ITEM_DIM - cb)
                vs = [plsc.load_gather(ir, [iv16, base16 + (cb + j)])
                      for j in range(n)]
                for j in range(n):
                    slab[2 * NUM_DIM + cb + j, pl.ds(s, 16)] = vs[j]
            return c2

        lax.fori_loop(0, 8, grp_b, 0)
        pltpu.sync_copy(slab, out_h.at[l, :, pl.ds(b0, 128)])

    pltpu.sync_copy(ids_src(0), iv0)
    adjust(iv0, r0)
    pltpu.async_copy(rt_h.at[r0], ir0, sg0)
    partial_start(0, slabA, psA)
    pltpu.async_copy(ids_src(1), iv1, si1)

    def pair_body(t, carry):
        k0 = 2 * t
        k1 = k0 + 1
        pltpu.make_async_copy(ids_src(k1), iv1, si1).wait()
        adjust(iv1, r1)
        pltpu.async_copy(rt_h.at[r1], ir1, sg1)
        partial_start(k1, slabB, psB)
        process(k0, iv0, r0, ir0, sg0, slabA, psA)

        @pl.when(k0 + 2 < UNITS)
        def _():
            pltpu.async_copy(ids_src(k0 + 2), iv0, si0)

        @pl.when(k0 + 2 < UNITS)
        def _():
            pltpu.make_async_copy(ids_src(k0 + 2), iv0, si0).wait()
            adjust(iv0, r0)
            pltpu.async_copy(rt_h.at[r0], ir0, sg0)
            partial_start(k0 + 2, slabA, psA)

        process(k1, iv1, r1, ir1, sg1, slabB, psB)

        @pl.when(k1 + 2 < UNITS)
        def _():
            pltpu.async_copy(ids_src(k1 + 2), iv1, si1)

        return carry

    lax.fori_loop(0, UNITS // 2, pair_body, 0)


def kernel(price, ctr, item_id, cate_id, W_num, b_num, table_items,
           table_cates):
    wb = jnp.stack([W_num[0], b_num], axis=1).reshape(16)
    wb = jnp.broadcast_to(wb[:, None], (16, 16))
    partial = _enc_nc(price.T, ctr.T, cate_id.T, table_cates.T, wb)
    rtab = _relayout(table_items)
    outT = _enc_item(item_id.T, rtab, partial)
    return outT.transpose(2, 0, 1)

# --- scband reference (transcript-rebuilt; emitter-appended) ---
"""Pipeline reference for scband-feature-encoder-71949292143123 (READ-ONLY COPY).

The authoritative reference and input builder live on the scoring server;
editing this copy changes nothing except your own understanding.
"""

import jax, jax.numpy as jnp
import numpy as np

B, L = 16384, 50
NUM_DIM = 8
ITEM_VOCAB = 1000000  # table rows = ITEM_VOCAB + 1 (padding_idx=0)
CATE_VOCAB = 1000
ITEM_DIM = 50  # _suggest_embedding_dim(1e6) = min(50, int(1e6**0.25*2) rounded even) = 50
CATE_DIM = 12  # int(1000**0.25*2)=11 -> +1 -> 12


def setup_inputs(seed: int = 0) -> dict:
    key = jax.random.key(seed)
    k1, k2, k3, k4, k5, k6, k7, k8 = jax.random.split(key, 8)
    price = jax.random.normal(k1, (B, L), dtype=jnp.float32)
    ctr = jax.random.uniform(k2, (B, L), dtype=jnp.float32)
    item_id = jax.random.randint(k3, (B, L), 0, ITEM_VOCAB + 1, dtype=jnp.int32)
    cate_id = jax.random.randint(k4, (B, L), 0, CATE_VOCAB + 1, dtype=jnp.int32)
    # numerical group 'num_stats': Linear(1 -> 8) shared by price and ctr
    W_num = jax.random.normal(k5, (1, NUM_DIM), dtype=jnp.float32) * 0.5
    b_num = jax.random.normal(k6, (NUM_DIM,), dtype=jnp.float32) * 0.1
    # categorical tables, row 0 is padding (zero vector, matching padding_idx=0)
    table_items = (jax.random.normal(k7, (ITEM_VOCAB + 1, ITEM_DIM), dtype=jnp.float32) * 0.02).at[0].set(0.0)
    table_cates = (jax.random.normal(k8, (CATE_VOCAB + 1, CATE_DIM), dtype=jnp.float32) * 0.02).at[0].set(0.0)
    return {
        'price': price, 'ctr': ctr,
        'item_id': item_id, 'cate_id': cate_id,
        'W_num': W_num, 'b_num': b_num,
        'table_items': table_items, 'table_cates': table_cates,
    }


def _numerical_embed(value, W, b):
    mask = ~jnp.isnan(value)
    clean = jnp.where(mask, value, jnp.zeros_like(value))
    flat = clean.reshape(-1, 1)
    emb = jax.nn.relu(flat @ W + b)
    emb = emb.reshape(value.shape + (W.shape[1],))
    # torch only multiplies when NaNs present; multiplying by an all-true mask is identical math
    emb = emb * mask[..., None].astype(emb.dtype)
    return emb


def _cat_embed(idx, table):
    flat = idx.reshape(-1)
    emb = jnp.take(table, flat, axis=0)
    return emb.reshape(idx.shape + (table.shape[1],))


def reference(price, ctr, item_id, cate_id, W_num, b_num, table_items, table_cates):
    # iteration order over the features dict: price, ctr, item_id, cate_id
    embeddings = [
        _numerical_embed(price, W_num, b_num),
        _numerical_embed(ctr, W_num, b_num),
        _cat_embed(item_id, table_items),
        _cat_embed(cate_id, table_cates),
    ]
    return jnp.concatenate(embeddings, axis=-1)

if __name__ == "__main__":
    import jax
    _d = setup_inputs()
    print(jax.jit(kernel)(*tuple(_d.values())))

</pallas_src>

<mosaic_0001>
#map = affine_map<(d0, d1) -> (0, 0)>
#map1 = affine_map<(d0, d1) -> (0, 0, 0)>
module attributes {stable_mosaic.version = 14 : i64} {
  func.func @_enc_nc(%arg0: i32, %arg1: i32, %arg2: memref<50x16384xf32, #tpu.memory_space<hbm>>, %arg3: memref<50x16384xf32, #tpu.memory_space<hbm>>, %arg4: memref<50x16384xi32, #tpu.memory_space<hbm>>, %arg5: memref<12x1001xf32, #tpu.memory_space<hbm>>, %arg6: memref<16x16xf32, #tpu.memory_space<hbm>>, %arg7: memref<50x28x16384xf32, #tpu.memory_space<hbm>>, %arg8: memref<128xf32, #tpu.memory_space<vmem>>, %arg9: memref<128xf32, #tpu.memory_space<vmem>>, %arg10: memref<128xi32, #tpu.memory_space<vmem>>, %arg11: memref<12x1001xf32, #tpu.memory_space<vmem>>, %arg12: memref<16x16xf32, #tpu.memory_space<vmem>>, %arg13: memref<28x128xf32, #tpu.memory_space<vmem>>) attributes {dimension_semantics = [#tpu.dimension_semantics<core_parallel>, #tpu.dimension_semantics<subcore_parallel>], iteration_bounds = array<i64: 2, 16>, scalar_prefetch = 0 : i64, scratch_operands = 6 : i64, tpu.core_type = #tpu.core_type<sc_vector_subcore>, window_params = [{transform_indices = #map}, {transform_indices = #map}, {transform_indices = #map}, {transform_indices = #map}, {transform_indices = #map}, {transform_indices = #map1}]} {
    %mul3A = arith.constant 2 : i32
    %mul3A_0 = arith.muli %arg1, %mul3A : i32
    %add3A = arith.addi %mul3A_0, %arg0 : i32
    "tpu.region"() ({
      %run_scoped3A = tpu.sem_alloc : memref<!tpu.dma_semaphore, #tpu.memory_space<semaphore_mem>>
      tpu.enqueue_dma source(%arg5 : memref<12x1001xf32, #tpu.memory_space<hbm>>) target(%arg11 : memref<12x1001xf32, #tpu.memory_space<vmem>>) target_semaphore(%run_scoped3A : memref<!tpu.dma_semaphore, #tpu.memory_space<semaphore_mem>>)
      tpu.wait_dma2 semaphore(%run_scoped3A : memref<!tpu.dma_semaphore, #tpu.memory_space<semaphore_mem>>) src(%arg5 : memref<12x1001xf32, #tpu.memory_space<hbm>>) dst(%arg11 : memref<12x1001xf32, #tpu.memory_space<vmem>>)
      tpu.yield
    }) : () -> ()
    "tpu.region"() ({
      %run_scoped3A = tpu.sem_alloc : memref<!tpu.dma_semaphore, #tpu.memory_space<semaphore_mem>>
      tpu.enqueue_dma source(%arg6 : memref<16x16xf32, #tpu.memory_space<hbm>>) target(%arg12 : memref<16x16xf32, #tpu.memory_space<vmem>>) target_semaphore(%run_scoped3A : memref<!tpu.dma_semaphore, #tpu.memory_space<semaphore_mem>>)
      tpu.wait_dma2 semaphore(%run_scoped3A : memref<!tpu.dma_semaphore, #tpu.memory_space<semaphore_mem>>) src(%arg6 : memref<16x16xf32, #tpu.memory_space<hbm>>) dst(%arg12 : memref<16x16xf32, #tpu.memory_space<vmem>>)
      tpu.yield
    }) : () -> ()
    %get3A = arith.constant 0 : i32
    %get3A_1 = arith.index_cast %get3A : i32 to index
    %get3A_2 = arith.constant 0 : index
    %get3A_3 = tpu.vector_load %arg12[%get3A_1, %get3A_2] {strides = array<i32>} : memref<16x16xf32, #tpu.memory_space<vmem>>, vector<16xf32>,
    %get3A_4 = arith.constant 2 : i32
    %get3A_5 = arith.index_cast %get3A_4 : i32 to index
    %get3A_6 = arith.constant 0 : index
    %get3A_7 = tpu.vector_load %arg12[%get3A_5, %get3A_6] {strides = array<i32>} : memref<16x16xf32, #tpu.memory_space<vmem>>, vector<16xf32>,
    %get3A_8 = arith.constant 4 : i32
    %get3A_9 = arith.index_cast %get3A_8 : i32 to index
    %get3A_10 = arith.constant 0 : index
    %get3A_11 = tpu.vector_load %arg12[%get3A_9, %get3A_10] {strides = array<i32>} : memref<16x16xf32, #tpu.memory_space<vmem>>, vector<16xf32>,
    %get3A_12 = arith.constant 6 : i32
    %get3A_13 = arith.index_cast %get3A_12 : i32 to index
    %get3A_14 = arith.constant 0 : index
    %get3A_15 = tpu.vector_load %arg12[%get3A_13, %get3A_14] {strides = array<i32>} : memref<16x16xf32, #tpu.memory_space<vmem>>, vector<16xf32>,
    %get3A_16 = arith.constant 8 : i32
    %get3A_17 = arith.index_cast %get3A_16 : i32 to index
    %get3A_18 = arith.constant 0 : index
    %get3A_19 = tpu.vector_load %arg12[%get3A_17, %get3A_18] {strides = array<i32>} : memref<16x16xf32, #tpu.memory_space<vmem>>, vector<16xf32>,
    %get3A_20 = arith.constant 10 : i32
    %get3A_21 = arith.index_cast %get3A_20 : i32 to index
    %get3A_22 = arith.constant 0 : index
    %get3A_23 = tpu.vector_load %arg12[%get3A_21, %get3A_22] {strides = array<i32>} : memref<16x16xf32, #tpu.memory_space<vmem>>, vector<16xf32>,
    %get3A_24 = arith.constant 12 : i32
    %get3A_25 = arith.index_cast %get3A_24 : i32 to index
    %get3A_26 = arith.constant 0 : index
    %get3A_27 = tpu.vector_load %arg12[%get3A_25, %get3A_26] {strides = array<i32>} : memref<16x16xf32, #tpu.memory_space<vmem>>, vector<16xf32>,
    %get3A_28 = arith.constant 14 : i32
    %get3A_29 = arith.index_cast %get3A_28 : i32 to index
    %get3A_30 = arith.constant 0 : index
    %get3A_31 = tpu.vector_load %arg12[%get3A_29, %get3A_30] {strides = array<i32>} : memref<16x16xf32, #tpu.memory_space<vmem>>, vector<16xf32>,
    %get3A_32 = arith.constant 1 : i32
    %get3A_33 = arith.index_cast %get3A_32 : i32 to index
    %get3A_34 = arith.constant 0 : index
    %get3A_35 = tpu.vector_load %arg12[%get3A_33, %get3A_34] {strides = array<i32>} : memref<16x16xf32, #tpu.memory_space<vmem>>, vector<16xf32>,
    %get3A_36 = arith.constant 3 : i32
    %get3A_37 = arith.index_cast %get3A_36 : i32 to index
    %get3A_38 = arith.constant 0 : index
    %get3A_39 = tpu.vector_load %arg12[%get3A_37, %get3A_38] {strides = array<i32>} : memref<16x16xf32, #tpu.memory_space<vmem>>, vector<16xf32>,
    %get3A_40 = arith.constant 5 : i32
    %get3A_41 = arith.index_cast %get3A_40 : i32 to index
    %get3A_42 = arith.constant 0 : index
    %get3A_43 = tpu.vector_load %arg12[%get3A_41, %get3A_42] {strides = array<i32>} : memref<16x16xf32, #tpu.memory_space<vmem>>, vector<16xf32>,
    %get3A_44 = arith.constant 7 : i32
    %get3A_45 = arith.index_cast %get3A_44 : i32 to index
    %get3A_46 = arith.constant 0 : index
    %get3A_47 = tpu.vector_load %arg12[%get3A_45, %get3A_46] {strides = array<i32>} : memref<16x16xf32, #tpu.memory_space<vmem>>, vector<16xf32>,
    %get3A_48 = arith.constant 9 : i32
    %get3A_49 = arith.index_cast %get3A_48 : i32 to index
    %get3A_50 = arith.constant 0 : index
    %get3A_51 = tpu.vector_load %arg12[%get3A_49, %get3A_50] {strides = array<i32>} : memref<16x16xf32, #tpu.memory_space<vmem>>, vector<16xf32>,
    %get3A_52 = arith.constant 11 : i32
    %get3A_53 = arith.index_cast %get3A_52 : i32 to index
    %get3A_54 = arith.constant 0 : index
    %get3A_55 = tpu.vector_load %arg12[%get3A_53, %get3A_54] {strides = array<i32>} : memref<16x16xf32, #tpu.memory_space<vmem>>, vector<16xf32>,
    %get3A_56 = arith.constant 13 : i32
    %get3A_57 = arith.index_cast %get3A_56 : i32 to index
    %get3A_58 = arith.constant 0 : index
    %get3A_59 = tpu.vector_load %arg12[%get3A_57, %get3A_58] {strides = array<i32>} : memref<16x16xf32, #tpu.memory_space<vmem>>, vector<16xf32>,
    %get3A_60 = arith.constant 15 : i32
    %get3A_61 = arith.index_cast %get3A_60 : i32 to index
    %get3A_62 = arith.constant 0 : index
    %get3A_63 = tpu.vector_load %arg12[%get3A_61, %get3A_62] {strides = array<i32>} : memref<16x16xf32, #tpu.memory_space<vmem>>, vector<16xf32>,
    %scan3A = arith.constant 0 : i32
    %scan3A_64 = arith.constant 0 : i32
    %scan3A_65 = arith.constant 200 : i32
    %scan3A_66 = arith.addi %scan3A_64, %scan3A_65 : i32
    %scan3A_67 = arith.constant 1 : i32
    scf.for %scan3A_69 = %scan3A_64 to %scan3A_66 step %scan3A_67  : i32 {
      %mul3A_70 = arith.constant 32 : i32
      %mul3A_71 = arith.muli %scan3A_69, %mul3A_70 : i32
      %add3A_72 = arith.addi %mul3A_71, %add3A : i32
      %jit3A = arith.constant 128 : i32
      %div3A = arith.divsi %add3A_72, %jit3A : i32
      %sign3A = arith.constant 0 : i32
      %sign3A_73 = arith.cmpi sgt, %add3A_72, %sign3A : i32
      %sign3A_74 = arith.extui %sign3A_73 : i1 to i32
      %sign3A_75 = arith.constant 0 : i32
      %sign3A_76 = arith.cmpi slt, %add3A_72, %sign3A_75 : i32
      %sign3A_77 = arith.extui %sign3A_76 : i1 to i32
      %sign3A_78 = arith.subi %sign3A_74, %sign3A_77 : i32
      %sign3A_79 = arith.constant 0 : i32
      %sign3A_80 = arith.cmpi sgt, %jit3A, %sign3A_79 : i32
      %sign3A_81 = arith.extui %sign3A_80 : i1 to i32
      %sign3A_82 = arith.constant 0 : i32
      %sign3A_83 = arith.cmpi slt, %jit3A, %sign3A_82 : i32
      %sign3A_84 = arith.extui %sign3A_83 : i1 to i32
      %sign3A_85 = arith.subi %sign3A_81, %sign3A_84 : i32
      %ne3A = arith.cmpi ne, %sign3A_78, %sign3A_85 : i32
      %rem3A = arith.remsi %add3A_72, %jit3A : i32
      %ne3A_86 = arith.constant 0 : i32
      %ne3A_87 = arith.cmpi ne, %rem3A, %ne3A_86 : i32
      %and3A = arith.andi %ne3A, %ne3A_87 : i1
      %sub3A = arith.constant 1 : i32
      %sub3A_88 = arith.subi %div3A, %sub3A : i32
      %select_n3A = arith.select %and3A, %sub3A_88, %div3A : i32
      %jit3A_89 = arith.constant 128 : i32
      %eq3A = arith.constant 0 : i32
      %eq3A_90 = arith.cmpi eq, %jit3A_89, %eq3A : i32
      %jit3A_91 = arith.constant 1 : i32
      %select_n3A_92 = arith.select %eq3A_90, %jit3A_91, %jit3A_89 : i32
      %rem3A_93 = arith.remsi %add3A_72, %select_n3A_92 : i32
      %ne3A_94 = arith.constant 0 : i32
      %ne3A_95 = arith.cmpi ne, %rem3A_93, %ne3A_94 : i32
      %lt3A = arith.constant 0 : i32
      %lt3A_96 = arith.cmpi slt, %rem3A_93, %lt3A : i32
      %lt3A_97 = arith.constant 0 : i32
      %lt3A_98 = arith.cmpi slt, %select_n3A_92, %lt3A_97 : i32
      %ne3A_99 = arith.xori %lt3A_96, %lt3A_98 : i1
      %and3A_100 = arith.andi %ne3A_99, %ne3A_95 : i1
      %add3A_101 = arith.addi %rem3A_93, %select_n3A_92 : i32
      %select_n3A_102 = arith.select %and3A_100, %add3A_101, %rem3A_93 : i32
      %mul3A_103 = arith.constant 128 : i32
      %mul3A_104 = arith.muli %select_n3A_102, %mul3A_103 : i32
      "tpu.region"() ({
        %run_scoped3A = tpu.sem_alloc : memref<!tpu.dma_semaphore, #tpu.memory_space<semaphore_mem>>
        %dma_start3A = tpu.memref_slice %arg2[%select_n3A, %mul3A_104] : memref<50x16384xf32, #tpu.memory_space<hbm>> -> memref<1x128xf32, #tpu.memory_space<hbm>>
        %dma_start3A_111 = tpu.memref_squeeze %dma_start3A : memref<1x128xf32, #tpu.memory_space<hbm>> -> memref<128xf32, #tpu.memory_space<hbm>>
        %dma_start3A_112 = tpu.memref_slice %arg2[%select_n3A, %mul3A_104] : memref<50x16384xf32, #tpu.memory_space<hbm>> -> memref<1x128xf32, #tpu.memory_space<hbm>>
        %dma_start3A_113 = tpu.memref_squeeze %dma_start3A_112 : memref<1x128xf32, #tpu.memory_space<hbm>> -> memref<128xf32, #tpu.memory_space<hbm>>
        tpu.enqueue_dma source(%dma_start3A_113 : memref<128xf32, #tpu.memory_space<hbm>>) target(%arg8 : memref<128xf32, #tpu.memory_space<vmem>>) target_semaphore(%run_scoped3A : memref<!tpu.dma_semaphore, #tpu.memory_space<semaphore_mem>>)
        %dma_wait3A = tpu.memref_slice %arg2[%select_n3A, %mul3A_104] : memref<50x16384xf32, #tpu.memory_space<hbm>> -> memref<1x128xf32, #tpu.memory_space<hbm>>
        %dma_wait3A_114 = tpu.memref_squeeze %dma_wait3A : memref<1x128xf32, #tpu.memory_space<hbm>> -> memref<128xf32, #tpu.memory_space<hbm>>
        %dma_wait3A_115 = tpu.memref_slice %arg2[%select_n3A, %mul3A_104] : memref<50x16384xf32, #tpu.memory_space<hbm>> -> memref<1x128xf32, #tpu.memory_space<hbm>>
        %dma_wait3A_116 = tpu.memref_squeeze %dma_wait3A_115 : memref<1x128xf32, #tpu.memory_space<hbm>> -> memref<128xf32, #tpu.memory_space<hbm>>
        tpu.wait_dma2 semaphore(%run_scoped3A : memref<!tpu.dma_semaphore, #tpu.memory_space<semaphore_mem>>) src(%dma_wait3A_116 : memref<128xf32, #tpu.memory_space<hbm>>) dst(%arg8 : memref<128xf32, #tpu.memory_space<vmem>>)
        tpu.yield
      }) : () -> ()
      "tpu.region"() ({
        %run_scoped3A = tpu.sem_alloc : memref<!tpu.dma_semaphore, #tpu.memory_space<semaphore_mem>>
        %dma_start3A = tpu.memref_slice %arg3[%select_n3A, %mul3A_104] : memref<50x16384xf32, #tpu.memory_space<hbm>> -> memref<1x128xf32, #tpu.memory_space<hbm>>
        %dma_start3A_111 = tpu.memref_squeeze %dma_start3A : memref<1x128xf32, #tpu.memory_space<hbm>> -> memref<128xf32, #tpu.memory_space<hbm>>
        %dma_start3A_112 = tpu.memref_slice %arg3[%select_n3A, %mul3A_104] : memref<50x16384xf32, #tpu.memory_space<hbm>> -> memref<1x128xf32, #tpu.memory_space<hbm>>
        %dma_start3A_113 = tpu.memref_squeeze %dma_start3A_112 : memref<1x128xf32, #tpu.memory_space<hbm>> -> memref<128xf32, #tpu.memory_space<hbm>>
        tpu.enqueue_dma source(%dma_start3A_113 : memref<128xf32, #tpu.memory_space<hbm>>) target(%arg9 : memref<128xf32, #tpu.memory_space<vmem>>) target_semaphore(%run_scoped3A : memref<!tpu.dma_semaphore, #tpu.memory_space<semaphore_mem>>)
        %dma_wait3A = tpu.memref_slice %arg3[%select_n3A, %mul3A_104] : memref<50x16384xf32, #tpu.memory_space<hbm>> -> memref<1x128xf32, #tpu.memory_space<hbm>>
        %dma_wait3A_114 = tpu.memref_squeeze %dma_wait3A : memref<1x128xf32, #tpu.memory_space<hbm>> -> memref<128xf32, #tpu.memory_space<hbm>>
        %dma_wait3A_115 = tpu.memref_slice %arg3[%select_n3A, %mul3A_104] : memref<50x16384xf32, #tpu.memory_space<hbm>> -> memref<1x128xf32, #tpu.memory_space<hbm>>
        %dma_wait3A_116 = tpu.memref_squeeze %dma_wait3A_115 : memref<1x128xf32, #tpu.memory_space<hbm>> -> memref<128xf32, #tpu.memory_space<hbm>>
        tpu.wait_dma2 semaphore(%run_scoped3A : memref<!tpu.dma_semaphore, #tpu.memory_space<semaphore_mem>>) src(%dma_wait3A_116 : memref<128xf32, #tpu.memory_space<hbm>>) dst(%arg9 : memref<128xf32, #tpu.memory_space<vmem>>)
        tpu.yield
      }) : () -> ()
      "tpu.region"() ({
        %run_scoped3A = tpu.sem_alloc : memref<!tpu.dma_semaphore, #tpu.memory_space<semaphore_mem>>
        %dma_start3A = tpu.memref_slice %arg4[%select_n3A, %mul3A_104] : memref<50x16384xi32, #tpu.memory_space<hbm>> -> memref<1x128xi32, #tpu.memory_space<hbm>>
        %dma_start3A_111 = tpu.memref_squeeze %dma_start3A : memref<1x128xi32, #tpu.memory_space<hbm>> -> memref<128xi32, #tpu.memory_space<hbm>>
        %dma_start3A_112 = tpu.memref_slice %arg4[%select_n3A, %mul3A_104] : memref<50x16384xi32, #tpu.memory_space<hbm>> -> memref<1x128xi32, #tpu.memory_space<hbm>>
        %dma_start3A_113 = tpu.memref_squeeze %dma_start3A_112 : memref<1x128xi32, #tpu.memory_space<hbm>> -> memref<128xi32, #tpu.memory_space<hbm>>
        tpu.enqueue_dma source(%dma_start3A_113 : memref<128xi32, #tpu.memory_space<hbm>>) target(%arg10 : memref<128xi32, #tpu.memory_space<vmem>>) target_semaphore(%run_scoped3A : memref<!tpu.dma_semaphore, #tpu.memory_space<semaphore_mem>>)
        %dma_wait3A = tpu.memref_slice %arg4[%select_n3A, %mul3A_104] : memref<50x16384xi32, #tpu.memory_space<hbm>> -> memref<1x128xi32, #tpu.memory_space<hbm>>
        %dma_wait3A_114 = tpu.memref_squeeze %dma_wait3A : memref<1x128xi32, #tpu.memory_space<hbm>> -> memref<128xi32, #tpu.memory_space<hbm>>
        %dma_wait3A_115 = tpu.memref_slice %arg4[%select_n3A, %mul3A_104] : memref<50x16384xi32, #tpu.memory_space<hbm>> -> memref<1x128xi32, #tpu.memory_space<hbm>>
        %dma_wait3A_116 = tpu.memref_squeeze %dma_wait3A_115 : memref<1x128xi32, #tpu.memory_space<hbm>> -> memref<128xi32, #tpu.memory_space<hbm>>
        tpu.wait_dma2 semaphore(%run_scoped3A : memref<!tpu.dma_semaphore, #tpu.memory_space<semaphore_mem>>) src(%dma_wait3A_116 : memref<128xi32, #tpu.memory_space<hbm>>) dst(%arg10 : memref<128xi32, #tpu.memory_space<vmem>>)
        tpu.yield
      }) : () -> ()
      %scan3A_105 = arith.constant 0 : i32
      %scan3A_106 = arith.constant 0 : i32
      %scan3A_107 = arith.constant 8 : i32
      %scan3A_108 = arith.addi %scan3A_106, %scan3A_107 : i32
      %scan3A_109 = arith.constant 1 : i32
      scf.for %scan3A_111 = %scan3A_106 to %scan3A_108 step %scan3A_109  : i32 {
        %mul3A_112 = arith.constant 16 : i32
        %mul3A_113 = arith.muli %scan3A_111, %mul3A_112 : i32
        %get3A_114 = arith.index_cast %mul3A_113 : i32 to index
        %get3A_115 = tpu.vector_load %arg8[%get3A_114] {strides = array<i32>} : memref<128xf32, #tpu.memory_space<vmem>>, vector<16xf32>,
        %get3A_116 = arith.index_cast %mul3A_113 : i32 to index
        %get3A_117 = tpu.vector_load %arg9[%get3A_116] {strides = array<i32>} : memref<128xf32, #tpu.memory_space<vmem>>, vector<16xf32>,
        %eq3A_118 = arith.cmpf oeq, %get3A_115, %get3A_115 : vector<16xf32>
        %eq3A_119 = arith.cmpf oeq, %get3A_117, %get3A_117 : vector<16xf32>
        %jit3A_120 = arith.constant 0.000000e+00 : f32
        %broadcast_in_dim3A = vector.broadcast %jit3A_120 : f32 to vector<16xf32>
        %select_n3A_121 = arith.select %eq3A_118, %get3A_115, %broadcast_in_dim3A : vector<16xi1>, vector<16xf32>
        %jit3A_122 = arith.constant 0.000000e+00 : f32
        %broadcast_in_dim3A_123 = vector.broadcast %jit3A_122 : f32 to vector<16xf32>
        %select_n3A_124 = arith.select %eq3A_119, %get3A_117, %broadcast_in_dim3A_123 : vector<16xi1>, vector<16xf32>
        %mul3A_125 = arith.mulf %select_n3A_121, %get3A_3 : vector<16xf32>
        %add3A_126 = arith.addf %mul3A_125, %get3A_35 : vector<16xf32>
        %max3A = arith.constant 0.000000e+00 : f32
        %max3A_127 = vector.broadcast %max3A : f32 to vector<16xf32>
        %max3A_128 = arith.maximumf %add3A_126, %max3A_127 : vector<16xf32>
        %jit3A_129 = arith.constant 0.000000e+00 : f32
        %broadcast_in_dim3A_130 = vector.broadcast %jit3A_129 : f32 to vector<16xf32>
        %select_n3A_131 = arith.select %eq3A_118, %max3A_128, %broadcast_in_dim3A_130 : vector<16xi1>, vector<16xf32>
        %swap3A = arith.constant 0 : i32
        %swap3A_132 = arith.index_cast %swap3A : i32 to index
        %swap3A_133 = arith.index_cast %mul3A_113 : i32 to index
        %swap3A_134 = tpu.vector_load %arg13[%swap3A_132, %swap3A_133] {strides = array<i32>} : memref<28x128xf32, #tpu.memory_space<vmem>>, vector<16xf32>,
        tpu.vector_store %arg13[%swap3A_132, %swap3A_133], %select_n3A_131 {strides = array<i32>} : memref<28x128xf32, #tpu.memory_space<vmem>>, vector<16xf32>,
        %mul3A_135 = arith.mulf %select_n3A_124, %get3A_3 : vector<16xf32>
        %add3A_136 = arith.addf %mul3A_135, %get3A_35 : vector<16xf32>
        %max3A_137 = arith.constant 0.000000e+00 : f32
        %max3A_138 = vector.broadcast %max3A_137 : f32 to vector<16xf32>
        %max3A_139 = arith.maximumf %add3A_136, %max3A_138 : vector<16xf32>
        %jit3A_140 = arith.constant 0.000000e+00 : f32
        %broadcast_in_dim3A_141 = vector.broadcast %jit3A_140 : f32 to vector<16xf32>
        %select_n3A_142 = arith.select %eq3A_119, %max3A_139, %broadcast_in_dim3A_141 : vector<16xi1>, vector<16xf32>
        %swap3A_143 = arith.constant 8 : i32
        %swap3A_144 = arith.index_cast %swap3A_143 : i32 to index
        %swap3A_145 = arith.index_cast %mul3A_113 : i32 to index
        %swap3A_146 = tpu.vector_load %arg13[%swap3A_144, %swap3A_145] {strides = array<i32>} : memref<28x128xf32, #tpu.memory_space<vmem>>, vector<16xf32>,
        tpu.vector_store %arg13[%swap3A_144, %swap3A_145], %select_n3A_142 {strides = array<i32>} : memref<28x128xf32, #tpu.memory_space<vmem>>, vector<16xf32>,
        %mul3A_147 = arith.mulf %select_n3A_121, %get3A_7 : vector<16xf32>
        %add3A_148 = arith.addf %mul3A_147, %get3A_39 : vector<16xf32>
        %max3A_149 = arith.constant 0.000000e+00 : f32
        %max3A_150 = vector.broadcast %max3A_149 : f32 to vector<16xf32>
        %max3A_151 = arith.maximumf %add3A_148, %max3A_150 : vector<16xf32>
        %jit3A_152 = arith.constant 0.000000e+00 : f32
        %broadcast_in_dim3A_153 = vector.broadcast %jit3A_152 : f32 to vector<16xf32>
        %select_n3A_154 = arith.select %eq3A_118, %max3A_151, %broadcast_in_dim3A_153 : vector<16xi1>, vector<16xf32>
        %swap3A_155 = arith.constant 1 : i32
        %swap3A_156 = arith.index_cast %swap3A_155 : i32 to index
        %swap3A_157 = arith.index_cast %mul3A_113 : i32 to index
        %swap3A_158 = tpu.vector_load %arg13[%swap3A_156, %swap3A_157] {strides = array<i32>} : memref<28x128xf32, #tpu.memory_space<vmem>>, vector<16xf32>,
        tpu.vector_store %arg13[%swap3A_156, %swap3A_157], %select_n3A_154 {strides = array<i32>} : memref<28x128xf32, #tpu.memory_space<vmem>>, vector<16xf32>,
        %mul3A_159 = arith.mulf %select_n3A_124, %get3A_7 : vector<16xf32>
        %add3A_160 = arith.addf %mul3A_159, %get3A_39 : vector<16xf32>
        %max3A_161 = arith.constant 0.000000e+00 : f32
        %max3A_162 = vector.broadcast %max3A_161 : f32 to vector<16xf32>
        %max3A_163 = arith.maximumf %add3A_160, %max3A_162 : vector<16xf32>
        %jit3A_164 = arith.constant 0.000000e+00 : f32
        %broadcast_in_dim3A_165 = vector.broadcast %jit3A_164 : f32 to vector<16xf32>
        %select_n3A_166 = arith.select %eq3A_119, %max3A_163, %broadcast_in_dim3A_165 : vector<16xi1>, vector<16xf32>
        %swap3A_167 = arith.constant 9 : i32
        %swap3A_168 = arith.index_cast %swap3A_167 : i32 to index
        %swap3A_169 = arith.index_cast %mul3A_113 : i32 to index
        %swap3A_170 = tpu.vector_load %arg13[%swap3A_168, %swap3A_169] {strides = array<i32>} : memref<28x128xf32, #tpu.memory_space<vmem>>, vector<16xf32>,
        tpu.vector_store %arg13[%swap3A_168, %swap3A_169], %select_n3A_166 {strides = array<i32>} : memref<28x128xf32, #tpu.memory_space<vmem>>, vector<16xf32>,
        %mul3A_171 = arith.mulf %select_n3A_121, %get3A_11 : vector<16xf32>
        %add3A_172 = arith.addf %mul3A_171, %get3A_43 : vector<16xf32>
        %max3A_173 = arith.constant 0.000000e+00 : f32
        %max3A_174 = vector.broadcast %max3A_173 : f32 to vector<16xf32>
        %max3A_175 = arith.maximumf %add3A_172, %max3A_174 : vector<16xf32>
        %jit3A_176 = arith.constant 0.000000e+00 : f32
        %broadcast_in_dim3A_177 = vector.broadcast %jit3A_176 : f32 to vector<16xf32>
        %select_n3A_178 = arith.select %eq3A_118, %max3A_175, %broadcast_in_dim3A_177 : vector<16xi1>, vector<16xf32>
        %swap3A_179 = arith.constant 2 : i32
        %swap3A_180 = arith.index_cast %swap3A_179 : i32 to index
        %swap3A_181 = arith.index_cast %mul3A_113 : i32 to index
        %swap3A_182 = tpu.vector_load %arg13[%swap3A_180, %swap3A_181] {strides = array<i32>} : memref<28x128xf32, #tpu.memory_space<vmem>>, vector<16xf32>,
        tpu.vector_store %arg13[%swap3A_180, %swap3A_181], %select_n3A_178 {strides = array<i32>} : memref<28x128xf32, #tpu.memory_space<vmem>>, vector<16xf32>,
        %mul3A_183 = arith.mulf %select_n3A_124, %get3A_11 : vector<16xf32>
        %add3A_184 = arith.addf %mul3A_183, %get3A_43 : vector<16xf32>
        %max3A_185 = arith.constant 0.000000e+00 : f32
        %max3A_186 = vector.broadcast %max3A_185 : f32 to vector<16xf32>
        %max3A_187 = arith.maximumf %add3A_184, %max3A_186 : vector<16xf32>
        %jit3A_188 = arith.constant 0.000000e+00 : f32
        %broadcast_in_dim3A_189 = vector.broadcast %jit3A_188 : f32 to vector<16xf32>
        %select_n3A_190 = arith.select %eq3A_119, %max3A_187, %broadcast_in_dim3A_189 : vector<16xi1>, vector<16xf32>
        %swap3A_191 = arith.constant 10 : i32
        %swap3A_192 = arith.index_cast %swap3A_191 : i32 to index
        %swap3A_193 = arith.index_cast %mul3A_113 : i32 to index
        %swap3A_194 = tpu.vector_load %arg13[%swap3A_192, %swap3A_193] {strides = array<i32>} : memref<28x128xf32, #tpu.memory_space<vmem>>, vector<16xf32>,
        tpu.vector_store %arg13[%swap3A_192, %swap3A_193], %select_n3A_190 {strides = array<i32>} : memref<28x128xf32, #tpu.memory_space<vmem>>, vector<16xf32>,
        %mul3A_195 = arith.mulf %select_n3A_121, %get3A_15 : vector<16xf32>
        %add3A_196 = arith.addf %mul3A_195, %get3A_47 : vector<16xf32>
        %max3A_197 = arith.constant 0.000000e+00 : f32
        %max3A_198 = vector.broadcast %max3A_197 : f32 to vector<16xf32>
        %max3A_199 = arith.maximumf %add3A_196, %max3A_198 : vector<16xf32>
        %jit3A_200 = arith.constant 0.000000e+00 : f32
        %broadcast_in_dim3A_201 = vector.broadcast %jit3A_200 : f32 to vector<16xf32>
        %select_n3A_202 = arith.select %eq3A_118, %max3A_199, %broadcast_in_dim3A_201 : vector<16xi1>, vector<16xf32>
        %swap3A_203 = arith.constant 3 : i32
        %swap3A_204 = arith.index_cast %swap3A_203 : i32 to index
        %swap3A_205 = arith.index_cast %mul3A_113 : i32 to index
        %swap3A_206 = tpu.vector_load %arg13[%swap3A_204, %swap3A_205] {strides = array<i32>} : memref<28x128xf32, #tpu.memory_space<vmem>>, vector<16xf32>,
        tpu.vector_store %arg13[%swap3A_204, %swap3A_205], %select_n3A_202 {strides = array<i32>} : memref<28x128xf32, #tpu.memory_space<vmem>>, vector<16xf32>,
        %mul3A_207 = arith.mulf %select_n3A_124, %get3A_15 : vector<16xf32>
        %add3A_208 = arith.addf %mul3A_207, %get3A_47 : vector<16xf32>
        %max3A_209 = arith.constant 0.000000e+00 : f32
        %max3A_210 = vector.broadcast %max3A_209 : f32 to vector<16xf32>
        %max3A_211 = arith.maximumf %add3A_208, %max3A_210 : vector<16xf32>
        %jit3A_212 = arith.constant 0.000000e+00 : f32
        %broadcast_in_dim3A_213 = vector.broadcast %jit3A_212 : f32 to vector<16xf32>
        %select_n3A_214 = arith.select %eq3A_119, %max3A_211, %broadcast_in_dim3A_213 : vector<16xi1>, vector<16xf32>
        %swap3A_215 = arith.constant 11 : i32
        %swap3A_216 = arith.index_cast %swap3A_215 : i32 to index
        %swap3A_217 = arith.index_cast %mul3A_113 : i32 to index
        %swap3A_218 = tpu.vector_load %arg13[%swap3A_216, %swap3A_217] {strides = array<i32>} : memref<28x128xf32, #tpu.memory_space<vmem>>, vector<16xf32>,
        tpu.vector_store %arg13[%swap3A_216, %swap3A_217], %select_n3A_214 {strides = array<i32>} : memref<28x128xf32, #tpu.memory_space<vmem>>, vector<16xf32>,
        %mul3A_219 = arith.mulf %select_n3A_121, %get3A_19 : vector<16xf32>
        %add3A_220 = arith.addf %mul3A_219, %get3A_51 : vector<16xf32>
        %max3A_221 = arith.constant 0.000000e+00 : f32
        %max3A_222 = vector.broadcast %max3A_221 : f32 to vector<16xf32>
        %max3A_223 = arith.maximumf %add3A_220, %max3A_222 : vector<16xf32>
        %jit3A_224 = arith.constant 0.000000e+00 : f32
        %broadcast_in_dim3A_225 = vector.broadcast %jit3A_224 : f32 to vector<16xf32>
        %select_n3A_226 = arith.select %eq3A_118, %max3A_223, %broadcast_in_dim3A_225 : vector<16xi1>, vector<16xf32>
        %swap3A_227 = arith.constant 4 : i32
        %swap3A_228 = arith.index_cast %swap3A_227 : i32 to index
        %swap3A_229 = arith.index_cast %mul3A_113 : i32 to index
        %swap3A_230 = tpu.vector_load %arg13[%swap3A_228, %swap3A_229] {strides = array<i32>} : memref<28x128xf32, #tpu.memory_space<vmem>>, vector<16xf32>,
        tpu.vector_store %arg13[%swap3A_228, %swap3A_229], %select_n3A_226 {strides = array<i32>} : memref<28x128xf32, #tpu.memory_space<vmem>>, vector<16xf32>,
        %mul3A_231 = arith.mulf %select_n3A_124, %get3A_19 : vector<16xf32>
        %add3A_232 = arith.addf %mul3A_231, %get3A_51 : vector<16xf32>
        %max3A_233 = arith.constant 0.000000e+00 : f32
        %max3A_234 = vector.broadcast %max3A_233 : f32 to vector<16xf32>
        %max3A_235 = arith.maximumf %add3A_232, %max3A_234 : vector<16xf32>
        %jit3A_236 = arith.constant 0.000000e+00 : f32
        %broadcast_in_dim3A_237 = vector.broadcast %jit3A_236 : f32 to vector<16xf32>
        %select_n3A_238 = arith.select %eq3A_119, %max3A_235, %broadcast_in_dim3A_237 : vector<16xi1>, vector<16xf32>
        %swap3A_239 = arith.constant 12 : i32
        %swap3A_240 = arith.index_cast %swap3A_239 : i32 to index
        %swap3A_241 = arith.index_cast %mul3A_113 : i32 to index
        %swap3A_242 = tpu.vector_load %arg13[%swap3A_240, %swap3A_241] {strides = array<i32>} : memref<28x128xf32, #tpu.memory_space<vmem>>, vector<16xf32>,
        tpu.vector_store %arg13[%swap3A_240, %swap3A_241], %select_n3A_238 {strides = array<i32>} : memref<28x128xf32, #tpu.memory_space<vmem>>, vector<16xf32>,
        %mul3A_243 = arith.mulf %select_n3A_121, %get3A_23 : vector<16xf32>
        %add3A_244 = arith.addf %mul3A_243, %get3A_55 : vector<16xf32>
        %max3A_245 = arith.constant 0.000000e+00 : f32
        %max3A_246 = vector.broadcast %max3A_245 : f32 to vector<16xf32>
        %max3A_247 = arith.maximumf %add3A_244, %max3A_246 : vector<16xf32>
        %jit3A_248 = arith.constant 0.000000e+00 : f32
        %broadcast_in_dim3A_249 = vector.broadcast %jit3A_248 : f32 to vector<16xf32>
        %select_n3A_250 = arith.select %eq3A_118, %max3A_247, %broadcast_in_dim3A_249 : vector<16xi1>, vector<16xf32>
        %swap3A_251 = arith.constant 5 : i32
        %swap3A_252 = arith.index_cast %swap3A_251 : i32 to index
        %swap3A_253 = arith.index_cast %mul3A_113 : i32 to index
        %swap3A_254 = tpu.vector_load %arg13[%swap3A_252, %swap3A_253] {strides = array<i32>} : memref<28x128xf32, #tpu.memory_space<vmem>>, vector<16xf32>,
        tpu.vector_store %arg13[%swap3A_252, %swap3A_253], %select_n3A_250 {strides = array<i32>} : memref<28x128xf32, #tpu.memory_space<vmem>>, vector<16xf32>,
        %mul3A_255 = arith.mulf %select_n3A_124, %get3A_23 : vector<16xf32>
        %add3A_256 = arith.addf %mul3A_255, %get3A_55 : vector<16xf32>
        %max3A_257 = arith.constant 0.000000e+00 : f32
        %max3A_258 = vector.broadcast %max3A_257 : f32 to vector<16xf32>
        %max3A_259 = arith.maximumf %add3A_256, %max3A_258 : vector<16xf32>
        %jit3A_260 = arith.constant 0.000000e+00 : f32
        %broadcast_in_dim3A_261 = vector.broadcast %jit3A_260 : f32 to vector<16xf32>
        %select_n3A_262 = arith.select %eq3A_119, %max3A_259, %broadcast_in_dim3A_261 : vector<16xi1>, vector<16xf32>
        %swap3A_263 = arith.constant 13 : i32
        %swap3A_264 = arith.index_cast %swap3A_263 : i32 to index
        %swap3A_265 = arith.index_cast %mul3A_113 : i32 to index
        %swap3A_266 = tpu.vector_load %arg13[%swap3A_264, %swap3A_265] {strides = array<i32>} : memref<28x128xf32, #tpu.memory_space<vmem>>, vector<16xf32>,
        tpu.vector_store %arg13[%swap3A_264, %swap3A_265], %select_n3A_262 {strides = array<i32>} : memref<28x128xf32, #tpu.memory_space<vmem>>, vector<16xf32>,
        %mul3A_267 = arith.mulf %select_n3A_121, %get3A_27 : vector<16xf32>
        %add3A_268 = arith.addf %mul3A_267, %get3A_59 : vector<16xf32>
        %max3A_269 = arith.constant 0.000000e+00 : f32
        %max3A_270 = vector.broadcast %max3A_269 : f32 to vector<16xf32>
        %max3A_271 = arith.maximumf %add3A_268, %max3A_270 : vector<16xf32>
        %jit3A_272 = arith.constant 0.000000e+00 : f32
        %broadcast_in_dim3A_273 = vector.broadcast %jit3A_272 : f32 to vector<16xf32>
        %select_n3A_274 = arith.select %eq3A_118, %max3A_271, %broadcast_in_dim3A_273 : vector<16xi1>, vector<16xf32>
        %swap3A_275 = arith.constant 6 : i32
        %swap3A_276 = arith.index_cast %swap3A_275 : i32 to index
        %swap3A_277 = arith.index_cast %mul3A_113 : i32 to index
        %swap3A_278 = tpu.vector_load %arg13[%swap3A_276, %swap3A_277] {strides = array<i32>} : memref<28x128xf32, #tpu.memory_space<vmem>>, vector<16xf32>,
        tpu.vector_store %arg13[%swap3A_276, %swap3A_277], %select_n3A_274 {strides = array<i32>} : memref<28x128xf32, #tpu.memory_space<vmem>>, vector<16xf32>,
        %mul3A_279 = arith.mulf %select_n3A_124, %get3A_27 : vector<16xf32>
        %add3A_280 = arith.addf %mul3A_279, %get3A_59 : vector<16xf32>
        %max3A_281 = arith.constant 0.000000e+00 : f32
        %max3A_282 = vector.broadcast %max3A_281 : f32 to vector<16xf32>
        %max3A_283 = arith.maximumf %add3A_280, %max3A_282 : vector<16xf32>
        %jit3A_284 = arith.constant 0.000000e+00 : f32
        %broadcast_in_dim3A_285 = vector.broadcast %jit3A_284 : f32 to vector<16xf32>
        %select_n3A_286 = arith.select %eq3A_119, %max3A_283, %broadcast_in_dim3A_285 : vector<16xi1>, vector<16xf32>
        %swap3A_287 = arith.constant 14 : i32
        %swap3A_288 = arith.index_cast %swap3A_287 : i32 to index
        %swap3A_289 = arith.index_cast %mul3A_113 : i32 to index
        %swap3A_290 = tpu.vector_load %arg13[%swap3A_288, %swap3A_289] {strides = array<i32>} : memref<28x128xf32, #tpu.memory_space<vmem>>, vector<16xf32>,
        tpu.vector_store %arg13[%swap3A_288, %swap3A_289], %select_n3A_286 {strides = array<i32>} : memref<28x128xf32, #tpu.memory_space<vmem>>, vector<16xf32>,
        %mul3A_291 = arith.mulf %select_n3A_121, %get3A_31 : vector<16xf32>
        %add3A_292 = arith.addf %mul3A_291, %get3A_63 : vector<16xf32>
        %max3A_293 = arith.constant 0.000000e+00 : f32
        %max3A_294 = vector.broadcast %max3A_293 : f32 to vector<16xf32>
        %max3A_295 = arith.maximumf %add3A_292, %max3A_294 : vector<16xf32>
        %jit3A_296 = arith.constant 0.000000e+00 : f32
        %broadcast_in_dim3A_297 = vector.broadcast %jit3A_296 : f32 to vector<16xf32>
        %select_n3A_298 = arith.select %eq3A_118, %max3A_295, %broadcast_in_dim3A_297 : vector<16xi1>, vector<16xf32>
        %swap3A_299 = arith.constant 7 : i32
        %swap3A_300 = arith.index_cast %swap3A_299 : i32 to index
        %swap3A_301 = arith.index_cast %mul3A_113 : i32 to index
        %swap3A_302 = tpu.vector_load %arg13[%swap3A_300, %swap3A_301] {strides = array<i32>} : memref<28x128xf32, #tpu.memory_space<vmem>>, vector<16xf32>,
        tpu.vector_store %arg13[%swap3A_300, %swap3A_301], %select_n3A_298 {strides = array<i32>} : memref<28x128xf32, #tpu.memory_space<vmem>>, vector<16xf32>,
        %mul3A_303 = arith.mulf %select_n3A_124, %get3A_31 : vector<16xf32>
        %add3A_304 = arith.addf %mul3A_303, %get3A_63 : vector<16xf32>
        %max3A_305 = arith.constant 0.000000e+00 : f32
        %max3A_306 = vector.broadcast %max3A_305 : f32 to vector<16xf32>
        %max3A_307 = arith.maximumf %add3A_304, %max3A_306 : vector<16xf32>
        %jit3A_308 = arith.constant 0.000000e+00 : f32
        %broadcast_in_dim3A_309 = vector.broadcast %jit3A_308 : f32 to vector<16xf32>
        %select_n3A_310 = arith.select %eq3A_119, %max3A_307, %broadcast_in_dim3A_309 : vector<16xi1>, vector<16xf32>
        %swap3A_311 = arith.constant 15 : i32
        %swap3A_312 = arith.index_cast %swap3A_311 : i32 to index
        %swap3A_313 = arith.index_cast %mul3A_113 : i32 to index
        %swap3A_314 = tpu.vector_load %arg13[%swap3A_312, %swap3A_313] {strides = array<i32>} : memref<28x128xf32, #tpu.memory_space<vmem>>, vector<16xf32>,
        tpu.vector_store %arg13[%swap3A_312, %swap3A_313], %select_n3A_310 {strides = array<i32>} : memref<28x128xf32, #tpu.memory_space<vmem>>, vector<16xf32>,
        %get3A_315 = arith.index_cast %mul3A_113 : i32 to index
        %get3A_316 = tpu.vector_load %arg10[%get3A_315] {strides = array<i32>} : memref<128xi32, #tpu.memory_space<vmem>>, vector<16xi32>,
        %broadcast_in_dim3A_317 = arith.constant 0 : i32
        %broadcast_in_dim3A_318 = vector.broadcast %broadcast_in_dim3A_317 : i32 to vector<16xi32>
        %gather3A = tpu.vector_load_idx %arg11[%broadcast_in_dim3A_318, %get3A_316] : memref<12x1001xf32, #tpu.memory_space<vmem>>[vector<16xi32>, vector<16xi32>], vector<16xf32>,
        %broadcast_in_dim3A_319 = arith.constant 1 : i32
        %broadcast_in_dim3A_320 = vector.broadcast %broadcast_in_dim3A_319 : i32 to vector<16xi32>
        %gather3A_321 = tpu.vector_load_idx %arg11[%broadcast_in_dim3A_320, %get3A_316] : memref<12x1001xf32, #tpu.memory_space<vmem>>[vector<16xi32>, vector<16xi32>], vector<16xf32>,
        %broadcast_in_dim3A_322 = arith.constant 2 : i32
        %broadcast_in_dim3A_323 = vector.broadcast %broadcast_in_dim3A_322 : i32 to vector<16xi32>
        %gather3A_324 = tpu.vector_load_idx %arg11[%broadcast_in_dim3A_323, %get3A_316] : memref<12x1001xf32, #tpu.memory_space<vmem>>[vector<16xi32>, vector<16xi32>], vector<16xf32>,
        %broadcast_in_dim3A_325 = arith.constant 3 : i32
        %broadcast_in_dim3A_326 = vector.broadcast %broadcast_in_dim3A_325 : i32 to vector<16xi32>
        %gather3A_327 = tpu.vector_load_idx %arg11[%broadcast_in_dim3A_326, %get3A_316] : memref<12x1001xf32, #tpu.memory_space<vmem>>[vector<16xi32>, vector<16xi32>], vector<16xf32>,
        %broadcast_in_dim3A_328 = arith.constant 4 : i32
        %broadcast_in_dim3A_329 = vector.broadcast %broadcast_in_dim3A_328 : i32 to vector<16xi32>
        %gather3A_330 = tpu.vector_load_idx %arg11[%broadcast_in_dim3A_329, %get3A_316] : memref<12x1001xf32, #tpu.memory_space<vmem>>[vector<16xi32>, vector<16xi32>], vector<16xf32>,
        %broadcast_in_dim3A_331 = arith.constant 5 : i32
        %broadcast_in_dim3A_332 = vector.broadcast %broadcast_in_dim3A_331 : i32 to vector<16xi32>
        %gather3A_333 = tpu.vector_load_idx %arg11[%broadcast_in_dim3A_332, %get3A_316] : memref<12x1001xf32, #tpu.memory_space<vmem>>[vector<16xi32>, vector<16xi32>], vector<16xf32>,
        %broadcast_in_dim3A_334 = arith.constant 6 : i32
        %broadcast_in_dim3A_335 = vector.broadcast %broadcast_in_dim3A_334 : i32 to vector<16xi32>
        %gather3A_336 = tpu.vector_load_idx %arg11[%broadcast_in_dim3A_335, %get3A_316] : memref<12x1001xf32, #tpu.memory_space<vmem>>[vector<16xi32>, vector<16xi32>], vector<16xf32>,
        %broadcast_in_dim3A_337 = arith.constant 7 : i32
        %broadcast_in_dim3A_338 = vector.broadcast %broadcast_in_dim3A_337 : i32 to vector<16xi32>
        %gather3A_339 = tpu.vector_load_idx %arg11[%broadcast_in_dim3A_338, %get3A_316] : memref<12x1001xf32, #tpu.memory_space<vmem>>[vector<16xi32>, vector<16xi32>], vector<16xf32>,
        %broadcast_in_dim3A_340 = arith.constant 8 : i32
        %broadcast_in_dim3A_341 = vector.broadcast %broadcast_in_dim3A_340 : i32 to vector<16xi32>
        %gather3A_342 = tpu.vector_load_idx %arg11[%broadcast_in_dim3A_341, %get3A_316] : memref<12x1001xf32, #tpu.memory_space<vmem>>[vector<16xi32>, vector<16xi32>], vector<16xf32>,
        %broadcast_in_dim3A_343 = arith.constant 9 : i32
        %broadcast_in_dim3A_344 = vector.broadcast %broadcast_in_dim3A_343 : i32 to vector<16xi32>
        %gather3A_345 = tpu.vector_load_idx %arg11[%broadcast_in_dim3A_344, %get3A_316] : memref<12x1001xf32, #tpu.memory_space<vmem>>[vector<16xi32>, vector<16xi32>], vector<16xf32>,
        %broadcast_in_dim3A_346 = arith.constant 10 : i32
        %broadcast_in_dim3A_347 = vector.broadcast %broadcast_in_dim3A_346 : i32 to vector<16xi32>
        %gather3A_348 = tpu.vector_load_idx %arg11[%broadcast_in_dim3A_347, %get3A_316] : memref<12x1001xf32, #tpu.memory_space<vmem>>[vector<16xi32>, vector<16xi32>], vector<16xf32>,
        %broadcast_in_dim3A_349 = arith.constant 11 : i32
        %broadcast_in_dim3A_350 = vector.broadcast %broadcast_in_dim3A_349 : i32 to vector<16xi32>
        %gather3A_351 = tpu.vector_load_idx %arg11[%broadcast_in_dim3A_350, %get3A_316] : memref<12x1001xf32, #tpu.memory_space<vmem>>[vector<16xi32>, vector<16xi32>], vector<16xf32>,
        %swap3A_352 = arith.constant 16 : i32
        %swap3A_353 = arith.index_cast %swap3A_352 : i32 to index
        %swap3A_354 = arith.index_cast %mul3A_113 : i32 to index
        %swap3A_355 = tpu.vector_load %arg13[%swap3A_353, %swap3A_354] {strides = array<i32>} : memref<28x128xf32, #tpu.memory_space<vmem>>, vector<16xf32>,
        tpu.vector_store %arg13[%swap3A_353, %swap3A_354], %gather3A {strides = array<i32>} : memref<28x128xf32, #tpu.memory_space<vmem>>, vector<16xf32>,
        %swap3A_356 = arith.constant 17 : i32
        %swap3A_357 = arith.index_cast %swap3A_356 : i32 to index
        %swap3A_358 = arith.index_cast %mul3A_113 : i32 to index
        %swap3A_359 = tpu.vector_load %arg13[%swap3A_357, %swap3A_358] {strides = array<i32>} : memref<28x128xf32, #tpu.memory_space<vmem>>, vector<16xf32>,
        tpu.vector_store %arg13[%swap3A_357, %swap3A_358], %gather3A_321 {strides = array<i32>} : memref<28x128xf32, #tpu.memory_space<vmem>>, vector<16xf32>,
        %swap3A_360 = arith.constant 18 : i32
        %swap3A_361 = arith.index_cast %swap3A_360 : i32 to index
        %swap3A_362 = arith.index_cast %mul3A_113 : i32 to index
        %swap3A_363 = tpu.vector_load %arg13[%swap3A_361, %swap3A_362] {strides = array<i32>} : memref<28x128xf32, #tpu.memory_space<vmem>>, vector<16xf32>,
        tpu.vector_store %arg13[%swap3A_361, %swap3A_362], %gather3A_324 {strides = array<i32>} : memref<28x128xf32, #tpu.memory_space<vmem>>, vector<16xf32>,
        %swap3A_364 = arith.constant 19 : i32
        %swap3A_365 = arith.index_cast %swap3A_364 : i32 to index
        %swap3A_366 = arith.index_cast %mul3A_113 : i32 to index
        %swap3A_367 = tpu.vector_load %arg13[%swap3A_365, %swap3A_366] {strides = array<i32>} : memref<28x128xf32, #tpu.memory_space<vmem>>, vector<16xf32>,
        tpu.vector_store %arg13[%swap3A_365, %swap3A_366], %gather3A_327 {strides = array<i32>} : memref<28x128xf32, #tpu.memory_space<vmem>>, vector<16xf32>,
        %swap3A_368 = arith.constant 20 : i32
        %swap3A_369 = arith.index_cast %swap3A_368 : i32 to index
        %swap3A_370 = arith.index_cast %mul3A_113 : i32 to index
        %swap3A_371 = tpu.vector_load %arg13[%swap3A_369, %swap3A_370] {strides = array<i32>} : memref<28x128xf32, #tpu.memory_space<vmem>>, vector<16xf32>,
        tpu.vector_store %arg13[%swap3A_369, %swap3A_370], %gather3A_330 {strides = array<i32>} : memref<28x128xf32, #tpu.memory_space<vmem>>, vector<16xf32>,
        %swap3A_372 = arith.constant 21 : i32
        %swap3A_373 = arith.index_cast %swap3A_372 : i32 to index
        %swap3A_374 = arith.index_cast %mul3A_113 : i32 to index
        %swap3A_375 = tpu.vector_load %arg13[%swap3A_373, %swap3A_374] {strides = array<i32>} : memref<28x128xf32, #tpu.memory_space<vmem>>, vector<16xf32>,
        tpu.vector_store %arg13[%swap3A_373, %swap3A_374], %gather3A_333 {strides = array<i32>} : memref<28x128xf32, #tpu.memory_space<vmem>>, vector<16xf32>,
        %swap3A_376 = arith.constant 22 : i32
        %swap3A_377 = arith.index_cast %swap3A_376 : i32 to index
        %swap3A_378 = arith.index_cast %mul3A_113 : i32 to index
        %swap3A_379 = tpu.vector_load %arg13[%swap3A_377, %swap3A_378] {strides = array<i32>} : memref<28x128xf32, #tpu.memory_space<vmem>>, vector<16xf32>,
        tpu.vector_store %arg13[%swap3A_377, %swap3A_378], %gather3A_336 {strides = array<i32>} : memref<28x128xf32, #tpu.memory_space<vmem>>, vector<16xf32>,
        %swap3A_380 = arith.constant 23 : i32
        %swap3A_381 = arith.index_cast %swap3A_380 : i32 to index
        %swap3A_382 = arith.index_cast %mul3A_113 : i32 to index
        %swap3A_383 = tpu.vector_load %arg13[%swap3A_381, %swap3A_382] {strides = array<i32>} : memref<28x128xf32, #tpu.memory_space<vmem>>, vector<16xf32>,
        tpu.vector_store %arg13[%swap3A_381, %swap3A_382], %gather3A_339 {strides = array<i32>} : memref<28x128xf32, #tpu.memory_space<vmem>>, vector<16xf32>,
        %swap3A_384 = arith.constant 24 : i32
        %swap3A_385 = arith.index_cast %swap3A_384 : i32 to index
        %swap3A_386 = arith.index_cast %mul3A_113 : i32 to index
        %swap3A_387 = tpu.vector_load %arg13[%swap3A_385, %swap3A_386] {strides = array<i32>} : memref<28x128xf32, #tpu.memory_space<vmem>>, vector<16xf32>,
        tpu.vector_store %arg13[%swap3A_385, %swap3A_386], %gather3A_342 {strides = array<i32>} : memref<28x128xf32, #tpu.memory_space<vmem>>, vector<16xf32>,
        %swap3A_388 = arith.constant 25 : i32
        %swap3A_389 = arith.index_cast %swap3A_388 : i32 to index
        %swap3A_390 = arith.index_cast %mul3A_113 : i32 to index
        %swap3A_391 = tpu.vector_load %arg13[%swap3A_389, %swap3A_390] {strides = array<i32>} : memref<28x128xf32, #tpu.memory_space<vmem>>, vector<16xf32>,
        tpu.vector_store %arg13[%swap3A_389, %swap3A_390], %gather3A_345 {strides = array<i32>} : memref<28x128xf32, #tpu.memory_space<vmem>>, vector<16xf32>,
        %swap3A_392 = arith.constant 26 : i32
        %swap3A_393 = arith.index_cast %swap3A_392 : i32 to index
        %swap3A_394 = arith.index_cast %mul3A_113 : i32 to index
        %swap3A_395 = tpu.vector_load %arg13[%swap3A_393, %swap3A_394] {strides = array<i32>} : memref<28x128xf32, #tpu.memory_space<vmem>>, vector<16xf32>,
        tpu.vector_store %arg13[%swap3A_393, %swap3A_394], %gather3A_348 {strides = array<i32>} : memref<28x128xf32, #tpu.memory_space<vmem>>, vector<16xf32>,
        %swap3A_396 = arith.constant 27 : i32
        %swap3A_397 = arith.index_cast %swap3A_396 : i32 to index
        %swap3A_398 = arith.index_cast %mul3A_113 : i32 to index
        %swap3A_399 = tpu.vector_load %arg13[%swap3A_397, %swap3A_398] {strides = array<i32>} : memref<28x128xf32, #tpu.memory_space<vmem>>, vector<16xf32>,
        tpu.vector_store %arg13[%swap3A_397, %swap3A_398], %gather3A_351 {strides = array<i32>} : memref<28x128xf32, #tpu.memory_space<vmem>>, vector<16xf32>,
      }
      %scan3A_110 = arith.constant 8 : i32
      "tpu.region"() ({
        %run_scoped3A = tpu.sem_alloc : memref<!tpu.dma_semaphore, #tpu.memory_space<semaphore_mem>>
        %dma_start3A = arith.constant 0 : i32
        %dma_start3A_111 = tpu.memref_slice %arg7[%select_n3A, %dma_start3A, %mul3A_104] : memref<50x28x16384xf32, #tpu.memory_space<hbm>> -> memref<1x28x128xf32, #tpu.memory_space<hbm>>
        %dma_start3A_112 = tpu.memref_squeeze %dma_start3A_111 : memref<1x28x128xf32, #tpu.memory_space<hbm>> -> memref<28x128xf32, #tpu.memory_space<hbm>>
        %dma_start3A_113 = arith.constant 0 : i32
        %dma_start3A_114 = tpu.memref_slice %arg7[%select_n3A, %dma_start3A_113, %mul3A_104] : memref<50x28x16384xf32, #tpu.memory_space<hbm>> -> memref<1x28x128xf32, #tpu.memory_space<hbm>>
        %dma_start3A_115 = tpu.memref_squeeze %dma_start3A_114 : memref<1x28x128xf32, #tpu.memory_space<hbm>> -> memref<28x128xf32, #tpu.memory_space<hbm>>
        tpu.enqueue_dma source(%arg13 : memref<28x128xf32, #tpu.memory_space<vmem>>) target(%dma_start3A_115 : memref<28x128xf32, #tpu.memory_space<hbm>>) target_semaphore(%run_scoped3A : memref<!tpu.dma_semaphore, #tpu.memory_space<semaphore_mem>>)
        %dma_wait3A = arith.constant 0 : i32
        %dma_wait3A_116 = tpu.memref_slice %arg7[%select_n3A, %dma_wait3A, %mul3A_104] : memref<50x28x16384xf32, #tpu.memory_space<hbm>> -> memref<1x28x128xf32, #tpu.memory_space<hbm>>
        %dma_wait3A_117 = tpu.memref_squeeze %dma_wait3A_116 : memref<1x28x128xf32, #tpu.memory_space<hbm>> -> memref<28x128xf32, #tpu.memory_space<hbm>>
        %dma_wait3A_118 = arith.constant 0 : i32
        %dma_wait3A_119 = tpu.memref_slice %arg7[%select_n3A, %dma_wait3A_118, %mul3A_104] : memref<50x28x16384xf32, #tpu.memory_space<hbm>> -> memref<1x28x128xf32, #tpu.memory_space<hbm>>
        %dma_wait3A_120 = tpu.memref_squeeze %dma_wait3A_119 : memref<1x28x128xf32, #tpu.memory_space<hbm>> -> memref<28x128xf32, #tpu.memory_space<hbm>>
        tpu.wait_dma2 semaphore(%run_scoped3A : memref<!tpu.dma_semaphore, #tpu.memory_space<semaphore_mem>>) src(%arg13 : memref<28x128xf32, #tpu.memory_space<vmem>>) dst(%dma_wait3A_120 : memref<28x128xf32, #tpu.memory_space<hbm>>)
        tpu.yield
      }) : () -> ()
    }
    %scan3A_68 = arith.constant 200 : i32
    return
  }
}

#map = affine_map<(d0, d1) -> (0, 0)>
#map1 = affine_map<(d0, d1) -> (0, 0, 0)>
module attributes {stable_mosaic.version = 14 : i64} {
  func.func @_enc_item(%arg0: i32, %arg1: i32, %arg2: memref<50x16384xi32, #tpu.memory_space<hbm>>, %arg3: memref<503808x128xf32, #tpu.memory_space<hbm>>, %arg4: memref<50x28x16384xf32, #tpu.memory_space<hbm>>, %arg5: memref<50x78x16384xf32, #tpu.memory_space<hbm>>, %arg6: memref<128xi32, #tpu.memory_space<vmem>>, %arg7: memref<128xi32, #tpu.memory_space<vmem>>, %arg8: memref<128xi32, #tpu.memory_space<vmem>>, %arg9: memref<128xi32, #tpu.memory_space<vmem>>, %arg10: memref<128x128xf32, #tpu.memory_space<vmem>>, %arg11: memref<128x128xf32, #tpu.memory_space<vmem>>, %arg12: memref<78x128xf32, #tpu.memory_space<vmem>>, %arg13: memref<78x128xf32, #tpu.memory_space<vmem>>, %arg14: memref<!tpu.dma_semaphore, #tpu.memory_space<semaphore_mem>>, %arg15: memref<!tpu.dma_semaphore, #tpu.memory_space<semaphore_mem>>, %arg16: memref<!tpu.dma_semaphore, #tpu.memory_space<semaphore_mem>>, %arg17: memref<!tpu.dma_semaphore, #tpu.memory_space<semaphore_mem>>, %arg18: memref<!tpu.dma_semaphore, #tpu.memory_space<semaphore_mem>>, %arg19: memref<!tpu.dma_semaphore, #tpu.memory_space<semaphore_mem>>) attributes {dimension_semantics = [#tpu.dimension_semantics<core_parallel>, #tpu.dimension_semantics<subcore_parallel>], iteration_bounds = array<i64: 2, 16>, scalar_prefetch = 0 : i64, scratch_operands = 14 : i64, tpu.core_type = #tpu.core_type<sc_vector_subcore>, window_params = [{transform_indices = #map}, {transform_indices = #map}, {transform_indices = #map1}, {transform_indices = #map1}]} {
    %mul3A = arith.constant 2 : i32
    %mul3A_0 = arith.muli %arg1, %mul3A : i32
    %add3A = arith.addi %mul3A_0, %arg0 : i32
    %add3A_1 = arith.constant 0 : i32
    %add3A_2 = arith.addi %add3A_1, %add3A : i32
    %jit3A = arith.constant 128 : i32
    %div3A = arith.divsi %add3A_2, %jit3A : i32
    %sign3A = arith.constant 0 : i32
    %sign3A_3 = arith.cmpi sgt, %add3A_2, %sign3A : i32
    %sign3A_4 = arith.extui %sign3A_3 : i1 to i32
    %sign3A_5 = arith.constant 0 : i32
    %sign3A_6 = arith.cmpi slt, %add3A_2, %sign3A_5 : i32
    %sign3A_7 = arith.extui %sign3A_6 : i1 to i32
    %sign3A_8 = arith.subi %sign3A_4, %sign3A_7 : i32
    %sign3A_9 = arith.constant 0 : i32
    %sign3A_10 = arith.cmpi sgt, %jit3A, %sign3A_9 : i32
    %sign3A_11 = arith.extui %sign3A_10 : i1 to i32
    %sign3A_12 = arith.constant 0 : i32
    %sign3A_13 = arith.cmpi slt, %jit3A, %sign3A_12 : i32
    %sign3A_14 = arith.extui %sign3A_13 : i1 to i32
    %sign3A_15 = arith.subi %sign3A_11, %sign3A_14 : i32
    %ne3A = arith.cmpi ne, %sign3A_8, %sign3A_15 : i32
    %rem3A = arith.remsi %add3A_2, %jit3A : i32
    %ne3A_16 = arith.constant 0 : i32
    %ne3A_17 = arith.cmpi ne, %rem3A, %ne3A_16 : i32
    %and3A = arith.andi %ne3A, %ne3A_17 : i1
    %sub3A = arith.constant 1 : i32
    %sub3A_18 = arith.subi %div3A, %sub3A : i32
    %select_n3A = arith.select %and3A, %sub3A_18, %div3A : i32
    %jit3A_19 = arith.constant 128 : i32
    %eq3A = arith.constant 0 : i32
    %eq3A_20 = arith.cmpi eq, %jit3A_19, %eq3A : i32
    %jit3A_21 = arith.constant 1 : i32
    %select_n3A_22 = arith.select %eq3A_20, %jit3A_21, %jit3A_19 : i32
    %rem3A_23 = arith.remsi %add3A_2, %select_n3A_22 : i32
    %ne3A_24 = arith.constant 0 : i32
    %ne3A_25 = arith.cmpi ne, %rem3A_23, %ne3A_24 : i32
    %lt3A = arith.constant 0 : i32
    %lt3A_26 = arith.cmpi slt, %rem3A_23, %lt3A : i32
    %lt3A_27 = arith.constant 0 : i32
    %lt3A_28 = arith.cmpi slt, %select_n3A_22, %lt3A_27 : i32
    %ne3A_29 = arith.xori %lt3A_26, %lt3A_28 : i1
    %and3A_30 = arith.andi %ne3A_29, %ne3A_25 : i1
    %add3A_31 = arith.addi %rem3A_23, %select_n3A_22 : i32
    %select_n3A_32 = arith.select %and3A_30, %add3A_31, %rem3A_23 : i32
    %mul3A_33 = arith.constant 128 : i32
    %mul3A_34 = arith.muli %select_n3A_32, %mul3A_33 : i32
    "tpu.region"() ({
      %run_scoped3A = tpu.sem_alloc : memref<!tpu.dma_semaphore, #tpu.memory_space<semaphore_mem>>
      %dma_start3A_164 = tpu.memref_slice %arg2[%select_n3A, %mul3A_34] : memref<50x16384xi32, #tpu.memory_space<hbm>> -> memref<1x128xi32, #tpu.memory_space<hbm>>
      %dma_start3A_165 = tpu.memref_squeeze %dma_start3A_164 : memref<1x128xi32, #tpu.memory_space<hbm>> -> memref<128xi32, #tpu.memory_space<hbm>>
      %dma_start3A_166 = tpu.memref_slice %arg2[%select_n3A, %mul3A_34] : memref<50x16384xi32, #tpu.memory_space<hbm>> -> memref<1x128xi32, #tpu.memory_space<hbm>>
      %dma_start3A_167 = tpu.memref_squeeze %dma_start3A_166 : memref<1x128xi32, #tpu.memory_space<hbm>> -> memref<128xi32, #tpu.memory_space<hbm>>
      tpu.enqueue_dma source(%dma_start3A_167 : memref<128xi32, #tpu.memory_space<hbm>>) target(%arg6 : memref<128xi32, #tpu.memory_space<vmem>>) target_semaphore(%run_scoped3A : memref<!tpu.dma_semaphore, #tpu.memory_space<semaphore_mem>>)
      %dma_wait3A = tpu.memref_slice %arg2[%select_n3A, %mul3A_34] : memref<50x16384xi32, #tpu.memory_space<hbm>> -> memref<1x128xi32, #tpu.memory_space<hbm>>
      %dma_wait3A_168 = tpu.memref_squeeze %dma_wait3A : memref<1x128xi32, #tpu.memory_space<hbm>> -> memref<128xi32, #tpu.memory_space<hbm>>
      %dma_wait3A_169 = tpu.memref_slice %arg2[%select_n3A, %mul3A_34] : memref<50x16384xi32, #tpu.memory_space<hbm>> -> memref<1x128xi32, #tpu.memory_space<hbm>>
      %dma_wait3A_170 = tpu.memref_squeeze %dma_wait3A_169 : memref<1x128xi32, #tpu.memory_space<hbm>> -> memref<128xi32, #tpu.memory_space<hbm>>
      tpu.wait_dma2 semaphore(%run_scoped3A : memref<!tpu.dma_semaphore, #tpu.memory_space<semaphore_mem>>) src(%dma_wait3A_170 : memref<128xi32, #tpu.memory_space<hbm>>) dst(%arg6 : memref<128xi32, #tpu.memory_space<vmem>>)
      tpu.yield
    }) : () -> ()
    %scan3A = arith.constant 0 : i32
    %scan3A_35 = arith.constant 0 : i32
    %scan3A_36 = arith.constant 8 : i32
    %scan3A_37 = arith.addi %scan3A_35, %scan3A_36 : i32
    %scan3A_38 = arith.constant 1 : i32
    scf.for %scan3A_164 = %scan3A_35 to %scan3A_37 step %scan3A_38  : i32 {
      %mul3A_165 = arith.constant 16 : i32
      %mul3A_166 = arith.muli %scan3A_164, %mul3A_165 : i32
      %get3A = arith.index_cast %mul3A_166 : i32 to index
      %get3A_167 = tpu.vector_load %arg6[%get3A] {strides = array<i32>} : memref<128xi32, #tpu.memory_space<vmem>>, vector<16xi32>,
      %ge3A = arith.constant 503808 : i32
      %ge3A_168 = vector.broadcast %ge3A : i32 to vector<16xi32>
      %ge3A_169 = arith.cmpi sge, %get3A_167, %ge3A_168 : vector<16xi32>
      %jit3A_170 = arith.constant 503808 : i32
      %jit3A_171 = arith.constant 0 : i32
      %broadcast_in_dim3A = vector.broadcast %jit3A_170 : i32 to vector<16xi32>
      %broadcast_in_dim3A_172 = vector.broadcast %jit3A_171 : i32 to vector<16xi32>
      %select_n3A_173 = arith.select %ge3A_169, %broadcast_in_dim3A, %broadcast_in_dim3A_172 : vector<16xi1>, vector<16xi32>
      %sub3A_174 = arith.subi %get3A_167, %select_n3A_173 : vector<16xi32>
      %swap3A = arith.index_cast %mul3A_166 : i32 to index
      %swap3A_175 = tpu.vector_load %arg8[%swap3A] {strides = array<i32>} : memref<128xi32, #tpu.memory_space<vmem>>, vector<16xi32>,
      tpu.vector_store %arg8[%swap3A], %sub3A_174 {strides = array<i32>} : memref<128xi32, #tpu.memory_space<vmem>>, vector<16xi32>,
    }
    %scan3A_39 = arith.constant 8 : i32
    %dma_start3A = arith.constant 0 : i32
    %dma_start3A_40 = arith.constant 0 : i32
    %dma_start3A_41 = tpu.memref_slice %arg3[%dma_start3A, %dma_start3A_40] : memref<503808x128xf32, #tpu.memory_space<hbm>> -> memref<503808x128xf32, #tpu.memory_space<hbm>>
    tpu.enqueue_indirect_dma source(%dma_start3A_41 : memref<503808x128xf32, #tpu.memory_space<hbm>>) target(%arg10 : memref<128x128xf32, #tpu.memory_space<vmem>>) offsets(%arg8 : memref<128xi32, #tpu.memory_space<vmem>>) semaphore(%arg16 : memref<!tpu.dma_semaphore, #tpu.memory_space<semaphore_mem>>)
    %add3A_42 = arith.constant 0 : i32
    %add3A_43 = arith.addi %add3A_42, %add3A : i32
    %jit3A_44 = arith.constant 128 : i32
    %div3A_45 = arith.divsi %add3A_43, %jit3A_44 : i32
    %sign3A_46 = arith.constant 0 : i32
    %sign3A_47 = arith.cmpi sgt, %add3A_43, %sign3A_46 : i32
    %sign3A_48 = arith.extui %sign3A_47 : i1 to i32
    %sign3A_49 = arith.constant 0 : i32
    %sign3A_50 = arith.cmpi slt, %add3A_43, %sign3A_49 : i32
    %sign3A_51 = arith.extui %sign3A_50 : i1 to i32
    %sign3A_52 = arith.subi %sign3A_48, %sign3A_51 : i32
    %sign3A_53 = arith.constant 0 : i32
    %sign3A_54 = arith.cmpi sgt, %jit3A_44, %sign3A_53 : i32
    %sign3A_55 = arith.extui %sign3A_54 : i1 to i32
    %sign3A_56 = arith.constant 0 : i32
    %sign3A_57 = arith.cmpi slt, %jit3A_44, %sign3A_56 : i32
    %sign3A_58 = arith.extui %sign3A_57 : i1 to i32
    %sign3A_59 = arith.subi %sign3A_55, %sign3A_58 : i32
    %ne3A_60 = arith.cmpi ne, %sign3A_52, %sign3A_59 : i32
    %rem3A_61 = arith.remsi %add3A_43, %jit3A_44 : i32
    %ne3A_62 = arith.constant 0 : i32
    %ne3A_63 = arith.cmpi ne, %rem3A_61, %ne3A_62 : i32
    %and3A_64 = arith.andi %ne3A_60, %ne3A_63 : i1
    %sub3A_65 = arith.constant 1 : i32
    %sub3A_66 = arith.subi %div3A_45, %sub3A_65 : i32
    %select_n3A_67 = arith.select %and3A_64, %sub3A_66, %div3A_45 : i32
    %jit3A_68 = arith.constant 128 : i32
    %eq3A_69 = arith.constant 0 : i32
    %eq3A_70 = arith.cmpi eq, %jit3A_68, %eq3A_69 : i32
    %jit3A_71 = arith.constant 1 : i32
    %select_n3A_72 = arith.select %eq3A_70, %jit3A_71, %jit3A_68 : i32
    %rem3A_73 = arith.remsi %add3A_43, %select_n3A_72 : i32
    %ne3A_74 = arith.constant 0 : i32
    %ne3A_75 = arith.cmpi ne, %rem3A_73, %ne3A_74 : i32
    %lt3A_76 = arith.constant 0 : i32
    %lt3A_77 = arith.cmpi slt, %rem3A_73, %lt3A_76 : i32
    %lt3A_78 = arith.constant 0 : i32
    %lt3A_79 = arith.cmpi slt, %select_n3A_72, %lt3A_78 : i32
    %ne3A_80 = arith.xori %lt3A_77, %lt3A_79 : i1
    %and3A_81 = arith.andi %ne3A_80, %ne3A_75 : i1
    %add3A_82 = arith.addi %rem3A_73, %select_n3A_72 : i32
    %select_n3A_83 = arith.select %and3A_81, %add3A_82, %rem3A_73 : i32
    %mul3A_84 = arith.constant 128 : i32
    %mul3A_85 = arith.muli %select_n3A_83, %mul3A_84 : i32
    %dma_start3A_86 = arith.constant 0 : i32
    %dma_start3A_87 = arith.constant 0 : i32
    %dma_start3A_88 = tpu.memref_slice %arg12[%dma_start3A_86, %dma_start3A_87] : memref<78x128xf32, #tpu.memory_space<vmem>> -> memref<16x128xf32, #tpu.memory_space<vmem>>
    %dma_start3A_89 = arith.constant 0 : i32
    %dma_start3A_90 = tpu.memref_slice %arg4[%select_n3A_67, %dma_start3A_89, %mul3A_85] : memref<50x28x16384xf32, #tpu.memory_space<hbm>> -> memref<1x16x128xf32, #tpu.memory_space<hbm>>
    %dma_start3A_91 = tpu.memref_squeeze %dma_start3A_90 : memref<1x16x128xf32, #tpu.memory_space<hbm>> -> memref<16x128xf32, #tpu.memory_space<hbm>>
    %dma_start3A_92 = arith.constant 0 : i32
    %dma_start3A_93 = arith.constant 0 : i32
    %dma_start3A_94 = tpu.memref_slice %arg12[%dma_start3A_92, %dma_start3A_93] : memref<78x128xf32, #tpu.memory_space<vmem>> -> memref<16x128xf32, #tpu.memory_space<vmem>>
    %dma_start3A_95 = arith.constant 0 : i32
    %dma_start3A_96 = tpu.memref_slice %arg4[%select_n3A_67, %dma_start3A_95, %mul3A_85] : memref<50x28x16384xf32, #tpu.memory_space<hbm>> -> memref<1x16x128xf32, #tpu.memory_space<hbm>>
    %dma_start3A_97 = tpu.memref_squeeze %dma_start3A_96 : memref<1x16x128xf32, #tpu.memory_space<hbm>> -> memref<16x128xf32, #tpu.memory_space<hbm>>
    tpu.enqueue_dma source(%dma_start3A_97 : memref<16x128xf32, #tpu.memory_space<hbm>>) target(%dma_start3A_94 : memref<16x128xf32, #tpu.memory_space<vmem>>) target_semaphore(%arg18 : memref<!tpu.dma_semaphore, #tpu.memory_space<semaphore_mem>>)
    %dma_start3A_98 = arith.constant 66 : i32
    %dma_start3A_99 = arith.constant 0 : i32
    %dma_start3A_100 = tpu.memref_slice %arg12[%dma_start3A_98, %dma_start3A_99] : memref<78x128xf32, #tpu.memory_space<vmem>> -> memref<12x128xf32, #tpu.memory_space<vmem>>
    %dma_start3A_101 = arith.constant 16 : i32
    %dma_start3A_102 = tpu.memref_slice %arg4[%select_n3A_67, %dma_start3A_101, %mul3A_85] : memref<50x28x16384xf32, #tpu.memory_space<hbm>> -> memref<1x12x128xf32, #tpu.memory_space<hbm>>
    %dma_start3A_103 = tpu.memref_squeeze %dma_start3A_102 : memref<1x12x128xf32, #tpu.memory_space<hbm>> -> memref<12x128xf32, #tpu.memory_space<hbm>>
    %dma_start3A_104 = arith.constant 66 : i32
    %dma_start3A_105 = arith.constant 0 : i32
    %dma_start3A_106 = tpu.memref_slice %arg12[%dma_start3A_104, %dma_start3A_105] : memref<78x128xf32, #tpu.memory_space<vmem>> -> memref<12x128xf32, #tpu.memory_space<vmem>>
    %dma_start3A_107 = arith.constant 16 : i32
    %dma_start3A_108 = tpu.memref_slice %arg4[%select_n3A_67, %dma_start3A_107, %mul3A_85] : memref<50x28x16384xf32, #tpu.memory_space<hbm>> -> memref<1x12x128xf32, #tpu.memory_space<hbm>>
    %dma_start3A_109 = tpu.memref_squeeze %dma_start3A_108 : memref<1x12x128xf32, #tpu.memory_space<hbm>> -> memref<12x128xf32, #tpu.memory_space<hbm>>
    tpu.enqueue_dma source(%dma_start3A_109 : memref<12x128xf32, #tpu.memory_space<hbm>>) target(%dma_start3A_106 : memref<12x128xf32, #tpu.memory_space<vmem>>) target_semaphore(%arg18 : memref<!tpu.dma_semaphore, #tpu.memory_space<semaphore_mem>>)
    %add3A_110 = arith.constant 32 : i32
    %add3A_111 = arith.addi %add3A_110, %add3A : i32
    %jit3A_112 = arith.constant 128 : i32
    %div3A_113 = arith.divsi %add3A_111, %jit3A_112 : i32
    %sign3A_114 = arith.constant 0 : i32
    %sign3A_115 = arith.cmpi sgt, %add3A_111, %sign3A_114 : i32
    %sign3A_116 = arith.extui %sign3A_115 : i1 to i32
    %sign3A_117 = arith.constant 0 : i32
    %sign3A_118 = arith.cmpi slt, %add3A_111, %sign3A_117 : i32
    %sign3A_119 = arith.extui %sign3A_118 : i1 to i32
    %sign3A_120 = arith.subi %sign3A_116, %sign3A_119 : i32
    %sign3A_121 = arith.constant 0 : i32
    %sign3A_122 = arith.cmpi sgt, %jit3A_112, %sign3A_121 : i32
    %sign3A_123 = arith.extui %sign3A_122 : i1 to i32
    %sign3A_124 = arith.constant 0 : i32
    %sign3A_125 = arith.cmpi slt, %jit3A_112, %sign3A_124 : i32
    %sign3A_126 = arith.extui %sign3A_125 : i1 to i32
    %sign3A_127 = arith.subi %sign3A_123, %sign3A_126 : i32
    %ne3A_128 = arith.cmpi ne, %sign3A_120, %sign3A_127 : i32
    %rem3A_129 = arith.remsi %add3A_111, %jit3A_112 : i32
    %ne3A_130 = arith.constant 0 : i32
    %ne3A_131 = arith.cmpi ne, %rem3A_129, %ne3A_130 : i32
    %and3A_132 = arith.andi %ne3A_128, %ne3A_131 : i1
    %sub3A_133 = arith.constant 1 : i32
    %sub3A_134 = arith.subi %div3A_113, %sub3A_133 : i32
    %select_n3A_135 = arith.select %and3A_132, %sub3A_134, %div3A_113 : i32
    %jit3A_136 = arith.constant 128 : i32
    %eq3A_137 = arith.constant 0 : i32
    %eq3A_138 = arith.cmpi eq, %jit3A_136, %eq3A_137 : i32
    %jit3A_139 = arith.constant 1 : i32
    %select_n3A_140 = arith.select %eq3A_138, %jit3A_139, %jit3A_136 : i32
    %rem3A_141 = arith.remsi %add3A_111, %select_n3A_140 : i32
    %ne3A_142 = arith.constant 0 : i32
    %ne3A_143 = arith.cmpi ne, %rem3A_141, %ne3A_142 : i32
    %lt3A_144 = arith.constant 0 : i32
    %lt3A_145 = arith.cmpi slt, %rem3A_141, %lt3A_144 : i32
    %lt3A_146 = arith.constant 0 : i32
    %lt3A_147 = arith.cmpi slt, %select_n3A_140, %lt3A_146 : i32
    %ne3A_148 = arith.xori %lt3A_145, %lt3A_147 : i1
    %and3A_149 = arith.andi %ne3A_148, %ne3A_143 : i1
    %add3A_150 = arith.addi %rem3A_141, %select_n3A_140 : i32
    %select_n3A_151 = arith.select %and3A_149, %add3A_150, %rem3A_141 : i32
    %mul3A_152 = arith.constant 128 : i32
    %mul3A_153 = arith.muli %select_n3A_151, %mul3A_152 : i32
    %dma_start3A_154 = tpu.memref_slice %arg2[%select_n3A_135, %mul3A_153] : memref<50x16384xi32, #tpu.memory_space<hbm>> -> memref<1x128xi32, #tpu.memory_space<hbm>>
    %dma_start3A_155 = tpu.memref_squeeze %dma_start3A_154 : memref<1x128xi32, #tpu.memory_space<hbm>> -> memref<128xi32, #tpu.memory_space<hbm>>
    %dma_start3A_156 = tpu.memref_slice %arg2[%select_n3A_135, %mul3A_153] : memref<50x16384xi32, #tpu.memory_space<hbm>> -> memref<1x128xi32, #tpu.memory_space<hbm>>
    %dma_start3A_157 = tpu.memref_squeeze %dma_start3A_156 : memref<1x128xi32, #tpu.memory_space<hbm>> -> memref<128xi32, #tpu.memory_space<hbm>>
    tpu.enqueue_dma source(%dma_start3A_157 : memref<128xi32, #tpu.memory_space<hbm>>) target(%arg7 : memref<128xi32, #tpu.memory_space<vmem>>) target_semaphore(%arg15 : memref<!tpu.dma_semaphore, #tpu.memory_space<semaphore_mem>>)
    %scan3A_158 = arith.constant 0 : i32
    %scan3A_159 = arith.constant 0 : i32
    %scan3A_160 = arith.constant 100 : i32
    %scan3A_161 = arith.addi %scan3A_159, %scan3A_160 : i32
    %scan3A_162 = arith.constant 1 : i32
    scf.for %scan3A_164 = %scan3A_159 to %scan3A_161 step %scan3A_162  : i32 {
      %mul3A_165 = arith.constant 2 : i32
      %mul3A_166 = arith.muli %mul3A_165, %scan3A_164 : i32
      %add3A_167 = arith.constant 1 : i32
      %add3A_168 = arith.addi %mul3A_166, %add3A_167 : i32
      %mul3A_169 = arith.constant 32 : i32
      %mul3A_170 = arith.muli %add3A_168, %mul3A_169 : i32
      %add3A_171 = arith.addi %mul3A_170, %add3A : i32
      %jit3A_172 = arith.constant 128 : i32
      %div3A_173 = arith.divsi %add3A_171, %jit3A_172 : i32
      %sign3A_174 = arith.constant 0 : i32
      %sign3A_175 = arith.cmpi sgt, %add3A_171, %sign3A_174 : i32
      %sign3A_176 = arith.extui %sign3A_175 : i1 to i32
      %sign3A_177 = arith.constant 0 : i32
      %sign3A_178 = arith.cmpi slt, %add3A_171, %sign3A_177 : i32
      %sign3A_179 = arith.extui %sign3A_178 : i1 to i32
      %sign3A_180 = arith.subi %sign3A_176, %sign3A_179 : i32
      %sign3A_181 = arith.constant 0 : i32
      %sign3A_182 = arith.cmpi sgt, %jit3A_172, %sign3A_181 : i32
      %sign3A_183 = arith.extui %sign3A_182 : i1 to i32
      %sign3A_184 = arith.constant 0 : i32
      %sign3A_185 = arith.cmpi slt, %jit3A_172, %sign3A_184 : i32
      %sign3A_186 = arith.extui %sign3A_185 : i1 to i32
      %sign3A_187 = arith.subi %sign3A_183, %sign3A_186 : i32
      %ne3A_188 = arith.cmpi ne, %sign3A_180, %sign3A_187 : i32
      %rem3A_189 = arith.remsi %add3A_171, %jit3A_172 : i32
      %ne3A_190 = arith.constant 0 : i32
      %ne3A_191 = arith.cmpi ne, %rem3A_189, %ne3A_190 : i32
      %and3A_192 = arith.andi %ne3A_188, %ne3A_191 : i1
      %sub3A_193 = arith.constant 1 : i32
      %sub3A_194 = arith.subi %div3A_173, %sub3A_193 : i32
      %select_n3A_195 = arith.select %and3A_192, %sub3A_194, %div3A_173 : i32
      %jit3A_196 = arith.constant 128 : i32
      %eq3A_197 = arith.constant 0 : i32
      %eq3A_198 = arith.cmpi eq, %jit3A_196, %eq3A_197 : i32
      %jit3A_199 = arith.constant 1 : i32
      %select_n3A_200 = arith.select %eq3A_198, %jit3A_199, %jit3A_196 : i32
      %rem3A_201 = arith.remsi %add3A_171, %select_n3A_200 : i32
      %ne3A_202 = arith.constant 0 : i32
      %ne3A_203 = arith.cmpi ne, %rem3A_201, %ne3A_202 : i32
      %lt3A_204 = arith.constant 0 : i32
      %lt3A_205 = arith.cmpi slt, %rem3A_201, %lt3A_204 : i32
      %lt3A_206 = arith.constant 0 : i32
      %lt3A_207 = arith.cmpi slt, %select_n3A_200, %lt3A_206 : i32
      %ne3A_208 = arith.xori %lt3A_205, %lt3A_207 : i1
      %and3A_209 = arith.andi %ne3A_208, %ne3A_203 : i1
      %add3A_210 = arith.addi %rem3A_201, %select_n3A_200 : i32
      %select_n3A_211 = arith.select %and3A_209, %add3A_210, %rem3A_201 : i32
      %mul3A_212 = arith.constant 128 : i32
      %mul3A_213 = arith.muli %select_n3A_211, %mul3A_212 : i32
      %dma_wait3A = tpu.memref_slice %arg2[%select_n3A_195, %mul3A_213] : memref<50x16384xi32, #tpu.memory_space<hbm>> -> memref<1x128xi32, #tpu.memory_space<hbm>>
      %dma_wait3A_214 = tpu.memref_squeeze %dma_wait3A : memref<1x128xi32, #tpu.memory_space<hbm>> -> memref<128xi32, #tpu.memory_space<hbm>>
      %dma_wait3A_215 = tpu.memref_slice %arg2[%select_n3A_195, %mul3A_213] : memref<50x16384xi32, #tpu.memory_space<hbm>> -> memref<1x128xi32, #tpu.memory_space<hbm>>
      %dma_wait3A_216 = tpu.memref_squeeze %dma_wait3A_215 : memref<1x128xi32, #tpu.memory_space<hbm>> -> memref<128xi32, #tpu.memory_space<hbm>>
      tpu.wait_dma2 semaphore(%arg15 : memref<!tpu.dma_semaphore, #tpu.memory_space<semaphore_mem>>) src(%dma_wait3A_216 : memref<128xi32, #tpu.memory_space<hbm>>) dst(%arg7 : memref<128xi32, #tpu.memory_space<vmem>>)
      %scan3A_217 = arith.constant 0 : i32
      %scan3A_218 = arith.constant 0 : i32
      %scan3A_219 = arith.constant 8 : i32
      %scan3A_220 = arith.addi %scan3A_218, %scan3A_219 : i32
      %scan3A_221 = arith.constant 1 : i32
      scf.for %scan3A_560 = %scan3A_218 to %scan3A_220 step %scan3A_221  : i32 {
        %mul3A_561 = arith.constant 16 : i32
        %mul3A_562 = arith.muli %scan3A_560, %mul3A_561 : i32
        %get3A = arith.index_cast %mul3A_562 : i32 to index
        %get3A_563 = tpu.vector_load %arg7[%get3A] {strides = array<i32>} : memref<128xi32, #tpu.memory_space<vmem>>, vector<16xi32>,
        %ge3A = arith.constant 503808 : i32
        %ge3A_564 = vector.broadcast %ge3A : i32 to vector<16xi32>
        %ge3A_565 = arith.cmpi sge, %get3A_563, %ge3A_564 : vector<16xi32>
        %jit3A_566 = arith.constant 503808 : i32
        %jit3A_567 = arith.constant 0 : i32
        %broadcast_in_dim3A = vector.broadcast %jit3A_566 : i32 to vector<16xi32>
        %broadcast_in_dim3A_568 = vector.broadcast %jit3A_567 : i32 to vector<16xi32>
        %select_n3A_569 = arith.select %ge3A_565, %broadcast_in_dim3A, %broadcast_in_dim3A_568 : vector<16xi1>, vector<16xi32>
        %sub3A_570 = arith.subi %get3A_563, %select_n3A_569 : vector<16xi32>
        %swap3A = arith.index_cast %mul3A_562 : i32 to index
        %swap3A_571 = tpu.vector_load %arg9[%swap3A] {strides = array<i32>} : memref<128xi32, #tpu.memory_space<vmem>>, vector<16xi32>,
        tpu.vector_store %arg9[%swap3A], %sub3A_570 {strides = array<i32>} : memref<128xi32, #tpu.memory_space<vmem>>, vector<16xi32>,
      }
      %scan3A_222 = arith.constant 8 : i32
      %dma_start3A_223 = arith.constant 0 : i32
      %dma_start3A_224 = arith.constant 0 : i32
      %dma_start3A_225 = tpu.memref_slice %arg3[%dma_start3A_223, %dma_start3A_224] : memref<503808x128xf32, #tpu.memory_space<hbm>> -> memref<503808x128xf32, #tpu.memory_space<hbm>>
      tpu.enqueue_indirect_dma source(%dma_start3A_225 : memref<503808x128xf32, #tpu.memory_space<hbm>>) target(%arg11 : memref<128x128xf32, #tpu.memory_space<vmem>>) offsets(%arg9 : memref<128xi32, #tpu.memory_space<vmem>>) semaphore(%arg17 : memref<!tpu.dma_semaphore, #tpu.memory_space<semaphore_mem>>)
      %mul3A_226 = arith.constant 32 : i32
      %mul3A_227 = arith.muli %add3A_168, %mul3A_226 : i32
      %add3A_228 = arith.addi %mul3A_227, %add3A : i32
      %jit3A_229 = arith.constant 128 : i32
      %div3A_230 = arith.divsi %add3A_228, %jit3A_229 : i32
      %sign3A_231 = arith.constant 0 : i32
      %sign3A_232 = arith.cmpi sgt, %add3A_228, %sign3A_231 : i32
      %sign3A_233 = arith.extui %sign3A_232 : i1 to i32
      %sign3A_234 = arith.constant 0 : i32
      %sign3A_235 = arith.cmpi slt, %add3A_228, %sign3A_234 : i32
      %sign3A_236 = arith.extui %sign3A_235 : i1 to i32
      %sign3A_237 = arith.subi %sign3A_233, %sign3A_236 : i32
      %sign3A_238 = arith.constant 0 : i32
      %sign3A_239 = arith.cmpi sgt, %jit3A_229, %sign3A_238 : i32
      %sign3A_240 = arith.extui %sign3A_239 : i1 to i32
      %sign3A_241 = arith.constant 0 : i32
      %sign3A_242 = arith.cmpi slt, %jit3A_229, %sign3A_241 : i32
      %sign3A_243 = arith.extui %sign3A_242 : i1 to i32
      %sign3A_244 = arith.subi %sign3A_240, %sign3A_243 : i32
      %ne3A_245 = arith.cmpi ne, %sign3A_237, %sign3A_244 : i32
      %rem3A_246 = arith.remsi %add3A_228, %jit3A_229 : i32
      %ne3A_247 = arith.constant 0 : i32
      %ne3A_248 = arith.cmpi ne, %rem3A_246, %ne3A_247 : i32
      %and3A_249 = arith.andi %ne3A_245, %ne3A_248 : i1
      %sub3A_250 = arith.constant 1 : i32
      %sub3A_251 = arith.subi %div3A_230, %sub3A_250 : i32
      %select_n3A_252 = arith.select %and3A_249, %sub3A_251, %div3A_230 : i32
      %jit3A_253 = arith.constant 128 : i32
      %eq3A_254 = arith.constant 0 : i32
      %eq3A_255 = arith.cmpi eq, %jit3A_253, %eq3A_254 : i32
      %jit3A_256 = arith.constant 1 : i32
      %select_n3A_257 = arith.select %eq3A_255, %jit3A_256, %jit3A_253 : i32
      %rem3A_258 = arith.remsi %add3A_228, %select_n3A_257 : i32
      %ne3A_259 = arith.constant 0 : i32
      %ne3A_260 = arith.cmpi ne, %rem3A_258, %ne3A_259 : i32
      %lt3A_261 = arith.constant 0 : i32
      %lt3A_262 = arith.cmpi slt, %rem3A_258, %lt3A_261 : i32
      %lt3A_263 = arith.constant 0 : i32
      %lt3A_264 = arith.cmpi slt, %select_n3A_257, %lt3A_263 : i32
      %ne3A_265 = arith.xori %lt3A_262, %lt3A_264 : i1
      %and3A_266 = arith.andi %ne3A_265, %ne3A_260 : i1
      %add3A_267 = arith.addi %rem3A_258, %select_n3A_257 : i32
      %select_n3A_268 = arith.select %and3A_266, %add3A_267, %rem3A_258 : i32
      %mul3A_269 = arith.constant 128 : i32
      %mul3A_270 = arith.muli %select_n3A_268, %mul3A_269 : i32
      %dma_start3A_271 = arith.constant 0 : i32
      %dma_start3A_272 = arith.constant 0 : i32
      %dma_start3A_273 = tpu.memref_slice %arg13[%dma_start3A_271, %dma_start3A_272] : memref<78x128xf32, #tpu.memory_space<vmem>> -> memref<16x128xf32, #tpu.memory_space<vmem>>
      %dma_start3A_274 = arith.constant 0 : i32
      %dma_start3A_275 = tpu.memref_slice %arg4[%select_n3A_252, %dma_start3A_274, %mul3A_270] : memref<50x28x16384xf32, #tpu.memory_space<hbm>> -> memref<1x16x128xf32, #tpu.memory_space<hbm>>
      %dma_start3A_276 = tpu.memref_squeeze %dma_start3A_275 : memref<1x16x128xf32, #tpu.memory_space<hbm>> -> memref<16x128xf32, #tpu.memory_space<hbm>>
      %dma_start3A_277 = arith.constant 0 : i32
      %dma_start3A_278 = arith.constant 0 : i32
      %dma_start3A_279 = tpu.memref_slice %arg13[%dma_start3A_277, %dma_start3A_278] : memref<78x128xf32, #tpu.memory_space<vmem>> -> memref<16x128xf32, #tpu.memory_space<vmem>>
      %dma_start3A_280 = arith.constant 0 : i32
      %dma_start3A_281 = tpu.memref_slice %arg4[%select_n3A_252, %dma_start3A_280, %mul3A_270] : memref<50x28x16384xf32, #tpu.memory_space<hbm>> -> memref<1x16x128xf32, #tpu.memory_space<hbm>>
      %dma_start3A_282 = tpu.memref_squeeze %dma_start3A_281 : memref<1x16x128xf32, #tpu.memory_space<hbm>> -> memref<16x128xf32, #tpu.memory_space<hbm>>
      tpu.enqueue_dma source(%dma_start3A_282 : memref<16x128xf32, #tpu.memory_space<hbm>>) target(%dma_start3A_279 : memref<16x128xf32, #tpu.memory_space<vmem>>) target_semaphore(%arg19 : memref<!tpu.dma_semaphore, #tpu.memory_space<semaphore_mem>>)
      %dma_start3A_283 = arith.constant 66 : i32
      %dma_start3A_284 = arith.constant 0 : i32
      %dma_start3A_285 = tpu.memref_slice %arg13[%dma_start3A_283, %dma_start3A_284] : memref<78x128xf32, #tpu.memory_space<vmem>> -> memref<12x128xf32, #tpu.memory_space<vmem>>
      %dma_start3A_286 = arith.constant 16 : i32
      %dma_start3A_287 = tpu.memref_slice %arg4[%select_n3A_252, %dma_start3A_286, %mul3A_270] : memref<50x28x16384xf32, #tpu.memory_space<hbm>> -> memref<1x12x128xf32, #tpu.memory_space<hbm>>
      %dma_start3A_288 = tpu.memref_squeeze %dma_start3A_287 : memref<1x12x128xf32, #tpu.memory_space<hbm>> -> memref<12x128xf32, #tpu.memory_space<hbm>>
      %dma_start3A_289 = arith.constant 66 : i32
      %dma_start3A_290 = arith.constant 0 : i32
      %dma_start3A_291 = tpu.memref_slice %arg13[%dma_start3A_289, %dma_start3A_290] : memref<78x128xf32, #tpu.memory_space<vmem>> -> memref<12x128xf32, #tpu.memory_space<vmem>>
      %dma_start3A_292 = arith.constant 16 : i32
      %dma_start3A_293 = tpu.memref_slice %arg4[%select_n3A_252, %dma_start3A_292, %mul3A_270] : memref<50x28x16384xf32, #tpu.memory_space<hbm>> -> memref<1x12x128xf32, #tpu.memory_space<hbm>>
      %dma_start3A_294 = tpu.memref_squeeze %dma_start3A_293 : memref<1x12x128xf32, #tpu.memory_space<hbm>> -> memref<12x128xf32, #tpu.memory_space<hbm>>
      tpu.enqueue_dma source(%dma_start3A_294 : memref<12x128xf32, #tpu.memory_space<hbm>>) target(%dma_start3A_291 : memref<12x128xf32, #tpu.memory_space<vmem>>) target_semaphore(%arg19 : memref<!tpu.dma_semaphore, #tpu.memory_space<semaphore_mem>>)
      %mul3A_295 = arith.constant 32 : i32
      %mul3A_296 = arith.muli %mul3A_166, %mul3A_295 : i32
      %add3A_297 = arith.addi %mul3A_296, %add3A : i32
      %jit3A_298 = arith.constant 128 : i32
      %div3A_299 = arith.divsi %add3A_297, %jit3A_298 : i32
      %sign3A_300 = arith.constant 0 : i32
      %sign3A_301 = arith.cmpi sgt, %add3A_297, %sign3A_300 : i32
      %sign3A_302 = arith.extui %sign3A_301 : i1 to i32
      %sign3A_303 = arith.constant 0 : i32
      %sign3A_304 = arith.cmpi slt, %add3A_297, %sign3A_303 : i32
      %sign3A_305 = arith.extui %sign3A_304 : i1 to i32
      %sign3A_306 = arith.subi %sign3A_302, %sign3A_305 : i32
      %sign3A_307 = arith.constant 0 : i32
      %sign3A_308 = arith.cmpi sgt, %jit3A_298, %sign3A_307 : i32
      %sign3A_309 = arith.extui %sign3A_308 : i1 to i32
      %sign3A_310 = arith.constant 0 : i32
      %sign3A_311 = arith.cmpi slt, %jit3A_298, %sign3A_310 : i32
      %sign3A_312 = arith.extui %sign3A_311 : i1 to i32
      %sign3A_313 = arith.subi %sign3A_309, %sign3A_312 : i32
      %ne3A_314 = arith.cmpi ne, %sign3A_306, %sign3A_313 : i32
      %rem3A_315 = arith.remsi %add3A_297, %jit3A_298 : i32
      %ne3A_316 = arith.constant 0 : i32
      %ne3A_317 = arith.cmpi ne, %rem3A_315, %ne3A_316 : i32
      %and3A_318 = arith.andi %ne3A_314, %ne3A_317 : i1
      %sub3A_319 = arith.constant 1 : i32
      %sub3A_320 = arith.subi %div3A_299, %sub3A_319 : i32
      %select_n3A_321 = arith.select %and3A_318, %sub3A_320, %div3A_299 : i32
      %jit3A_322 = arith.constant 128 : i32
      %eq3A_323 = arith.constant 0 : i32
      %eq3A_324 = arith.cmpi eq, %jit3A_322, %eq3A_323 : i32
      %jit3A_325 = arith.constant 1 : i32
      %select_n3A_326 = arith.select %eq3A_324, %jit3A_325, %jit3A_322 : i32
      %rem3A_327 = arith.remsi %add3A_297, %select_n3A_326 : i32
      %ne3A_328 = arith.constant 0 : i32
      %ne3A_329 = arith.cmpi ne, %rem3A_327, %ne3A_328 : i32
      %lt3A_330 = arith.constant 0 : i32
      %lt3A_331 = arith.cmpi slt, %rem3A_327, %lt3A_330 : i32
      %lt3A_332 = arith.constant 0 : i32
      %lt3A_333 = arith.cmpi slt, %select_n3A_326, %lt3A_332 : i32
      %ne3A_334 = arith.xori %lt3A_331, %lt3A_333 : i1
      %and3A_335 = arith.andi %ne3A_334, %ne3A_329 : i1
      %add3A_336 = arith.addi %rem3A_327, %select_n3A_326 : i32
      %select_n3A_337 = arith.select %and3A_335, %add3A_336, %rem3A_327 : i32
      %mul3A_338 = arith.constant 128 : i32
      %mul3A_339 = arith.muli %select_n3A_337, %mul3A_338 : i32
      %mul3A_340 = arith.constant 32 : i32
      %mul3A_341 = arith.muli %mul3A_166, %mul3A_340 : i32
      %add3A_342 = arith.addi %mul3A_341, %add3A : i32
      %jit3A_343 = arith.constant 128 : i32
      %div3A_344 = arith.divsi %add3A_342, %jit3A_343 : i32
      %sign3A_345 = arith.constant 0 : i32
      %sign3A_346 = arith.cmpi sgt, %add3A_342, %sign3A_345 : i32
      %sign3A_347 = arith.extui %sign3A_346 : i1 to i32
      %sign3A_348 = arith.constant 0 : i32
      %sign3A_349 = arith.cmpi slt, %add3A_342, %sign3A_348 : i32
      %sign3A_350 = arith.extui %sign3A_349 : i1 to i32
      %sign3A_351 = arith.subi %sign3A_347, %sign3A_350 : i32
      %sign3A_352 = arith.constant 0 : i32
      %sign3A_353 = arith.cmpi sgt, %jit3A_343, %sign3A_352 : i32
      %sign3A_354 = arith.extui %sign3A_353 : i1 to i32
      %sign3A_355 = arith.constant 0 : i32
      %sign3A_356 = arith.cmpi slt, %jit3A_343, %sign3A_355 : i32
      %sign3A_357 = arith.extui %sign3A_356 : i1 to i32
      %sign3A_358 = arith.subi %sign3A_354, %sign3A_357 : i32
      %ne3A_359 = arith.cmpi ne, %sign3A_351, %sign3A_358 : i32
      %rem3A_360 = arith.remsi %add3A_342, %jit3A_343 : i32
      %ne3A_361 = arith.constant 0 : i32
      %ne3A_362 = arith.cmpi ne, %rem3A_360, %ne3A_361 : i32
      %and3A_363 = arith.andi %ne3A_359, %ne3A_362 : i1
      %sub3A_364 = arith.constant 1 : i32
      %sub3A_365 = arith.subi %div3A_344, %sub3A_364 : i32
      %select_n3A_366 = arith.select %and3A_363, %sub3A_365, %div3A_344 : i32
      %jit3A_367 = arith.constant 128 : i32
      %eq3A_368 = arith.constant 0 : i32
      %eq3A_369 = arith.cmpi eq, %jit3A_367, %eq3A_368 : i32
      %jit3A_370 = arith.constant 1 : i32
      %select_n3A_371 = arith.select %eq3A_369, %jit3A_370, %jit3A_367 : i32
      %rem3A_372 = arith.remsi %add3A_342, %select_n3A_371 : i32
      %ne3A_373 = arith.constant 0 : i32
      %ne3A_374 = arith.cmpi ne, %rem3A_372, %ne3A_373 : i32
      %lt3A_375 = arith.constant 0 : i32
      %lt3A_376 = arith.cmpi slt, %rem3A_372, %lt3A_375 : i32
      %lt3A_377 = arith.constant 0 : i32
      %lt3A_378 = arith.cmpi slt, %select_n3A_371, %lt3A_377 : i32
      %ne3A_379 = arith.xori %lt3A_376, %lt3A_378 : i1
      %and3A_380 = arith.andi %ne3A_379, %ne3A_374 : i1
      %add3A_381 = arith.addi %rem3A_372, %select_n3A_371 : i32
      %select_n3A_382 = arith.select %and3A_380, %add3A_381, %rem3A_372 : i32
      %mul3A_383 = arith.constant 128 : i32
      %mul3A_384 = arith.muli %select_n3A_382, %mul3A_383 : i32
      %dma_wait3A_385 = arith.constant 0 : i32
      %dma_wait3A_386 = arith.constant 0 : i32
      %dma_wait3A_387 = tpu.memref_slice %arg12[%dma_wait3A_385, %dma_wait3A_386] : memref<78x128xf32, #tpu.memory_space<vmem>> -> memref<16x128xf32, #tpu.memory_space<vmem>>
      %dma_wait3A_388 = arith.constant 0 : i32
      %dma_wait3A_389 = tpu.memref_slice %arg4[%select_n3A_366, %dma_wait3A_388, %mul3A_384] : memref<50x28x16384xf32, #tpu.memory_space<hbm>> -> memref<1x16x128xf32, #tpu.memory_space<hbm>>
      %dma_wait3A_390 = tpu.memref_squeeze %dma_wait3A_389 : memref<1x16x128xf32, #tpu.memory_space<hbm>> -> memref<16x128xf32, #tpu.memory_space<hbm>>
      %dma_wait3A_391 = arith.constant 0 : i32
      %dma_wait3A_392 = arith.constant 0 : i32
      %dma_wait3A_393 = tpu.memref_slice %arg12[%dma_wait3A_391, %dma_wait3A_392] : memref<78x128xf32, #tpu.memory_space<vmem>> -> memref<16x128xf32, #tpu.memory_space<vmem>>
      %dma_wait3A_394 = arith.constant 0 : i32
      %dma_wait3A_395 = tpu.memref_slice %arg4[%select_n3A_366, %dma_wait3A_394, %mul3A_384] : memref<50x28x16384xf32, #tpu.memory_space<hbm>> -> memref<1x16x128xf32, #tpu.memory_space<hbm>>
      %dma_wait3A_396 = tpu.memref_squeeze %dma_wait3A_395 : memref<1x16x128xf32, #tpu.memory_space<hbm>> -> memref<16x128xf32, #tpu.memory_space<hbm>>
      tpu.wait_dma2 semaphore(%arg18 : memref<!tpu.dma_semaphore, #tpu.memory_space<semaphore_mem>>) src(%dma_wait3A_396 : memref<16x128xf32, #tpu.memory_space<hbm>>) dst(%dma_wait3A_393 : memref<16x128xf32, #tpu.memory_space<vmem>>)
      %dma_wait3A_397 = arith.constant 66 : i32
      %dma_wait3A_398 = arith.constant 0 : i32
      %dma_wait3A_399 = tpu.memref_slice %arg12[%dma_wait3A_397, %dma_wait3A_398] : memref<78x128xf32, #tpu.memory_space<vmem>> -> memref<12x128xf32, #tpu.memory_space<vmem>>
      %dma_wait3A_400 = arith.constant 16 : i32
      %dma_wait3A_401 = tpu.memref_slice %arg4[%select_n3A_366, %dma_wait3A_400, %mul3A_384] : memref<50x28x16384xf32, #tpu.memory_space<hbm>> -> memref<1x12x128xf32, #tpu.memory_space<hbm>>
      %dma_wait3A_402 = tpu.memref_squeeze %dma_wait3A_401 : memref<1x12x128xf32, #tpu.memory_space<hbm>> -> memref<12x128xf32, #tpu.memory_space<hbm>>
      %dma_wait3A_403 = arith.constant 66 : i32
      %dma_wait3A_404 = arith.constant 0 : i32
      %dma_wait3A_405 = tpu.memref_slice %arg12[%dma_wait3A_403, %dma_wait3A_404] : memref<78x128xf32, #tpu.memory_space<vmem>> -> memref<12x128xf32, #tpu.memory_space<vmem>>
      %dma_wait3A_406 = arith.constant 16 : i32
      %dma_wait3A_407 = tpu.memref_slice %arg4[%select_n3A_366, %dma_wait3A_406, %mul3A_384] : memref<50x28x16384xf32, #tpu.memory_space<hbm>> -> memref<1x12x128xf32, #tpu.memory_space<hbm>>
      %dma_wait3A_408 = tpu.memref_squeeze %dma_wait3A_407 : memref<1x12x128xf32, #tpu.memory_space<hbm>> -> memref<12x128xf32, #tpu.memory_space<hbm>>
      tpu.wait_dma2 semaphore(%arg18 : memref<!tpu.dma_semaphore, #tpu.memory_space<semaphore_mem>>) src(%dma_wait3A_408 : memref<12x128xf32, #tpu.memory_space<hbm>>) dst(%dma_wait3A_405 : memref<12x128xf32, #tpu.memory_space<vmem>>)
      %dma_wait3A_409 = arith.constant 0 : i32
      %dma_wait3A_410 = arith.constant 0 : i32
      %dma_wait3A_411 = tpu.memref_slice %arg3[%dma_wait3A_409, %dma_wait3A_410] : memref<503808x128xf32, #tpu.memory_space<hbm>> -> memref<503808x128xf32, #tpu.memory_space<hbm>>
      tpu.wait_indirect_dma semaphore(%arg16 : memref<!tpu.dma_semaphore, #tpu.memory_space<semaphore_mem>>) src(%dma_wait3A_411 : memref<503808x128xf32, #tpu.memory_space<hbm>>) dst(%arg10 : memref<128x128xf32, #tpu.memory_space<vmem>>)
      %scan3A_412 = arith.constant 0 : i32
      %scan3A_413 = arith.constant 0 : i32
      %scan3A_414 = arith.constant 8 : i32
      %scan3A_415 = arith.addi %scan3A_413, %scan3A_414 : i32
      %scan3A_416 = arith.constant 1 : i32
      scf.for %scan3A_560 = %scan3A_413 to %scan3A_415 step %scan3A_416  : i32 {
        %mul3A_561 = arith.constant 16 : i32
        %mul3A_562 = arith.muli %scan3A_560, %mul3A_561 : i32
        %iota3A = tpu.iota {dimensions = array<i32: 0>} : vector<16xi32>
        %add3A_563 = vector.broadcast %mul3A_562 : i32 to vector<16xi32>
        %add3A_564 = arith.addi %iota3A, %add3A_563 : vector<16xi32>
        %get3A = arith.index_cast %mul3A_562 : i32 to index
        %get3A_565 = tpu.vector_load %arg6[%get3A] {strides = array<i32>} : memref<128xi32, #tpu.memory_space<vmem>>, vector<16xi32>,
        %ge3A = arith.constant 503808 : i32
        %ge3A_566 = vector.broadcast %ge3A : i32 to vector<16xi32>
        %ge3A_567 = arith.cmpi sge, %get3A_565, %ge3A_566 : vector<16xi32>
        %jit3A_568 = arith.constant 64 : i32
        %jit3A_569 = arith.constant 0 : i32
        %broadcast_in_dim3A = vector.broadcast %jit3A_568 : i32 to vector<16xi32>
        %broadcast_in_dim3A_570 = vector.broadcast %jit3A_569 : i32 to vector<16xi32>
        %select_n3A_571 = arith.select %ge3A_567, %broadcast_in_dim3A, %broadcast_in_dim3A_570 : vector<16xi1>, vector<16xi32>
        %add3A_572 = arith.constant 0 : i32
        %add3A_573 = vector.broadcast %add3A_572 : i32 to vector<16xi32>
        %add3A_574 = arith.addi %select_n3A_571, %add3A_573 : vector<16xi32>
        %gather3A = tpu.vector_load_idx %arg10[%add3A_564, %add3A_574] : memref<128x128xf32, #tpu.memory_space<vmem>>[vector<16xi32>, vector<16xi32>], vector<16xf32>,
        %add3A_575 = arith.constant 1 : i32
        %add3A_576 = vector.broadcast %add3A_575 : i32 to vector<16xi32>
        %add3A_577 = arith.addi %select_n3A_571, %add3A_576 : vector<16xi32>
        %gather3A_578 = tpu.vector_load_idx %arg10[%add3A_564, %add3A_577] : memref<128x128xf32, #tpu.memory_space<vmem>>[vector<16xi32>, vector<16xi32>], vector<16xf32>,
        %add3A_579 = arith.constant 2 : i32
        %add3A_580 = vector.broadcast %add3A_579 : i32 to vector<16xi32>
        %add3A_581 = arith.addi %select_n3A_571, %add3A_580 : vector<16xi32>
        %gather3A_582 = tpu.vector_load_idx %arg10[%add3A_564, %add3A_581] : memref<128x128xf32, #tpu.memory_space<vmem>>[vector<16xi32>, vector<16xi32>], vector<16xf32>,
        %add3A_583 = arith.constant 3 : i32
        %add3A_584 = vector.broadcast %add3A_583 : i32 to vector<16xi32>
        %add3A_585 = arith.addi %select_n3A_571, %add3A_584 : vector<16xi32>
        %gather3A_586 = tpu.vector_load_idx %arg10[%add3A_564, %add3A_585] : memref<128x128xf32, #tpu.memory_space<vmem>>[vector<16xi32>, vector<16xi32>], vector<16xf32>,
        %add3A_587 = arith.constant 4 : i32
        %add3A_588 = vector.broadcast %add3A_587 : i32 to vector<16xi32>
        %add3A_589 = arith.addi %select_n3A_571, %add3A_588 : vector<16xi32>
        %gather3A_590 = tpu.vector_load_idx %arg10[%add3A_564, %add3A_589] : memref<128x128xf32, #tpu.memory_space<vmem>>[vector<16xi32>, vector<16xi32>], vector<16xf32>,
        %add3A_591 = arith.constant 5 : i32
        %add3A_592 = vector.broadcast %add3A_591 : i32 to vector<16xi32>
        %add3A_593 = arith.addi %select_n3A_571, %add3A_592 : vector<16xi32>
        %gather3A_594 = tpu.vector_load_idx %arg10[%add3A_564, %add3A_593] : memref<128x128xf32, #tpu.memory_space<vmem>>[vector<16xi32>, vector<16xi32>], vector<16xf32>,
        %add3A_595 = arith.constant 6 : i32
        %add3A_596 = vector.broadcast %add3A_595 : i32 to vector<16xi32>
        %add3A_597 = arith.addi %select_n3A_571, %add3A_596 : vector<16xi32>
        %gather3A_598 = tpu.vector_load_idx %arg10[%add3A_564, %add3A_597] : memref<128x128xf32, #tpu.memory_space<vmem>>[vector<16xi32>, vector<16xi32>], vector<16xf32>,
        %add3A_599 = arith.constant 7 : i32
        %add3A_600 = vector.broadcast %add3A_599 : i32 to vector<16xi32>
        %add3A_601 = arith.addi %select_n3A_571, %add3A_600 : vector<16xi32>
        %gather3A_602 = tpu.vector_load_idx %arg10[%add3A_564, %add3A_601] : memref<128x128xf32, #tpu.memory_space<vmem>>[vector<16xi32>, vector<16xi32>], vector<16xf32>,
        %swap3A = arith.constant 16 : i32
        %swap3A_603 = arith.index_cast %swap3A : i32 to index
        %swap3A_604 = arith.index_cast %mul3A_562 : i32 to index
        %swap3A_605 = tpu.vector_load %arg12[%swap3A_603, %swap3A_604] {strides = array<i32>} : memref<78x128xf32, #tpu.memory_space<vmem>>, vector<16xf32>,
        tpu.vector_store %arg12[%swap3A_603, %swap3A_604], %gather3A {strides = array<i32>} : memref<78x128xf32, #tpu.memory_space<vmem>>, vector<16xf32>,
        %swap3A_606 = arith.constant 17 : i32
        %swap3A_607 = arith.index_cast %swap3A_606 : i32 to index
        %swap3A_608 = arith.index_cast %mul3A_562 : i32 to index
        %swap3A_609 = tpu.vector_load %arg12[%swap3A_607, %swap3A_608] {strides = array<i32>} : memref<78x128xf32, #tpu.memory_space<vmem>>, vector<16xf32>,
        tpu.vector_store %arg12[%swap3A_607, %swap3A_608], %gather3A_578 {strides = array<i32>} : memref<78x128xf32, #tpu.memory_space<vmem>>, vector<16xf32>,
        %swap3A_610 = arith.constant 18 : i32
        %swap3A_611 = arith.index_cast %swap3A_610 : i32 to index
        %swap3A_612 = arith.index_cast %mul3A_562 : i32 to index
        %swap3A_613 = tpu.vector_load %arg12[%swap3A_611, %swap3A_612] {strides = array<i32>} : memref<78x128xf32, #tpu.memory_space<vmem>>, vector<16xf32>,
        tpu.vector_store %arg12[%swap3A_611, %swap3A_612], %gather3A_582 {strides = array<i32>} : memref<78x128xf32, #tpu.memory_space<vmem>>, vector<16xf32>,
        %swap3A_614 = arith.constant 19 : i32
        %swap3A_615 = arith.index_cast %swap3A_614 : i32 to index
        %swap3A_616 = arith.index_cast %mul3A_562 : i32 to index
        %swap3A_617 = tpu.vector_load %arg12[%swap3A_615, %swap3A_616] {strides = array<i32>} : memref<78x128xf32, #tpu.memory_space<vmem>>, vector<16xf32>,
        tpu.vector_store %arg12[%swap3A_615, %swap3A_616], %gather3A_586 {strides = array<i32>} : memref<78x128xf32, #tpu.memory_space<vmem>>, vector<16xf32>,
        %swap3A_618 = arith.constant 20 : i32
        %swap3A_619 = arith.index_cast %swap3A_618 : i32 to index
        %swap3A_620 = arith.index_cast %mul3A_562 : i32 to index
        %swap3A_621 = tpu.vector_load %arg12[%swap3A_619, %swap3A_620] {strides = array<i32>} : memref<78x128xf32, #tpu.memory_space<vmem>>, vector<16xf32>,
        tpu.vector_store %arg12[%swap3A_619, %swap3A_620], %gather3A_590 {strides = array<i32>} : memref<78x128xf32, #tpu.memory_space<vmem>>, vector<16xf32>,
        %swap3A_622 = arith.constant 21 : i32
        %swap3A_623 = arith.index_cast %swap3A_622 : i32 to index
        %swap3A_624 = arith.index_cast %mul3A_562 : i32 to index
        %swap3A_625 = tpu.vector_load %arg12[%swap3A_623, %swap3A_624] {strides = array<i32>} : memref<78x128xf32, #tpu.memory_space<vmem>>, vector<16xf32>,
        tpu.vector_store %arg12[%swap3A_623, %swap3A_624], %gather3A_594 {strides = array<i32>} : memref<78x128xf32, #tpu.memory_space<vmem>>, vector<16xf32>,
        %swap3A_626 = arith.constant 22 : i32
        %swap3A_627 = arith.index_cast %swap3A_626 : i32 to index
        %swap3A_628 = arith.index_cast %mul3A_562 : i32 to index
        %swap3A_629 = tpu.vector_load %arg12[%swap3A_627, %swap3A_628] {strides = array<i32>} : memref<78x128xf32, #tpu.memory_space<vmem>>, vector<16xf32>,
        tpu.vector_store %arg12[%swap3A_627, %swap3A_628], %gather3A_598 {strides = array<i32>} : memref<78x128xf32, #tpu.memory_space<vmem>>, vector<16xf32>,
        %swap3A_630 = arith.constant 23 : i32
        %swap3A_631 = arith.index_cast %swap3A_630 : i32 to index
        %swap3A_632 = arith.index_cast %mul3A_562 : i32 to index
        %swap3A_633 = tpu.vector_load %arg12[%swap3A_631, %swap3A_632] {strides = array<i32>} : memref<78x128xf32, #tpu.memory_space<vmem>>, vector<16xf32>,
        tpu.vector_store %arg12[%swap3A_631, %swap3A_632], %gather3A_602 {strides = array<i32>} : memref<78x128xf32, #tpu.memory_space<vmem>>, vector<16xf32>,
        %add3A_634 = arith.constant 8 : i32
        %add3A_635 = vector.broadcast %add3A_634 : i32 to vector<16xi32>
        %add3A_636 = arith.addi %select_n3A_571, %add3A_635 : vector<16xi32>
        %gather3A_637 = tpu.vector_load_idx %arg10[%add3A_564, %add3A_636] : memref<128x128xf32, #tpu.memory_space<vmem>>[vector<16xi32>, vector<16xi32>], vector<16xf32>,
        %add3A_638 = arith.constant 9 : i32
        %add3A_639 = vector.broadcast %add3A_638 : i32 to vector<16xi32>
        %add3A_640 = arith.addi %select_n3A_571, %add3A_639 : vector<16xi32>
        %gather3A_641 = tpu.vector_load_idx %arg10[%add3A_564, %add3A_640] : memref<128x128xf32, #tpu.memory_space<vmem>>[vector<16xi32>, vector<16xi32>], vector<16xf32>,
        %add3A_642 = arith.constant 10 : i32
        %add3A_643 = vector.broadcast %add3A_642 : i32 to vector<16xi32>
        %add3A_644 = arith.addi %select_n3A_571, %add3A_643 : vector<16xi32>
        %gather3A_645 = tpu.vector_load_idx %arg10[%add3A_564, %add3A_644] : memref<128x128xf32, #tpu.memory_space<vmem>>[vector<16xi32>, vector<16xi32>], vector<16xf32>,
        %add3A_646 = arith.constant 11 : i32
        %add3A_647 = vector.broadcast %add3A_646 : i32 to vector<16xi32>
        %add3A_648 = arith.addi %select_n3A_571, %add3A_647 : vector<16xi32>
        %gather3A_649 = tpu.vector_load_idx %arg10[%add3A_564, %add3A_648] : memref<128x128xf32, #tpu.memory_space<vmem>>[vector<16xi32>, vector<16xi32>], vector<16xf32>,
        %add3A_650 = arith.constant 12 : i32
        %add3A_651 = vector.broadcast %add3A_650 : i32 to vector<16xi32>
        %add3A_652 = arith.addi %select_n3A_571, %add3A_651 : vector<16xi32>
        %gather3A_653 = tpu.vector_load_idx %arg10[%add3A_564, %add3A_652] : memref<128x128xf32, #tpu.memory_space<vmem>>[vector<16xi32>, vector<16xi32>], vector<16xf32>,
        %add3A_654 = arith.constant 13 : i32
        %add3A_655 = vector.broadcast %add3A_654 : i32 to vector<16xi32>
        %add3A_656 = arith.addi %select_n3A_571, %add3A_655 : vector<16xi32>
        %gather3A_657 = tpu.vector_load_idx %arg10[%add3A_564, %add3A_656] : memref<128x128xf32, #tpu.memory_space<vmem>>[vector<16xi32>, vector<16xi32>], vector<16xf32>,
        %add3A_658 = arith.constant 14 : i32
        %add3A_659 = vector.broadcast %add3A_658 : i32 to vector<16xi32>
        %add3A_660 = arith.addi %select_n3A_571, %add3A_659 : vector<16xi32>
        %gather3A_661 = tpu.vector_load_idx %arg10[%add3A_564, %add3A_660] : memref<128x128xf32, #tpu.memory_space<vmem>>[vector<16xi32>, vector<16xi32>], vector<16xf32>,
        %add3A_662 = arith.constant 15 : i32
        %add3A_663 = vector.broadcast %add3A_662 : i32 to vector<16xi32>
        %add3A_664 = arith.addi %select_n3A_571, %add3A_663 : vector<16xi32>
        %gather3A_665 = tpu.vector_load_idx %arg10[%add3A_564, %add3A_664] : memref<128x128xf32, #tpu.memory_space<vmem>>[vector<16xi32>, vector<16xi32>], vector<16xf32>,
        %swap3A_666 = arith.constant 24 : i32
        %swap3A_667 = arith.index_cast %swap3A_666 : i32 to index
        %swap3A_668 = arith.index_cast %mul3A_562 : i32 to index
        %swap3A_669 = tpu.vector_load %arg12[%swap3A_667, %swap3A_668] {strides = array<i32>} : memref<78x128xf32, #tpu.memory_space<vmem>>, vector<16xf32>,
        tpu.vector_store %arg12[%swap3A_667, %swap3A_668], %gather3A_637 {strides = array<i32>} : memref<78x128xf32, #tpu.memory_space<vmem>>, vector<16xf32>,
        %swap3A_670 = arith.constant 25 : i32
        %swap3A_671 = arith.index_cast %swap3A_670 : i32 to index
        %swap3A_672 = arith.index_cast %mul3A_562 : i32 to index
        %swap3A_673 = tpu.vector_load %arg12[%swap3A_671, %swap3A_672] {strides = array<i32>} : memref<78x128xf32, #tpu.memory_space<vmem>>, vector<16xf32>,
        tpu.vector_store %arg12[%swap3A_671, %swap3A_672], %gather3A_641 {strides = array<i32>} : memref<78x128xf32, #tpu.memory_space<vmem>>, vector<16xf32>,
        %swap3A_674 = arith.constant 26 : i32
        %swap3A_675 = arith.index_cast %swap3A_674 : i32 to index
        %swap3A_676 = arith.index_cast %mul3A_562 : i32 to index
        %swap3A_677 = tpu.vector_load %arg12[%swap3A_675, %swap3A_676] {strides = array<i32>} : memref<78x128xf32, #tpu.memory_space<vmem>>, vector<16xf32>,
        tpu.vector_store %arg12[%swap3A_675, %swap3A_676], %gather3A_645 {strides = array<i32>} : memref<78x128xf32, #tpu.memory_space<vmem>>, vector<16xf32>,
        %swap3A_678 = arith.constant 27 : i32
        %swap3A_679 = arith.index_cast %swap3A_678 : i32 to index
        %swap3A_680 = arith.index_cast %mul3A_562 : i32 to index
        %swap3A_681 = tpu.vector_load %arg12[%swap3A_679, %swap3A_680] {strides = array<i32>} : memref<78x128xf32, #tpu.memory_space<vmem>>, vector<16xf32>,
        tpu.vector_store %arg12[%swap3A_679, %swap3A_680], %gather3A_649 {strides = array<i32>} : memref<78x128xf32, #tpu.memory_space<vmem>>, vector<16xf32>,
        %swap3A_682 = arith.constant 28 : i32
        %swap3A_683 = arith.index_cast %swap3A_682 : i32 to index
        %swap3A_684 = arith.index_cast %mul3A_562 : i32 to index
        %swap3A_685 = tpu.vector_load %arg12[%swap3A_683, %swap3A_684] {strides = array<i32>} : memref<78x128xf32, #tpu.memory_space<vmem>>, vector<16xf32>,
        tpu.vector_store %arg12[%swap3A_683, %swap3A_684], %gather3A_653 {strides = array<i32>} : memref<78x128xf32, #tpu.memory_space<vmem>>, vector<16xf32>,
        %swap3A_686 = arith.constant 29 : i32
        %swap3A_687 = arith.index_cast %swap3A_686 : i32 to index
        %swap3A_688 = arith.index_cast %mul3A_562 : i32 to index
        %swap3A_689 = tpu.vector_load %arg12[%swap3A_687, %swap3A_688] {strides = array<i32>} : memref<78x128xf32, #tpu.memory_space<vmem>>, vector<16xf32>,
        tpu.vector_store %arg12[%swap3A_687, %swap3A_688], %gather3A_657 {strides = array<i32>} : memref<78x128xf32, #tpu.memory_space<vmem>>, vector<16xf32>,
        %swap3A_690 = arith.constant 30 : i32
        %swap3A_691 = arith.index_cast %swap3A_690 : i32 to index
        %swap3A_692 = arith.index_cast %mul3A_562 : i32 to index
        %swap3A_693 = tpu.vector_load %arg12[%swap3A_691, %swap3A_692] {strides = array<i32>} : memref<78x128xf32, #tpu.memory_space<vmem>>, vector<16xf32>,
        tpu.vector_store %arg12[%swap3A_691, %swap3A_692], %gather3A_661 {strides = array<i32>} : memref<78x128xf32, #tpu.memory_space<vmem>>, vector<16xf32>,
        %swap3A_694 = arith.constant 31 : i32
        %swap3A_695 = arith.index_cast %swap3A_694 : i32 to index
        %swap3A_696 = arith.index_cast %mul3A_562 : i32 to index
        %swap3A_697 = tpu.vector_load %arg12[%swap3A_695, %swap3A_696] {strides = array<i32>} : memref<78x128xf32, #tpu.memory_space<vmem>>, vector<16xf32>,
        tpu.vector_store %arg12[%swap3A_695, %swap3A_696], %gather3A_665 {strides = array<i32>} : memref<78x128xf32, #tpu.memory_space<vmem>>, vector<16xf32>,
        %add3A_698 = arith.constant 16 : i32
        %add3A_699 = vector.broadcast %add3A_698 : i32 to vector<16xi32>
        %add3A_700 = arith.addi %select_n3A_571, %add3A_699 : vector<16xi32>
        %gather3A_701 = tpu.vector_load_idx %arg10[%add3A_564, %add3A_700] : memref<128x128xf32, #tpu.memory_space<vmem>>[vector<16xi32>, vector<16xi32>], vector<16xf32>,
        %add3A_702 = arith.constant 17 : i32
        %add3A_703 = vector.broadcast %add3A_702 : i32 to vector<16xi32>
        %add3A_704 = arith.addi %select_n3A_571, %add3A_703 : vector<16xi32>
        %gather3A_705 = tpu.vector_load_idx %arg10[%add3A_564, %add3A_704] : memref<128x128xf32, #tpu.memory_space<vmem>>[vector<16xi32>, vector<16xi32>], vector<16xf32>,
        %add3A_706 = arith.constant 18 : i32
        %add3A_707 = vector.broadcast %add3A_706 : i32 to vector<16xi32>
        %add3A_708 = arith.addi %select_n3A_571, %add3A_707 : vector<16xi32>
        %gather3A_709 = tpu.vector_load_idx %arg10[%add3A_564, %add3A_708] : memref<128x128xf32, #tpu.memory_space<vmem>>[vector<16xi32>, vector<16xi32>], vector<16xf32>,
        %add3A_710 = arith.constant 19 : i32
        %add3A_711 = vector.broadcast %add3A_710 : i32 to vector<16xi32>
        %add3A_712 = arith.addi %select_n3A_571, %add3A_711 : vector<16xi32>
        %gather3A_713 = tpu.vector_load_idx %arg10[%add3A_564, %add3A_712] : memref<128x128xf32, #tpu.memory_space<vmem>>[vector<16xi32>, vector<16xi32>], vector<16xf32>,
        %add3A_714 = arith.constant 20 : i32
        %add3A_715 = vector.broadcast %add3A_714 : i32 to vector<16xi32>
        %add3A_716 = arith.addi %select_n3A_571, %add3A_715 : vector<16xi32>
        %gather3A_717 = tpu.vector_load_idx %arg10[%add3A_564, %add3A_716] : memref<128x128xf32, #tpu.memory_space<vmem>>[vector<16xi32>, vector<16xi32>], vector<16xf32>,
        %add3A_718 = arith.constant 21 : i32
        %add3A_719 = vector.broadcast %add3A_718 : i32 to vector<16xi32>
        %add3A_720 = arith.addi %select_n3A_571, %add3A_719 : vector<16xi32>
        %gather3A_721 = tpu.vector_load_idx %arg10[%add3A_564, %add3A_720] : memref<128x128xf32, #tpu.memory_space<vmem>>[vector<16xi32>, vector<16xi32>], vector<16xf32>,
        %add3A_722 = arith.constant 22 : i32
        %add3A_723 = vector.broadcast %add3A_722 : i32 to vector<16xi32>
        %add3A_724 = arith.addi %select_n3A_571, %add3A_723 : vector<16xi32>
        %gather3A_725 = tpu.vector_load_idx %arg10[%add3A_564, %add3A_724] : memref<128x128xf32, #tpu.memory_space<vmem>>[vector<16xi32>, vector<16xi32>], vector<16xf32>,
        %add3A_726 = arith.constant 23 : i32
        %add3A_727 = vector.broadcast %add3A_726 : i32 to vector<16xi32>
        %add3A_728 = arith.addi %select_n3A_571, %add3A_727 : vector<16xi32>
        %gather3A_729 = tpu.vector_load_idx %arg10[%add3A_564, %add3A_728] : memref<128x128xf32, #tpu.memory_space<vmem>>[vector<16xi32>, vector<16xi32>], vector<16xf32>,
        %swap3A_730 = arith.constant 32 : i32
        %swap3A_731 = arith.index_cast %swap3A_730 : i32 to index
        %swap3A_732 = arith.index_cast %mul3A_562 : i32 to index
        %swap3A_733 = tpu.vector_load %arg12[%swap3A_731, %swap3A_732] {strides = array<i32>} : memref<78x128xf32, #tpu.memory_space<vmem>>, vector<16xf32>,
        tpu.vector_store %arg12[%swap3A_731, %swap3A_732], %gather3A_701 {strides = array<i32>} : memref<78x128xf32, #tpu.memory_space<vmem>>, vector<16xf32>,
        %swap3A_734 = arith.constant 33 : i32
        %swap3A_735 = arith.index_cast %swap3A_734 : i32 to index
        %swap3A_736 = arith.index_cast %mul3A_562 : i32 to index
        %swap3A_737 = tpu.vector_load %arg12[%swap3A_735, %swap3A_736] {strides = array<i32>} : memref<78x128xf32, #tpu.memory_space<vmem>>, vector<16xf32>,
        tpu.vector_store %arg12[%swap3A_735, %swap3A_736], %gather3A_705 {strides = array<i32>} : memref<78x128xf32, #tpu.memory_space<vmem>>, vector<16xf32>,
        %swap3A_738 = arith.constant 34 : i32
        %swap3A_739 = arith.index_cast %swap3A_738 : i32 to index
        %swap3A_740 = arith.index_cast %mul3A_562 : i32 to index
        %swap3A_741 = tpu.vector_load %arg12[%swap3A_739, %swap3A_740] {strides = array<i32>} : memref<78x128xf32, #tpu.memory_space<vmem>>, vector<16xf32>,
        tpu.vector_store %arg12[%swap3A_739, %swap3A_740], %gather3A_709 {strides = array<i32>} : memref<78x128xf32, #tpu.memory_space<vmem>>, vector<16xf32>,
        %swap3A_742 = arith.constant 35 : i32
        %swap3A_743 = arith.index_cast %swap3A_742 : i32 to index
        %swap3A_744 = arith.index_cast %mul3A_562 : i32 to index
        %swap3A_745 = tpu.vector_load %arg12[%swap3A_743, %swap3A_744] {strides = array<i32>} : memref<78x128xf32, #tpu.memory_space<vmem>>, vector<16xf32>,
        tpu.vector_store %arg12[%swap3A_743, %swap3A_744], %gather3A_713 {strides = array<i32>} : memref<78x128xf32, #tpu.memory_space<vmem>>, vector<16xf32>,
        %swap3A_746 = arith.constant 36 : i32
        %swap3A_747 = arith.index_cast %swap3A_746 : i32 to index
        %swap3A_748 = arith.index_cast %mul3A_562 : i32 to index
        %swap3A_749 = tpu.vector_load %arg12[%swap3A_747, %swap3A_748] {strides = array<i32>} : memref<78x128xf32, #tpu.memory_space<vmem>>, vector<16xf32>,
        tpu.vector_store %arg12[%swap3A_747, %swap3A_748], %gather3A_717 {strides = array<i32>} : memref<78x128xf32, #tpu.memory_space<vmem>>, vector<16xf32>,
        %swap3A_750 = arith.constant 37 : i32
        %swap3A_751 = arith.index_cast %swap3A_750 : i32 to index
        %swap3A_752 = arith.index_cast %mul3A_562 : i32 to index
        %swap3A_753 = tpu.vector_load %arg12[%swap3A_751, %swap3A_752] {strides = array<i32>} : memref<78x128xf32, #tpu.memory_space<vmem>>, vector<16xf32>,
        tpu.vector_store %arg12[%swap3A_751, %swap3A_752], %gather3A_721 {strides = array<i32>} : memref<78x128xf32, #tpu.memory_space<vmem>>, vector<16xf32>,
        %swap3A_754 = arith.constant 38 : i32
        %swap3A_755 = arith.index_cast %swap3A_754 : i32 to index
        %swap3A_756 = arith.index_cast %mul3A_562 : i32 to index
        %swap3A_757 = tpu.vector_load %arg12[%swap3A_755, %swap3A_756] {strides = array<i32>} : memref<78x128xf32, #tpu.memory_space<vmem>>, vector<16xf32>,
        tpu.vector_store %arg12[%swap3A_755, %swap3A_756], %gather3A_725 {strides = array<i32>} : memref<78x128xf32, #tpu.memory_space<vmem>>, vector<16xf32>,
        %swap3A_758 = arith.constant 39 : i32
        %swap3A_759 = arith.index_cast %swap3A_758 : i32 to index
        %swap3A_760 = arith.index_cast %mul3A_562 : i32 to index
        %swap3A_761 = tpu.vector_load %arg12[%swap3A_759, %swap3A_760] {strides = array<i32>} : memref<78x128xf32, #tpu.memory_space<vmem>>, vector<16xf32>,
        tpu.vector_store %arg12[%swap3A_759, %swap3A_760], %gather3A_729 {strides = array<i32>} : memref<78x128xf32, #tpu.memory_space<vmem>>, vector<16xf32>,
        %add3A_762 = arith.constant 24 : i32
        %add3A_763 = vector.broadcast %add3A_762 : i32 to vector<16xi32>
        %add3A_764 = arith.addi %select_n3A_571, %add3A_763 : vector<16xi32>
        %gather3A_765 = tpu.vector_load_idx %arg10[%add3A_564, %add3A_764] : memref<128x128xf32, #tpu.memory_space<vmem>>[vector<16xi32>, vector<16xi32>], vector<16xf32>,
        %add3A_766 = arith.constant 25 : i32
        %add3A_767 = vector.broadcast %add3A_766 : i32 to vector<16xi32>
        %add3A_768 = arith.addi %select_n3A_571, %add3A_767 : vector<16xi32>
        %gather3A_769 = tpu.vector_load_idx %arg10[%add3A_564, %add3A_768] : memref<128x128xf32, #tpu.memory_space<vmem>>[vector<16xi32>, vector<16xi32>], vector<16xf32>,
        %add3A_770 = arith.constant 26 : i32
        %add3A_771 = vector.broadcast %add3A_770 : i32 to vector<16xi32>
        %add3A_772 = arith.addi %select_n3A_571, %add3A_771 : vector<16xi32>
        %gather3A_773 = tpu.vector_load_idx %arg10[%add3A_564, %add3A_772] : memref<128x128xf32, #tpu.memory_space<vmem>>[vector<16xi32>, vector<16xi32>], vector<16xf32>,
        %add3A_774 = arith.constant 27 : i32
        %add3A_775 = vector.broadcast %add3A_774 : i32 to vector<16xi32>
        %add3A_776 = arith.addi %select_n3A_571, %add3A_775 : vector<16xi32>
        %gather3A_777 = tpu.vector_load_idx %arg10[%add3A_564, %add3A_776] : memref<128x128xf32, #tpu.memory_space<vmem>>[vector<16xi32>, vector<16xi32>], vector<16xf32>,
        %add3A_778 = arith.constant 28 : i32
        %add3A_779 = vector.broadcast %add3A_778 : i32 to vector<16xi32>
        %add3A_780 = arith.addi %select_n3A_571, %add3A_779 : vector<16xi32>
        %gather3A_781 = tpu.vector_load_idx %arg10[%add3A_564, %add3A_780] : memref<128x128xf32, #tpu.memory_space<vmem>>[vector<16xi32>, vector<16xi32>], vector<16xf32>,
        %add3A_782 = arith.constant 29 : i32
        %add3A_783 = vector.broadcast %add3A_782 : i32 to vector<16xi32>
        %add3A_784 = arith.addi %select_n3A_571, %add3A_783 : vector<16xi32>
        %gather3A_785 = tpu.vector_load_idx %arg10[%add3A_564, %add3A_784] : memref<128x128xf32, #tpu.memory_space<vmem>>[vector<16xi32>, vector<16xi32>], vector<16xf32>,
        %add3A_786 = arith.constant 30 : i32
        %add3A_787 = vector.broadcast %add3A_786 : i32 to vector<16xi32>
        %add3A_788 = arith.addi %select_n3A_571, %add3A_787 : vector<16xi32>
        %gather3A_789 = tpu.vector_load_idx %arg10[%add3A_564, %add3A_788] : memref<128x128xf32, #tpu.memory_space<vmem>>[vector<16xi32>, vector<16xi32>], vector<16xf32>,
        %add3A_790 = arith.constant 31 : i32
        %add3A_791 = vector.broadcast %add3A_790 : i32 to vector<16xi32>
        %add3A_792 = arith.addi %select_n3A_571, %add3A_791 : vector<16xi32>
        %gather3A_793 = tpu.vector_load_idx %arg10[%add3A_564, %add3A_792] : memref<128x128xf32, #tpu.memory_space<vmem>>[vector<16xi32>, vector<16xi32>], vector<16xf32>,
        %swap3A_794 = arith.constant 40 : i32
        %swap3A_795 = arith.index_cast %swap3A_794 : i32 to index
        %swap3A_796 = arith.index_cast %mul3A_562 : i32 to index
        %swap3A_797 = tpu.vector_load %arg12[%swap3A_795, %swap3A_796] {strides = array<i32>} : memref<78x128xf32, #tpu.memory_space<vmem>>, vector<16xf32>,
        tpu.vector_store %arg12[%swap3A_795, %swap3A_796], %gather3A_765 {strides = array<i32>} : memref<78x128xf32, #tpu.memory_space<vmem>>, vector<16xf32>,
        %swap3A_798 = arith.constant 41 : i32
        %swap3A_799 = arith.index_cast %swap3A_798 : i32 to index
        %swap3A_800 = arith.index_cast %mul3A_562 : i32 to index
        %swap3A_801 = tpu.vector_load %arg12[%swap3A_799, %swap3A_800] {strides = array<i32>} : memref<78x128xf32, #tpu.memory_space<vmem>>, vector<16xf32>,
        tpu.vector_store %arg12[%swap3A_799, %swap3A_800], %gather3A_769 {strides = array<i32>} : memref<78x128xf32, #tpu.memory_space<vmem>>, vector<16xf32>,
        %swap3A_802 = arith.constant 42 : i32
        %swap3A_803 = arith.index_cast %swap3A_802 : i32 to index
        %swap3A_804 = arith.index_cast %mul3A_562 : i32 to index
        %swap3A_805 = tpu.vector_load %arg12[%swap3A_803, %swap3A_804] {strides = array<i32>} : memref<78x128xf32, #tpu.memory_space<vmem>>, vector<16xf32>,
        tpu.vector_store %arg12[%swap3A_803, %swap3A_804], %gather3A_773 {strides = array<i32>} : memref<78x128xf32, #tpu.memory_space<vmem>>, vector<16xf32>,
        %swap3A_806 = arith.constant 43 : i32
        %swap3A_807 = arith.index_cast %swap3A_806 : i32 to index
        %swap3A_808 = arith.index_cast %mul3A_562 : i32 to index
        %swap3A_809 = tpu.vector_load %arg12[%swap3A_807, %swap3A_808] {strides = array<i32>} : memref<78x128xf32, #tpu.memory_space<vmem>>, vector<16xf32>,
        tpu.vector_store %arg12[%swap3A_807, %swap3A_808], %gather3A_777 {strides = array<i32>} : memref<78x128xf32, #tpu.memory_space<vmem>>, vector<16xf32>,
        %swap3A_810 = arith.constant 44 : i32
        %swap3A_811 = arith.index_cast %swap3A_810 : i32 to index
        %swap3A_812 = arith.index_cast %mul3A_562 : i32 to index
        %swap3A_813 = tpu.vector_load %arg12[%swap3A_811, %swap3A_812] {strides = array<i32>} : memref<78x128xf32, #tpu.memory_space<vmem>>, vector<16xf32>,
        tpu.vector_store %arg12[%swap3A_811, %swap3A_812], %gather3A_781 {strides = array<i32>} : memref<78x128xf32, #tpu.memory_space<vmem>>, vector<16xf32>,
        %swap3A_814 = arith.constant 45 : i32
        %swap3A_815 = arith.index_cast %swap3A_814 : i32 to index
        %swap3A_816 = arith.index_cast %mul3A_562 : i32 to index
        %swap3A_817 = tpu.vector_load %arg12[%swap3A_815, %swap3A_816] {strides = array<i32>} : memref<78x128xf32, #tpu.memory_space<vmem>>, vector<16xf32>,
        tpu.vector_store %arg12[%swap3A_815, %swap3A_816], %gather3A_785 {strides = array<i32>} : memref<78x128xf32, #tpu.memory_space<vmem>>, vector<16xf32>,
        %swap3A_818 = arith.constant 46 : i32
        %swap3A_819 = arith.index_cast %swap3A_818 : i32 to index
        %swap3A_820 = arith.index_cast %mul3A_562 : i32 to index
        %swap3A_821 = tpu.vector_load %arg12[%swap3A_819, %swap3A_820] {strides = array<i32>} : memref<78x128xf32, #tpu.memory_space<vmem>>, vector<16xf32>,
        tpu.vector_store %arg12[%swap3A_819, %swap3A_820], %gather3A_789 {strides = array<i32>} : memref<78x128xf32, #tpu.memory_space<vmem>>, vector<16xf32>,
        %swap3A_822 = arith.constant 47 : i32
        %swap3A_823 = arith.index_cast %swap3A_822 : i32 to index
        %swap3A_824 = arith.index_cast %mul3A_562 : i32 to index
        %swap3A_825 = tpu.vector_load %arg12[%swap3A_823, %swap3A_824] {strides = array<i32>} : memref<78x128xf32, #tpu.memory_space<vmem>>, vector<16xf32>,
        tpu.vector_store %arg12[%swap3A_823, %swap3A_824], %gather3A_793 {strides = array<i32>} : memref<78x128xf32, #tpu.memory_space<vmem>>, vector<16xf32>,
        %add3A_826 = arith.constant 32 : i32
        %add3A_827 = vector.broadcast %add3A_826 : i32 to vector<16xi32>
        %add3A_828 = arith.addi %select_n3A_571, %add3A_827 : vector<16xi32>
        %gather3A_829 = tpu.vector_load_idx %arg10[%add3A_564, %add3A_828] : memref<128x128xf32, #tpu.memory_space<vmem>>[vector<16xi32>, vector<16xi32>], vector<16xf32>,
        %add3A_830 = arith.constant 33 : i32
        %add3A_831 = vector.broadcast %add3A_830 : i32 to vector<16xi32>
        %add3A_832 = arith.addi %select_n3A_571, %add3A_831 : vector<16xi32>
        %gather3A_833 = tpu.vector_load_idx %arg10[%add3A_564, %add3A_832] : memref<128x128xf32, #tpu.memory_space<vmem>>[vector<16xi32>, vector<16xi32>], vector<16xf32>,
        %add3A_834 = arith.constant 34 : i32
        %add3A_835 = vector.broadcast %add3A_834 : i32 to vector<16xi32>
        %add3A_836 = arith.addi %select_n3A_571, %add3A_835 : vector<16xi32>
        %gather3A_837 = tpu.vector_load_idx %arg10[%add3A_564, %add3A_836] : memref<128x128xf32, #tpu.memory_space<vmem>>[vector<16xi32>, vector<16xi32>], vector<16xf32>,
        %add3A_838 = arith.constant 35 : i32
        %add3A_839 = vector.broadcast %add3A_838 : i32 to vector<16xi32>
        %add3A_840 = arith.addi %select_n3A_571, %add3A_839 : vector<16xi32>
        %gather3A_841 = tpu.vector_load_idx %arg10[%add3A_564, %add3A_840] : memref<128x128xf32, #tpu.memory_space<vmem>>[vector<16xi32>, vector<16xi32>], vector<16xf32>,
        %add3A_842 = arith.constant 36 : i32
        %add3A_843 = vector.broadcast %add3A_842 : i32 to vector<16xi32>
        %add3A_844 = arith.addi %select_n3A_571, %add3A_843 : vector<16xi32>
        %gather3A_845 = tpu.vector_load_idx %arg10[%add3A_564, %add3A_844] : memref<128x128xf32, #tpu.memory_space<vmem>>[vector<16xi32>, vector<16xi32>], vector<16xf32>,
        %add3A_846 = arith.constant 37 : i32
        %add3A_847 = vector.broadcast %add3A_846 : i32 to vector<16xi32>
        %add3A_848 = arith.addi %select_n3A_571, %add3A_847 : vector<16xi32>
        %gather3A_849 = tpu.vector_load_idx %arg10[%add3A_564, %add3A_848] : memref<128x128xf32, #tpu.memory_space<vmem>>[vector<16xi32>, vector<16xi32>], vector<16xf32>,
        %add3A_850 = arith.constant 38 : i32
        %add3A_851 = vector.broadcast %add3A_850 : i32 to vector<16xi32>
        %add3A_852 = arith.addi %select_n3A_571, %add3A_851 : vector<16xi32>
        %gather3A_853 = tpu.vector_load_idx %arg10[%add3A_564, %add3A_852] : memref<128x128xf32, #tpu.memory_space<vmem>>[vector<16xi32>, vector<16xi32>], vector<16xf32>,
        %add3A_854 = arith.constant 39 : i32
        %add3A_855 = vector.broadcast %add3A_854 : i32 to vector<16xi32>
        %add3A_856 = arith.addi %select_n3A_571, %add3A_855 : vector<16xi32>
        %gather3A_857 = tpu.vector_load_idx %arg10[%add3A_564, %add3A_856] : memref<128x128xf32, #tpu.memory_space<vmem>>[vector<16xi32>, vector<16xi32>], vector<16xf32>,
        %swap3A_858 = arith.constant 48 : i32
        %swap3A_859 = arith.index_cast %swap3A_858 : i32 to index
        %swap3A_860 = arith.index_cast %mul3A_562 : i32 to index
        %swap3A_861 = tpu.vector_load %arg12[%swap3A_859, %swap3A_860] {strides = array<i32>} : memref<78x128xf32, #tpu.memory_space<vmem>>, vector<16xf32>,
        tpu.vector_store %arg12[%swap3A_859, %swap3A_860], %gather3A_829 {strides = array<i32>} : memref<78x128xf32, #tpu.memory_space<vmem>>, vector<16xf32>,
        %swap3A_862 = arith.constant 49 : i32
        %swap3A_863 = arith.index_cast %swap3A_862 : i32 to index
        %swap3A_864 = arith.index_cast %mul3A_562 : i32 to index
        %swap3A_865 = tpu.vector_load %arg12[%swap3A_863, %swap3A_864] {strides = array<i32>} : memref<78x128xf32, #tpu.memory_space<vmem>>, vector<16xf32>,
        tpu.vector_store %arg12[%swap3A_863, %swap3A_864], %gather3A_833 {strides = array<i32>} : memref<78x128xf32, #tpu.memory_space<vmem>>, vector<16xf32>,
        %swap3A_866 = arith.constant 50 : i32
        %swap3A_867 = arith.index_cast %swap3A_866 : i32 to index
        %swap3A_868 = arith.index_cast %mul3A_562 : i32 to index
        %swap3A_869 = tpu.vector_load %arg12[%swap3A_867, %swap3A_868] {strides = array<i32>} : memref<78x128xf32, #tpu.memory_space<vmem>>, vector<16xf32>,
        tpu.vector_store %arg12[%swap3A_867, %swap3A_868], %gather3A_837 {strides = array<i32>} : memref<78x128xf32, #tpu.memory_space<vmem>>, vector<16xf32>,
        %swap3A_870 = arith.constant 51 : i32
        %swap3A_871 = arith.index_cast %swap3A_870 : i32 to index
        %swap3A_872 = arith.index_cast %mul3A_562 : i32 to index
        %swap3A_873 = tpu.vector_load %arg12[%swap3A_871, %swap3A_872] {strides = array<i32>} : memref<78x128xf32, #tpu.memory_space<vmem>>, vector<16xf32>,
        tpu.vector_store %arg12[%swap3A_871, %swap3A_872], %gather3A_841 {strides = array<i32>} : memref<78x128xf32, #tpu.memory_space<vmem>>, vector<16xf32>,
        %swap3A_874 = arith.constant 52 : i32
        %swap3A_875 = arith.index_cast %swap3A_874 : i32 to index
        %swap3A_876 = arith.index_cast %mul3A_562 : i32 to index
        %swap3A_877 = tpu.vector_load %arg12[%swap3A_875, %swap3A_876] {strides = array<i32>} : memref<78x128xf32, #tpu.memory_space<vmem>>, vector<16xf32>,
        tpu.vector_store %arg12[%swap3A_875, %swap3A_876], %gather3A_845 {strides = array<i32>} : memref<78x128xf32, #tpu.memory_space<vmem>>, vector<16xf32>,
        %swap3A_878 = arith.constant 53 : i32
        %swap3A_879 = arith.index_cast %swap3A_878 : i32 to index
        %swap3A_880 = arith.index_cast %mul3A_562 : i32 to index
        %swap3A_881 = tpu.vector_load %arg12[%swap3A_879, %swap3A_880] {strides = array<i32>} : memref<78x128xf32, #tpu.memory_space<vmem>>, vector<16xf32>,
        tpu.vector_store %arg12[%swap3A_879, %swap3A_880], %gather3A_849 {strides = array<i32>} : memref<78x128xf32, #tpu.memory_space<vmem>>, vector<16xf32>,
        %swap3A_882 = arith.constant 54 : i32
        %swap3A_883 = arith.index_cast %swap3A_882 : i32 to index
        %swap3A_884 = arith.index_cast %mul3A_562 : i32 to index
        %swap3A_885 = tpu.vector_load %arg12[%swap3A_883, %swap3A_884] {strides = array<i32>} : memref<78x128xf32, #tpu.memory_space<vmem>>, vector<16xf32>,
        tpu.vector_store %arg12[%swap3A_883, %swap3A_884], %gather3A_853 {strides = array<i32>} : memref<78x128xf32, #tpu.memory_space<vmem>>, vector<16xf32>,
        %swap3A_886 = arith.constant 55 : i32
        %swap3A_887 = arith.index_cast %swap3A_886 : i32 to index
        %swap3A_888 = arith.index_cast %mul3A_562 : i32 to index
        %swap3A_889 = tpu.vector_load %arg12[%swap3A_887, %swap3A_888] {strides = array<i32>} : memref<78x128xf32, #tpu.memory_space<vmem>>, vector<16xf32>,
        tpu.vector_store %arg12[%swap3A_887, %swap3A_888], %gather3A_857 {strides = array<i32>} : memref<78x128xf32, #tpu.memory_space<vmem>>, vector<16xf32>,
        %add3A_890 = arith.constant 40 : i32
        %add3A_891 = vector.broadcast %add3A_890 : i32 to vector<16xi32>
        %add3A_892 = arith.addi %select_n3A_571, %add3A_891 : vector<16xi32>
        %gather3A_893 = tpu.vector_load_idx %arg10[%add3A_564, %add3A_892] : memref<128x128xf32, #tpu.memory_space<vmem>>[vector<16xi32>, vector<16xi32>], vector<16xf32>,
        %add3A_894 = arith.constant 41 : i32
        %add3A_895 = vector.broadcast %add3A_894 : i32 to vector<16xi32>
        %add3A_896 = arith.addi %select_n3A_571, %add3A_895 : vector<16xi32>
        %gather3A_897 = tpu.vector_load_idx %arg10[%add3A_564, %add3A_896] : memref<128x128xf32, #tpu.memory_space<vmem>>[vector<16xi32>, vector<16xi32>], vector<16xf32>,
        %add3A_898 = arith.constant 42 : i32
        %add3A_899 = vector.broadcast %add3A_898 : i32 to vector<16xi32>
        %add3A_900 = arith.addi %select_n3A_571, %add3A_899 : vector<16xi32>
        %gather3A_901 = tpu.vector_load_idx %arg10[%add3A_564, %add3A_900] : memref<128x128xf32, #tpu.memory_space<vmem>>[vector<16xi32>, vector<16xi32>], vector<16xf32>,
        %add3A_902 = arith.constant 43 : i32
        %add3A_903 = vector.broadcast %add3A_902 : i32 to vector<16xi32>
        %add3A_904 = arith.addi %select_n3A_571, %add3A_903 : vector<16xi32>
        %gather3A_905 = tpu.vector_load_idx %arg10[%add3A_564, %add3A_904] : memref<128x128xf32, #tpu.memory_space<vmem>>[vector<16xi32>, vector<16xi32>], vector<16xf32>,
        %add3A_906 = arith.constant 44 : i32
        %add3A_907 = vector.broadcast %add3A_906 : i32 to vector<16xi32>
        %add3A_908 = arith.addi %select_n3A_571, %add3A_907 : vector<16xi32>
        %gather3A_909 = tpu.vector_load_idx %arg10[%add3A_564, %add3A_908] : memref<128x128xf32, #tpu.memory_space<vmem>>[vector<16xi32>, vector<16xi32>], vector<16xf32>,
        %add3A_910 = arith.constant 45 : i32
        %add3A_911 = vector.broadcast %add3A_910 : i32 to vector<16xi32>
        %add3A_912 = arith.addi %select_n3A_571, %add3A_911 : vector<16xi32>
        %gather3A_913 = tpu.vector_load_idx %arg10[%add3A_564, %add3A_912] : memref<128x128xf32, #tpu.memory_space<vmem>>[vector<16xi32>, vector<16xi32>], vector<16xf32>,
        %add3A_914 = arith.constant 46 : i32
        %add3A_915 = vector.broadcast %add3A_914 : i32 to vector<16xi32>
        %add3A_916 = arith.addi %select_n3A_571, %add3A_915 : vector<16xi32>
        %gather3A_917 = tpu.vector_load_idx %arg10[%add3A_564, %add3A_916] : memref<128x128xf32, #tpu.memory_space<vmem>>[vector<16xi32>, vector<16xi32>], vector<16xf32>,
        %add3A_918 = arith.constant 47 : i32
        %add3A_919 = vector.broadcast %add3A_918 : i32 to vector<16xi32>
        %add3A_920 = arith.addi %select_n3A_571, %add3A_919 : vector<16xi32>
        %gather3A_921 = tpu.vector_load_idx %arg10[%add3A_564, %add3A_920] : memref<128x128xf32, #tpu.memory_space<vmem>>[vector<16xi32>, vector<16xi32>], vector<16xf32>,
        %swap3A_922 = arith.constant 56 : i32
        %swap3A_923 = arith.index_cast %swap3A_922 : i32 to index
        %swap3A_924 = arith.index_cast %mul3A_562 : i32 to index
        %swap3A_925 = tpu.vector_load %arg12[%swap3A_923, %swap3A_924] {strides = array<i32>} : memref<78x128xf32, #tpu.memory_space<vmem>>, vector<16xf32>,
        tpu.vector_store %arg12[%swap3A_923, %swap3A_924], %gather3A_893 {strides = array<i32>} : memref<78x128xf32, #tpu.memory_space<vmem>>, vector<16xf32>,
        %swap3A_926 = arith.constant 57 : i32
        %swap3A_927 = arith.index_cast %swap3A_926 : i32 to index
        %swap3A_928 = arith.index_cast %mul3A_562 : i32 to index
        %swap3A_929 = tpu.vector_load %arg12[%swap3A_927, %swap3A_928] {strides = array<i32>} : memref<78x128xf32, #tpu.memory_space<vmem>>, vector<16xf32>,
        tpu.vector_store %arg12[%swap3A_927, %swap3A_928], %gather3A_897 {strides = array<i32>} : memref<78x128xf32, #tpu.memory_space<vmem>>, vector<16xf32>,
        %swap3A_930 = arith.constant 58 : i32
        %swap3A_931 = arith.index_cast %swap3A_930 : i32 to index
        %swap3A_932 = arith.index_cast %mul3A_562 : i32 to index
        %swap3A_933 = tpu.vector_load %arg12[%swap3A_931, %swap3A_932] {strides = array<i32>} : memref<78x128xf32, #tpu.memory_space<vmem>>, vector<16xf32>,
        tpu.vector_store %arg12[%swap3A_931, %swap3A_932], %gather3A_901 {strides = array<i32>} : memref<78x128xf32, #tpu.memory_space<vmem>>, vector<16xf32>,
        %swap3A_934 = arith.constant 59 : i32
        %swap3A_935 = arith.index_cast %swap3A_934 : i32 to index
        %swap3A_936 = arith.index_cast %mul3A_562 : i32 to index
        %swap3A_937 = tpu.vector_load %arg12[%swap3A_935, %swap3A_936] {strides = array<i32>} : memref<78x128xf32, #tpu.memory_space<vmem>>, vector<16xf32>,
        tpu.vector_store %arg12[%swap3A_935, %swap3A_936], %gather3A_905 {strides = array<i32>} : memref<78x128xf32, #tpu.memory_space<vmem>>, vector<16xf32>,
        %swap3A_938 = arith.constant 60 : i32
        %swap3A_939 = arith.index_cast %swap3A_938 : i32 to index
        %swap3A_940 = arith.index_cast %mul3A_562 : i32 to index
        %swap3A_941 = tpu.vector_load %arg12[%swap3A_939, %swap3A_940] {strides = array<i32>} : memref<78x128xf32, #tpu.memory_space<vmem>>, vector<16xf32>,
        tpu.vector_store %arg12[%swap3A_939, %swap3A_940], %gather3A_909 {strides = array<i32>} : memref<78x128xf32, #tpu.memory_space<vmem>>, vector<16xf32>,
        %swap3A_942 = arith.constant 61 : i32
        %swap3A_943 = arith.index_cast %swap3A_942 : i32 to index
        %swap3A_944 = arith.index_cast %mul3A_562 : i32 to index
        %swap3A_945 = tpu.vector_load %arg12[%swap3A_943, %swap3A_944] {strides = array<i32>} : memref<78x128xf32, #tpu.memory_space<vmem>>, vector<16xf32>,
        tpu.vector_store %arg12[%swap3A_943, %swap3A_944], %gather3A_913 {strides = array<i32>} : memref<78x128xf32, #tpu.memory_space<vmem>>, vector<16xf32>,
        %swap3A_946 = arith.constant 62 : i32
        %swap3A_947 = arith.index_cast %swap3A_946 : i32 to index
        %swap3A_948 = arith.index_cast %mul3A_562 : i32 to index
        %swap3A_949 = tpu.vector_load %arg12[%swap3A_947, %swap3A_948] {strides = array<i32>} : memref<78x128xf32, #tpu.memory_space<vmem>>, vector<16xf32>,
        tpu.vector_store %arg12[%swap3A_947, %swap3A_948], %gather3A_917 {strides = array<i32>} : memref<78x128xf32, #tpu.memory_space<vmem>>, vector<16xf32>,
        %swap3A_950 = arith.constant 63 : i32
        %swap3A_951 = arith.index_cast %swap3A_950 : i32 to index
        %swap3A_952 = arith.index_cast %mul3A_562 : i32 to index
        %swap3A_953 = tpu.vector_load %arg12[%swap3A_951, %swap3A_952] {strides = array<i32>} : memref<78x128xf32, #tpu.memory_space<vmem>>, vector<16xf32>,
        tpu.vector_store %arg12[%swap3A_951, %swap3A_952], %gather3A_921 {strides = array<i32>} : memref<78x128xf32, #tpu.memory_space<vmem>>, vector<16xf32>,
        %add3A_954 = arith.constant 48 : i32
        %add3A_955 = vector.broadcast %add3A_954 : i32 to vector<16xi32>
        %add3A_956 = arith.addi %select_n3A_571, %add3A_955 : vector<16xi32>
        %gather3A_957 = tpu.vector_load_idx %arg10[%add3A_564, %add3A_956] : memref<128x128xf32, #tpu.memory_space<vmem>>[vector<16xi32>, vector<16xi32>], vector<16xf32>,
        %add3A_958 = arith.constant 49 : i32
        %add3A_959 = vector.broadcast %add3A_958 : i32 to vector<16xi32>
        %add3A_960 = arith.addi %select_n3A_571, %add3A_959 : vector<16xi32>
        %gather3A_961 = tpu.vector_load_idx %arg10[%add3A_564, %add3A_960] : memref<128x128xf32, #tpu.memory_space<vmem>>[vector<16xi32>, vector<16xi32>], vector<16xf32>,
        %swap3A_962 = arith.constant 64 : i32
        %swap3A_963 = arith.index_cast %swap3A_962 : i32 to index
        %swap3A_964 = arith.index_cast %mul3A_562 : i32 to index
        %swap3A_965 = tpu.vector_load %arg12[%swap3A_963, %swap3A_964] {strides = array<i32>} : memref<78x128xf32, #tpu.memory_space<vmem>>, vector<16xf32>,
        tpu.vector_store %arg12[%swap3A_963, %swap3A_964], %gather3A_957 {strides = array<i32>} : memref<78x128xf32, #tpu.memory_space<vmem>>, vector<16xf32>,
        %swap3A_966 = arith.constant 65 : i32
        %swap3A_967 = arith.index_cast %swap3A_966 : i32 to index
        %swap3A_968 = arith.index_cast %mul3A_562 : i32 to index
        %swap3A_969 = tpu.vector_load %arg12[%swap3A_967, %swap3A_968] {strides = array<i32>} : memref<78x128xf32, #tpu.memory_space<vmem>>, vector<16xf32>,
        tpu.vector_store %arg12[%swap3A_967, %swap3A_968], %gather3A_961 {strides = array<i32>} : memref<78x128xf32, #tpu.memory_space<vmem>>, vector<16xf32>,
      }
      %scan3A_417 = arith.constant 8 : i32
      "tpu.region"() ({
        %run_scoped3A = tpu.sem_alloc : memref<!tpu.dma_semaphore, #tpu.memory_space<semaphore_mem>>
        %dma_start3A_560 = arith.constant 0 : i32
        %dma_start3A_561 = tpu.memref_slice %arg5[%select_n3A_321, %dma_start3A_560, %mul3A_339] : memref<50x78x16384xf32, #tpu.memory_space<hbm>> -> memref<1x78x128xf32, #tpu.memory_space<hbm>>
        %dma_start3A_562 = tpu.memref_squeeze %dma_start3A_561 : memref<1x78x128xf32, #tpu.memory_space<hbm>> -> memref<78x128xf32, #tpu.memory_space<hbm>>
        %dma_start3A_563 = arith.constant 0 : i32
        %dma_start3A_564 = tpu.memref_slice %arg5[%select_n3A_321, %dma_start3A_563, %mul3A_339] : memref<50x78x16384xf32, #tpu.memory_space<hbm>> -> memref<1x78x128xf32, #tpu.memory_space<hbm>>
        %dma_start3A_565 = tpu.memref_squeeze %dma_start3A_564 : memref<1x78x128xf32, #tpu.memory_space<hbm>> -> memref<78x128xf32, #tpu.memory_space<hbm>>
        tpu.enqueue_dma source(%arg12 : memref<78x128xf32, #tpu.memory_space<vmem>>) target(%dma_start3A_565 : memref<78x128xf32, #tpu.memory_space<hbm>>) target_semaphore(%run_scoped3A : memref<!tpu.dma_semaphore, #tpu.memory_space<semaphore_mem>>)
        %dma_wait3A_566 = arith.constant 0 : i32
        %dma_wait3A_567 = tpu.memref_slice %arg5[%select_n3A_321, %dma_wait3A_566, %mul3A_339] : memref<50x78x16384xf32, #tpu.memory_space<hbm>> -> memref<1x78x128xf32, #tpu.memory_space<hbm>>
        %dma_wait3A_568 = tpu.memref_squeeze %dma_wait3A_567 : memref<1x78x128xf32, #tpu.memory_space<hbm>> -> memref<78x128xf32, #tpu.memory_space<hbm>>
        %dma_wait3A_569 = arith.constant 0 : i32
        %dma_wait3A_570 = tpu.memref_slice %arg5[%select_n3A_321, %dma_wait3A_569, %mul3A_339] : memref<50x78x16384xf32, #tpu.memory_space<hbm>> -> memref<1x78x128xf32, #tpu.memory_space<hbm>>
        %dma_wait3A_571 = tpu.memref_squeeze %dma_wait3A_570 : memref<1x78x128xf32, #tpu.memory_space<hbm>> -> memref<78x128xf32, #tpu.memory_space<hbm>>
        tpu.wait_dma2 semaphore(%run_scoped3A : memref<!tpu.dma_semaphore, #tpu.memory_space<semaphore_mem>>) src(%arg12 : memref<78x128xf32, #tpu.memory_space<vmem>>) dst(%dma_wait3A_571 : memref<78x128xf32, #tpu.memory_space<hbm>>)
        tpu.yield
      }) : () -> ()
      %add3A_418 = arith.constant 2 : i32
      %add3A_419 = arith.addi %mul3A_166, %add3A_418 : i32
      %lt3A_420 = arith.constant 200 : i32
      %lt3A_421 = arith.cmpi slt, %add3A_419, %lt3A_420 : i32
      %convert_element_type3A = arith.extui %lt3A_421 : i1 to i32
      %cond3A = arith.constant 0 : i32
      %cond3A_422 = arith.cmpi ne, %convert_element_type3A, %cond3A : i32
      scf.if %cond3A_422 {
        %add3A_560 = arith.constant 2 : i32
        %add3A_561 = arith.addi %mul3A_166, %add3A_560 : i32
        %mul3A_562 = arith.constant 32 : i32
        %mul3A_563 = arith.muli %add3A_561, %mul3A_562 : i32
        %add3A_564 = arith.addi %mul3A_563, %add3A : i32
        %jit3A_565 = arith.constant 128 : i32
        %div3A_566 = arith.divsi %add3A_564, %jit3A_565 : i32
        %sign3A_567 = arith.constant 0 : i32
        %sign3A_568 = arith.cmpi sgt, %add3A_564, %sign3A_567 : i32
        %sign3A_569 = arith.extui %sign3A_568 : i1 to i32
        %sign3A_570 = arith.constant 0 : i32
        %sign3A_571 = arith.cmpi slt, %add3A_564, %sign3A_570 : i32
        %sign3A_572 = arith.extui %sign3A_571 : i1 to i32
        %sign3A_573 = arith.subi %sign3A_569, %sign3A_572 : i32
        %sign3A_574 = arith.constant 0 : i32
        %sign3A_575 = arith.cmpi sgt, %jit3A_565, %sign3A_574 : i32
        %sign3A_576 = arith.extui %sign3A_575 : i1 to i32
        %sign3A_577 = arith.constant 0 : i32
        %sign3A_578 = arith.cmpi slt, %jit3A_565, %sign3A_577 : i32
        %sign3A_579 = arith.extui %sign3A_578 : i1 to i32
        %sign3A_580 = arith.subi %sign3A_576, %sign3A_579 : i32
        %ne3A_581 = arith.cmpi ne, %sign3A_573, %sign3A_580 : i32
        %rem3A_582 = arith.remsi %add3A_564, %jit3A_565 : i32
        %ne3A_583 = arith.constant 0 : i32
        %ne3A_584 = arith.cmpi ne, %rem3A_582, %ne3A_583 : i32
        %and3A_585 = arith.andi %ne3A_581, %ne3A_584 : i1
        %sub3A_586 = arith.constant 1 : i32
        %sub3A_587 = arith.subi %div3A_566, %sub3A_586 : i32
        %select_n3A_588 = arith.select %and3A_585, %sub3A_587, %div3A_566 : i32
        %jit3A_589 = arith.constant 128 : i32
        %eq3A_590 = arith.constant 0 : i32
        %eq3A_591 = arith.cmpi eq, %jit3A_589, %eq3A_590 : i32
        %jit3A_592 = arith.constant 1 : i32
        %select_n3A_593 = arith.select %eq3A_591, %jit3A_592, %jit3A_589 : i32
        %rem3A_594 = arith.remsi %add3A_564, %select_n3A_593 : i32
        %ne3A_595 = arith.constant 0 : i32
        %ne3A_596 = arith.cmpi ne, %rem3A_594, %ne3A_595 : i32
        %lt3A_597 = arith.constant 0 : i32
        %lt3A_598 = arith.cmpi slt, %rem3A_594, %lt3A_597 : i32
        %lt3A_599 = arith.constant 0 : i32
        %lt3A_600 = arith.cmpi slt, %select_n3A_593, %lt3A_599 : i32
        %ne3A_601 = arith.xori %lt3A_598, %lt3A_600 : i1
        %and3A_602 = arith.andi %ne3A_601, %ne3A_596 : i1
        %add3A_603 = arith.addi %rem3A_594, %select_n3A_593 : i32
        %select_n3A_604 = arith.select %and3A_602, %add3A_603, %rem3A_594 : i32
        %mul3A_605 = arith.constant 128 : i32
        %mul3A_606 = arith.muli %select_n3A_604, %mul3A_605 : i32
        %dma_start3A_607 = tpu.memref_slice %arg2[%select_n3A_588, %mul3A_606] : memref<50x16384xi32, #tpu.memory_space<hbm>> -> memref<1x128xi32, #tpu.memory_space<hbm>>
        %dma_start3A_608 = tpu.memref_squeeze %dma_start3A_607 : memref<1x128xi32, #tpu.memory_space<hbm>> -> memref<128xi32, #tpu.memory_space<hbm>>
        %dma_start3A_609 = tpu.memref_slice %arg2[%select_n3A_588, %mul3A_606] : memref<50x16384xi32, #tpu.memory_space<hbm>> -> memref<1x128xi32, #tpu.memory_space<hbm>>
        %dma_start3A_610 = tpu.memref_squeeze %dma_start3A_609 : memref<1x128xi32, #tpu.memory_space<hbm>> -> memref<128xi32, #tpu.memory_space<hbm>>
        tpu.enqueue_dma source(%dma_start3A_610 : memref<128xi32, #tpu.memory_space<hbm>>) target(%arg6 : memref<128xi32, #tpu.memory_space<vmem>>) target_semaphore(%arg14 : memref<!tpu.dma_semaphore, #tpu.memory_space<semaphore_mem>>)
      } else {
      }
      %add3A_423 = arith.constant 2 : i32
      %add3A_424 = arith.addi %mul3A_166, %add3A_423 : i32
      %lt3A_425 = arith.constant 200 : i32
      %lt3A_426 = arith.cmpi slt, %add3A_424, %lt3A_425 : i32
      %convert_element_type3A_427 = arith.extui %lt3A_426 : i1 to i32
      %cond3A_428 = arith.constant 0 : i32
      %cond3A_429 = arith.cmpi ne, %convert_element_type3A_427, %cond3A_428 : i32
      scf.if %cond3A_429 {
        %add3A_560 = arith.constant 2 : i32
        %add3A_561 = arith.addi %mul3A_166, %add3A_560 : i32
        %mul3A_562 = arith.constant 32 : i32
        %mul3A_563 = arith.muli %add3A_561, %mul3A_562 : i32
        %add3A_564 = arith.addi %mul3A_563, %add3A : i32
        %jit3A_565 = arith.constant 128 : i32
        %div3A_566 = arith.divsi %add3A_564, %jit3A_565 : i32
        %sign3A_567 = arith.constant 0 : i32
        %sign3A_568 = arith.cmpi sgt, %add3A_564, %sign3A_567 : i32
        %sign3A_569 = arith.extui %sign3A_568 : i1 to i32
        %sign3A_570 = arith.constant 0 : i32
        %sign3A_571 = arith.cmpi slt, %add3A_564, %sign3A_570 : i32
        %sign3A_572 = arith.extui %sign3A_571 : i1 to i32
        %sign3A_573 = arith.subi %sign3A_569, %sign3A_572 : i32
        %sign3A_574 = arith.constant 0 : i32
        %sign3A_575 = arith.cmpi sgt, %jit3A_565, %sign3A_574 : i32
        %sign3A_576 = arith.extui %sign3A_575 : i1 to i32
        %sign3A_577 = arith.constant 0 : i32
        %sign3A_578 = arith.cmpi slt, %jit3A_565, %sign3A_577 : i32
        %sign3A_579 = arith.extui %sign3A_578 : i1 to i32
        %sign3A_580 = arith.subi %sign3A_576, %sign3A_579 : i32
        %ne3A_581 = arith.cmpi ne, %sign3A_573, %sign3A_580 : i32
        %rem3A_582 = arith.remsi %add3A_564, %jit3A_565 : i32
        %ne3A_583 = arith.constant 0 : i32
        %ne3A_584 = arith.cmpi ne, %rem3A_582, %ne3A_583 : i32
        %and3A_585 = arith.andi %ne3A_581, %ne3A_584 : i1
        %sub3A_586 = arith.constant 1 : i32
        %sub3A_587 = arith.subi %div3A_566, %sub3A_586 : i32
        %select_n3A_588 = arith.select %and3A_585, %sub3A_587, %div3A_566 : i32
        %jit3A_589 = arith.constant 128 : i32
        %eq3A_590 = arith.constant 0 : i32
        %eq3A_591 = arith.cmpi eq, %jit3A_589, %eq3A_590 : i32
        %jit3A_592 = arith.constant 1 : i32
        %select_n3A_593 = arith.select %eq3A_591, %jit3A_592, %jit3A_589 : i32
        %rem3A_594 = arith.remsi %add3A_564, %select_n3A_593 : i32
        %ne3A_595 = arith.constant 0 : i32
        %ne3A_596 = arith.cmpi ne, %rem3A_594, %ne3A_595 : i32
        %lt3A_597 = arith.constant 0 : i32
        %lt3A_598 = arith.cmpi slt, %rem3A_594, %lt3A_597 : i32
        %lt3A_599 = arith.constant 0 : i32
        %lt3A_600 = arith.cmpi slt, %select_n3A_593, %lt3A_599 : i32
        %ne3A_601 = arith.xori %lt3A_598, %lt3A_600 : i1
        %and3A_602 = arith.andi %ne3A_601, %ne3A_596 : i1
        %add3A_603 = arith.addi %rem3A_594, %select_n3A_593 : i32
        %select_n3A_604 = arith.select %and3A_602, %add3A_603, %rem3A_594 : i32
        %mul3A_605 = arith.constant 128 : i32
        %mul3A_606 = arith.muli %select_n3A_604, %mul3A_605 : i32
        %dma_wait3A_607 = tpu.memref_slice %arg2[%select_n3A_588, %mul3A_606] : memref<50x16384xi32, #tpu.memory_space<hbm>> -> memref<1x128xi32, #tpu.memory_space<hbm>>
        %dma_wait3A_608 = tpu.memref_squeeze %dma_wait3A_607 : memref<1x128xi32, #tpu.memory_space<hbm>> -> memref<128xi32, #tpu.memory_space<hbm>>
        %dma_wait3A_609 = tpu.memref_slice %arg2[%select_n3A_588, %mul3A_606] : memref<50x16384xi32, #tpu.memory_space<hbm>> -> memref<1x128xi32, #tpu.memory_space<hbm>>
        %dma_wait3A_610 = tpu.memref_squeeze %dma_wait3A_609 : memref<1x128xi32, #tpu.memory_space<hbm>> -> memref<128xi32, #tpu.memory_space<hbm>>
        tpu.wait_dma2 semaphore(%arg14 : memref<!tpu.dma_semaphore, #tpu.memory_space<semaphore_mem>>) src(%dma_wait3A_610 : memref<128xi32, #tpu.memory_space<hbm>>) dst(%arg6 : memref<128xi32, #tpu.memory_space<vmem>>)
        %scan3A_611 = arith.constant 0 : i32
        %scan3A_612 = arith.constant 0 : i32
        %scan3A_613 = arith.constant 8 : i32
        %scan3A_614 = arith.addi %scan3A_612, %scan3A_613 : i32
        %scan3A_615 = arith.constant 1 : i32
        scf.for %scan3A_691 = %scan3A_612 to %scan3A_614 step %scan3A_615  : i32 {
          %mul3A_692 = arith.constant 16 : i32
          %mul3A_693 = arith.muli %scan3A_691, %mul3A_692 : i32
          %get3A = arith.index_cast %mul3A_693 : i32 to index
          %get3A_694 = tpu.vector_load %arg6[%get3A] {strides = array<i32>} : memref<128xi32, #tpu.memory_space<vmem>>, vector<16xi32>,
          %ge3A = arith.constant 503808 : i32
          %ge3A_695 = vector.broadcast %ge3A : i32 to vector<16xi32>
          %ge3A_696 = arith.cmpi sge, %get3A_694, %ge3A_695 : vector<16xi32>
          %jit3A_697 = arith.constant 503808 : i32
          %jit3A_698 = arith.constant 0 : i32
          %broadcast_in_dim3A = vector.broadcast %jit3A_697 : i32 to vector<16xi32>
          %broadcast_in_dim3A_699 = vector.broadcast %jit3A_698 : i32 to vector<16xi32>
          %select_n3A_700 = arith.select %ge3A_696, %broadcast_in_dim3A, %broadcast_in_dim3A_699 : vector<16xi1>, vector<16xi32>
          %sub3A_701 = arith.subi %get3A_694, %select_n3A_700 : vector<16xi32>
          %swap3A = arith.index_cast %mul3A_693 : i32 to index
          %swap3A_702 = tpu.vector_load %arg8[%swap3A] {strides = array<i32>} : memref<128xi32, #tpu.memory_space<vmem>>, vector<16xi32>,
          tpu.vector_store %arg8[%swap3A], %sub3A_701 {strides = array<i32>} : memref<128xi32, #tpu.memory_space<vmem>>, vector<16xi32>,
        }
        %scan3A_616 = arith.constant 8 : i32
        %dma_start3A_617 = arith.constant 0 : i32
        %dma_start3A_618 = arith.constant 0 : i32
        %dma_start3A_619 = tpu.memref_slice %arg3[%dma_start3A_617, %dma_start3A_618] : memref<503808x128xf32, #tpu.memory_space<hbm>> -> memref<503808x128xf32, #tpu.memory_space<hbm>>
        tpu.enqueue_indirect_dma source(%dma_start3A_619 : memref<503808x128xf32, #tpu.memory_space<hbm>>) target(%arg10 : memref<128x128xf32, #tpu.memory_space<vmem>>) offsets(%arg8 : memref<128xi32, #tpu.memory_space<vmem>>) semaphore(%arg16 : memref<!tpu.dma_semaphore, #tpu.memory_space<semaphore_mem>>)
        %add3A_620 = arith.constant 2 : i32
        %add3A_621 = arith.addi %mul3A_166, %add3A_620 : i32
        %mul3A_622 = arith.constant 32 : i32
        %mul3A_623 = arith.muli %add3A_621, %mul3A_622 : i32
        %add3A_624 = arith.addi %mul3A_623, %add3A : i32
        %jit3A_625 = arith.constant 128 : i32
        %div3A_626 = arith.divsi %add3A_624, %jit3A_625 : i32
        %sign3A_627 = arith.constant 0 : i32
        %sign3A_628 = arith.cmpi sgt, %add3A_624, %sign3A_627 : i32
        %sign3A_629 = arith.extui %sign3A_628 : i1 to i32
        %sign3A_630 = arith.constant 0 : i32
        %sign3A_631 = arith.cmpi slt, %add3A_624, %sign3A_630 : i32
        %sign3A_632 = arith.extui %sign3A_631 : i1 to i32
        %sign3A_633 = arith.subi %sign3A_629, %sign3A_632 : i32
        %sign3A_634 = arith.constant 0 : i32
        %sign3A_635 = arith.cmpi sgt, %jit3A_625, %sign3A_634 : i32
        %sign3A_636 = arith.extui %sign3A_635 : i1 to i32
        %sign3A_637 = arith.constant 0 : i32
        %sign3A_638 = arith.cmpi slt, %jit3A_625, %sign3A_637 : i32
        %sign3A_639 = arith.extui %sign3A_638 : i1 to i32
        %sign3A_640 = arith.subi %sign3A_636, %sign3A_639 : i32
        %ne3A_641 = arith.cmpi ne, %sign3A_633, %sign3A_640 : i32
        %rem3A_642 = arith.remsi %add3A_624, %jit3A_625 : i32
        %ne3A_643 = arith.constant 0 : i32
        %ne3A_644 = arith.cmpi ne, %rem3A_642, %ne3A_643 : i32
        %and3A_645 = arith.andi %ne3A_641, %ne3A_644 : i1
        %sub3A_646 = arith.constant 1 : i32
        %sub3A_647 = arith.subi %div3A_626, %sub3A_646 : i32
        %select_n3A_648 = arith.select %and3A_645, %sub3A_647, %div3A_626 : i32
        %jit3A_649 = arith.constant 128 : i32
        %eq3A_650 = arith.constant 0 : i32
        %eq3A_651 = arith.cmpi eq, %jit3A_649, %eq3A_650 : i32
        %jit3A_652 = arith.constant 1 : i32
        %select_n3A_653 = arith.select %eq3A_651, %jit3A_652, %jit3A_649 : i32
        %rem3A_654 = arith.remsi %add3A_624, %select_n3A_653 : i32
        %ne3A_655 = arith.constant 0 : i32
        %ne3A_656 = arith.cmpi ne, %rem3A_654, %ne3A_655 : i32
        %lt3A_657 = arith.constant 0 : i32
        %lt3A_658 = arith.cmpi slt, %rem3A_654, %lt3A_657 : i32
        %lt3A_659 = arith.constant 0 : i32
        %lt3A_660 = arith.cmpi slt, %select_n3A_653, %lt3A_659 : i32
        %ne3A_661 = arith.xori %lt3A_658, %lt3A_660 : i1
        %and3A_662 = arith.andi %ne3A_661, %ne3A_656 : i1
        %add3A_663 = arith.addi %rem3A_654, %select_n3A_653 : i32
        %select_n3A_664 = arith.select %and3A_662, %add3A_663, %rem3A_654 : i32
        %mul3A_665 = arith.constant 128 : i32
        %mul3A_666 = arith.muli %select_n3A_664, %mul3A_665 : i32
        %dma_start3A_667 = arith.constant 0 : i32
        %dma_start3A_668 = arith.constant 0 : i32
        %dma_start3A_669 = tpu.memref_slice %arg12[%dma_start3A_667, %dma_start3A_668] : memref<78x128xf32, #tpu.memory_space<vmem>> -> memref<16x128xf32, #tpu.memory_space<vmem>>
        %dma_start3A_670 = arith.constant 0 : i32
        %dma_start3A_671 = tpu.memref_slice %arg4[%select_n3A_648, %dma_start3A_670, %mul3A_666] : memref<50x28x16384xf32, #tpu.memory_space<hbm>> -> memref<1x16x128xf32, #tpu.memory_space<hbm>>
        %dma_start3A_672 = tpu.memref_squeeze %dma_start3A_671 : memref<1x16x128xf32, #tpu.memory_space<hbm>> -> memref<16x128xf32, #tpu.memory_space<hbm>>
        %dma_start3A_673 = arith.constant 0 : i32
        %dma_start3A_674 = arith.constant 0 : i32
        %dma_start3A_675 = tpu.memref_slice %arg12[%dma_start3A_673, %dma_start3A_674] : memref<78x128xf32, #tpu.memory_space<vmem>> -> memref<16x128xf32, #tpu.memory_space<vmem>>
        %dma_start3A_676 = arith.constant 0 : i32
        %dma_start3A_677 = tpu.memref_slice %arg4[%select_n3A_648, %dma_start3A_676, %mul3A_666] : memref<50x28x16384xf32, #tpu.memory_space<hbm>> -> memref<1x16x128xf32, #tpu.memory_space<hbm>>
        %dma_start3A_678 = tpu.memref_squeeze %dma_start3A_677 : memref<1x16x128xf32, #tpu.memory_space<hbm>> -> memref<16x128xf32, #tpu.memory_space<hbm>>
        tpu.enqueue_dma source(%dma_start3A_678 : memref<16x128xf32, #tpu.memory_space<hbm>>) target(%dma_start3A_675 : memref<16x128xf32, #tpu.memory_space<vmem>>) target_semaphore(%arg18 : memref<!tpu.dma_semaphore, #tpu.memory_space<semaphore_mem>>)
        %dma_start3A_679 = arith.constant 66 : i32
        %dma_start3A_680 = arith.constant 0 : i32
        %dma_start3A_681 = tpu.memref_slice %arg12[%dma_start3A_679, %dma_start3A_680] : memref<78x128xf32, #tpu.memory_space<vmem>> -> memref<12x128xf32, #tpu.memory_space<vmem>>
        %dma_start3A_682 = arith.constant 16 : i32
        %dma_start3A_683 = tpu.memref_slice %arg4[%select_n3A_648, %dma_start3A_682, %mul3A_666] : memref<50x28x16384xf32, #tpu.memory_space<hbm>> -> memref<1x12x128xf32, #tpu.memory_space<hbm>>
        %dma_start3A_684 = tpu.memref_squeeze %dma_start3A_683 : memref<1x12x128xf32, #tpu.memory_space<hbm>> -> memref<12x128xf32, #tpu.memory_space<hbm>>
        %dma_start3A_685 = arith.constant 66 : i32
        %dma_start3A_686 = arith.constant 0 : i32
        %dma_start3A_687 = tpu.memref_slice %arg12[%dma_start3A_685, %dma_start3A_686] : memref<78x128xf32, #tpu.memory_space<vmem>> -> memref<12x128xf32, #tpu.memory_space<vmem>>
        %dma_start3A_688 = arith.constant 16 : i32
        %dma_start3A_689 = tpu.memref_slice %arg4[%select_n3A_648, %dma_start3A_688, %mul3A_666] : memref<50x28x16384xf32, #tpu.memory_space<hbm>> -> memref<1x12x128xf32, #tpu.memory_space<hbm>>
        %dma_start3A_690 = tpu.memref_squeeze %dma_start3A_689 : memref<1x12x128xf32, #tpu.memory_space<hbm>> -> memref<12x128xf32, #tpu.memory_space<hbm>>
        tpu.enqueue_dma source(%dma_start3A_690 : memref<12x128xf32, #tpu.memory_space<hbm>>) target(%dma_start3A_687 : memref<12x128xf32, #tpu.memory_space<vmem>>) target_semaphore(%arg18 : memref<!tpu.dma_semaphore, #tpu.memory_space<semaphore_mem>>)
      } else {
      }
      %mul3A_430 = arith.constant 32 : i32
      %mul3A_431 = arith.muli %add3A_168, %mul3A_430 : i32
      %add3A_432 = arith.addi %mul3A_431, %add3A : i32
      %jit3A_433 = arith.constant 128 : i32
      %div3A_434 = arith.divsi %add3A_432, %jit3A_433 : i32
      %sign3A_435 = arith.constant 0 : i32
      %sign3A_436 = arith.cmpi sgt, %add3A_432, %sign3A_435 : i32
      %sign3A_437 = arith.extui %sign3A_436 : i1 to i32
      %sign3A_438 = arith.constant 0 : i32
      %sign3A_439 = arith.cmpi slt, %add3A_432, %sign3A_438 : i32
      %sign3A_440 = arith.extui %sign3A_439 : i1 to i32
      %sign3A_441 = arith.subi %sign3A_437, %sign3A_440 : i32
      %sign3A_442 = arith.constant 0 : i32
      %sign3A_443 = arith.cmpi sgt, %jit3A_433, %sign3A_442 : i32
      %sign3A_444 = arith.extui %sign3A_443 : i1 to i32
      %sign3A_445 = arith.constant 0 : i32
      %sign3A_446 = arith.cmpi slt, %jit3A_433, %sign3A_445 : i32
      %sign3A_447 = arith.extui %sign3A_446 : i1 to i32
      %sign3A_448 = arith.subi %sign3A_444, %sign3A_447 : i32
      %ne3A_449 = arith.cmpi ne, %sign3A_441, %sign3A_448 : i32
      %rem3A_450 = arith.remsi %add3A_432, %jit3A_433 : i32
      %ne3A_451 = arith.constant 0 : i32
      %ne3A_452 = arith.cmpi ne, %rem3A_450, %ne3A_451 : i32
      %and3A_453 = arith.andi %ne3A_449, %ne3A_452 : i1
      %sub3A_454 = arith.constant 1 : i32
      %sub3A_455 = arith.subi %div3A_434, %sub3A_454 : i32
      %select_n3A_456 = arith.select %and3A_453, %sub3A_455, %div3A_434 : i32
      %jit3A_457 = arith.constant 128 : i32
      %eq3A_458 = arith.constant 0 : i32
      %eq3A_459 = arith.cmpi eq, %jit3A_457, %eq3A_458 : i32
      %jit3A_460 = arith.constant 1 : i32
      %select_n3A_461 = arith.select %eq3A_459, %jit3A_460, %jit3A_457 : i32
      %rem3A_462 = arith.remsi %add3A_432, %select_n3A_461 : i32
      %ne3A_463 = arith.constant 0 : i32
      %ne3A_464 = arith.cmpi ne, %rem3A_462, %ne3A_463 : i32
      %lt3A_465 = arith.constant 0 : i32
      %lt3A_466 = arith.cmpi slt, %rem3A_462, %lt3A_465 : i32
      %lt3A_467 = arith.constant 0 : i32
      %lt3A_468 = arith.cmpi slt, %select_n3A_461, %lt3A_467 : i32
      %ne3A_469 = arith.xori %lt3A_466, %lt3A_468 : i1
      %and3A_470 = arith.andi %ne3A_469, %ne3A_464 : i1
      %add3A_471 = arith.addi %rem3A_462, %select_n3A_461 : i32
      %select_n3A_472 = arith.select %and3A_470, %add3A_471, %rem3A_462 : i32
      %mul3A_473 = arith.constant 128 : i32
      %mul3A_474 = arith.muli %select_n3A_472, %mul3A_473 : i32
      %mul3A_475 = arith.constant 32 : i32
      %mul3A_476 = arith.muli %add3A_168, %mul3A_475 : i32
      %add3A_477 = arith.addi %mul3A_476, %add3A : i32
      %jit3A_478 = arith.constant 128 : i32
      %div3A_479 = arith.divsi %add3A_477, %jit3A_478 : i32
      %sign3A_480 = arith.constant 0 : i32
      %sign3A_481 = arith.cmpi sgt, %add3A_477, %sign3A_480 : i32
      %sign3A_482 = arith.extui %sign3A_481 : i1 to i32
      %sign3A_483 = arith.constant 0 : i32
      %sign3A_484 = arith.cmpi slt, %add3A_477, %sign3A_483 : i32
      %sign3A_485 = arith.extui %sign3A_484 : i1 to i32
      %sign3A_486 = arith.subi %sign3A_482, %sign3A_485 : i32
      %sign3A_487 = arith.constant 0 : i32
      %sign3A_488 = arith.cmpi sgt, %jit3A_478, %sign3A_487 : i32
      %sign3A_489 = arith.extui %sign3A_488 : i1 to i32
      %sign3A_490 = arith.constant 0 : i32
      %sign3A_491 = arith.cmpi slt, %jit3A_478, %sign3A_490 : i32
      %sign3A_492 = arith.extui %sign3A_491 : i1 to i32
      %sign3A_493 = arith.subi %sign3A_489, %sign3A_492 : i32
      %ne3A_494 = arith.cmpi ne, %sign3A_486, %sign3A_493 : i32
      %rem3A_495 = arith.remsi %add3A_477, %jit3A_478 : i32
      %ne3A_496 = arith.constant 0 : i32
      %ne3A_497 = arith.cmpi ne, %rem3A_495, %ne3A_496 : i32
      %and3A_498 = arith.andi %ne3A_494, %ne3A_497 : i1
      %sub3A_499 = arith.constant 1 : i32
      %sub3A_500 = arith.subi %div3A_479, %sub3A_499 : i32
      %select_n3A_501 = arith.select %and3A_498, %sub3A_500, %div3A_479 : i32
      %jit3A_502 = arith.constant 128 : i32
      %eq3A_503 = arith.constant 0 : i32
      %eq3A_504 = arith.cmpi eq, %jit3A_502, %eq3A_503 : i32
      %jit3A_505 = arith.constant 1 : i32
      %select_n3A_506 = arith.select %eq3A_504, %jit3A_505, %jit3A_502 : i32
      %rem3A_507 = arith.remsi %add3A_477, %select_n3A_506 : i32
      %ne3A_508 = arith.constant 0 : i32
      %ne3A_509 = arith.cmpi ne, %rem3A_507, %ne3A_508 : i32
      %lt3A_510 = arith.constant 0 : i32
      %lt3A_511 = arith.cmpi slt, %rem3A_507, %lt3A_510 : i32
      %lt3A_512 = arith.constant 0 : i32
      %lt3A_513 = arith.cmpi slt, %select_n3A_506, %lt3A_512 : i32
      %ne3A_514 = arith.xori %lt3A_511, %lt3A_513 : i1
      %and3A_515 = arith.andi %ne3A_514, %ne3A_509 : i1
      %add3A_516 = arith.addi %rem3A_507, %select_n3A_506 : i32
      %select_n3A_517 = arith.select %and3A_515, %add3A_516, %rem3A_507 : i32
      %mul3A_518 = arith.constant 128 : i32
      %mul3A_519 = arith.muli %select_n3A_517, %mul3A_518 : i32
      %dma_wait3A_520 = arith.constant 0 : i32
      %dma_wait3A_521 = arith.constant 0 : i32
      %dma_wait3A_522 = tpu.memref_slice %arg13[%dma_wait3A_520, %dma_wait3A_521] : memref<78x128xf32, #tpu.memory_space<vmem>> -> memref<16x128xf32, #tpu.memory_space<vmem>>
      %dma_wait3A_523 = arith.constant 0 : i32
      %dma_wait3A_524 = tpu.memref_slice %arg4[%select_n3A_501, %dma_wait3A_523, %mul3A_519] : memref<50x28x16384xf32, #tpu.memory_space<hbm>> -> memref<1x16x128xf32, #tpu.memory_space<hbm>>
      %dma_wait3A_525 = tpu.memref_squeeze %dma_wait3A_524 : memref<1x16x128xf32, #tpu.memory_space<hbm>> -> memref<16x128xf32, #tpu.memory_space<hbm>>
      %dma_wait3A_526 = arith.constant 0 : i32
      %dma_wait3A_527 = arith.constant 0 : i32
      %dma_wait3A_528 = tpu.memref_slice %arg13[%dma_wait3A_526, %dma_wait3A_527] : memref<78x128xf32, #tpu.memory_space<vmem>> -> memref<16x128xf32, #tpu.memory_space<vmem>>
      %dma_wait3A_529 = arith.constant 0 : i32
      %dma_wait3A_530 = tpu.memref_slice %arg4[%select_n3A_501, %dma_wait3A_529, %mul3A_519] : memref<50x28x16384xf32, #tpu.memory_space<hbm>> -> memref<1x16x128xf32, #tpu.memory_space<hbm>>
      %dma_wait3A_531 = tpu.memref_squeeze %dma_wait3A_530 : memref<1x16x128xf32, #tpu.memory_space<hbm>> -> memref<16x128xf32, #tpu.memory_space<hbm>>
      tpu.wait_dma2 semaphore(%arg19 : memref<!tpu.dma_semaphore, #tpu.memory_space<semaphore_mem>>) src(%dma_wait3A_531 : memref<16x128xf32, #tpu.memory_space<hbm>>) dst(%dma_wait3A_528 : memref<16x128xf32, #tpu.memory_space<vmem>>)
      %dma_wait3A_532 = arith.constant 66 : i32
      %dma_wait3A_533 = arith.constant 0 : i32
      %dma_wait3A_534 = tpu.memref_slice %arg13[%dma_wait3A_532, %dma_wait3A_533] : memref<78x128xf32, #tpu.memory_space<vmem>> -> memref<12x128xf32, #tpu.memory_space<vmem>>
      %dma_wait3A_535 = arith.constant 16 : i32
      %dma_wait3A_536 = tpu.memref_slice %arg4[%select_n3A_501, %dma_wait3A_535, %mul3A_519] : memref<50x28x16384xf32, #tpu.memory_space<hbm>> -> memref<1x12x128xf32, #tpu.memory_space<hbm>>
      %dma_wait3A_537 = tpu.memref_squeeze %dma_wait3A_536 : memref<1x12x128xf32, #tpu.memory_space<hbm>> -> memref<12x128xf32, #tpu.memory_space<hbm>>
      %dma_wait3A_538 = arith.constant 66 : i32
      %dma_wait3A_539 = arith.constant 0 : i32
      %dma_wait3A_540 = tpu.memref_slice %arg13[%dma_wait3A_538, %dma_wait3A_539] : memref<78x128xf32, #tpu.memory_space<vmem>> -> memref<12x128xf32, #tpu.memory_space<vmem>>
      %dma_wait3A_541 = arith.constant 16 : i32
      %dma_wait3A_542 = tpu.memref_slice %arg4[%select_n3A_501, %dma_wait3A_541, %mul3A_519] : memref<50x28x16384xf32, #tpu.memory_space<hbm>> -> memref<1x12x128xf32, #tpu.memory_space<hbm>>
      %dma_wait3A_543 = tpu.memref_squeeze %dma_wait3A_542 : memref<1x12x128xf32, #tpu.memory_space<hbm>> -> memref<12x128xf32, #tpu.memory_space<hbm>>
      tpu.wait_dma2 semaphore(%arg19 : memref<!tpu.dma_semaphore, #tpu.memory_space<semaphore_mem>>) src(%dma_wait3A_543 : memref<12x128xf32, #tpu.memory_space<hbm>>) dst(%dma_wait3A_540 : memref<12x128xf32, #tpu.memory_space<vmem>>)
      %dma_wait3A_544 = arith.constant 0 : i32
      %dma_wait3A_545 = arith.constant 0 : i32
      %dma_wait3A_546 = tpu.memref_slice %arg3[%dma_wait3A_544, %dma_wait3A_545] : memref<503808x128xf32, #tpu.memory_space<hbm>> -> memref<503808x128xf32, #tpu.memory_space<hbm>>
      tpu.wait_indirect_dma semaphore(%arg17 : memref<!tpu.dma_semaphore, #tpu.memory_space<semaphore_mem>>) src(%dma_wait3A_546 : memref<503808x128xf32, #tpu.memory_space<hbm>>) dst(%arg11 : memref<128x128xf32, #tpu.memory_space<vmem>>)
      %scan3A_547 = arith.constant 0 : i32
      %scan3A_548 = arith.constant 0 : i32
      %scan3A_549 = arith.constant 8 : i32
      %scan3A_550 = arith.addi %scan3A_548, %scan3A_549 : i32
      %scan3A_551 = arith.constant 1 : i32
      scf.for %scan3A_560 = %scan3A_548 to %scan3A_550 step %scan3A_551  : i32 {
        %mul3A_561 = arith.constant 16 : i32
        %mul3A_562 = arith.muli %scan3A_560, %mul3A_561 : i32
        %iota3A = tpu.iota {dimensions = array<i32: 0>} : vector<16xi32>
        %add3A_563 = vector.broadcast %mul3A_562 : i32 to vector<16xi32>
        %add3A_564 = arith.addi %iota3A, %add3A_563 : vector<16xi32>
        %get3A = arith.index_cast %mul3A_562 : i32 to index
        %get3A_565 = tpu.vector_load %arg7[%get3A] {strides = array<i32>} : memref<128xi32, #tpu.memory_space<vmem>>, vector<16xi32>,
        %ge3A = arith.constant 503808 : i32
        %ge3A_566 = vector.broadcast %ge3A : i32 to vector<16xi32>
        %ge3A_567 = arith.cmpi sge, %get3A_565, %ge3A_566 : vector<16xi32>
        %jit3A_568 = arith.constant 64 : i32
        %jit3A_569 = arith.constant 0 : i32
        %broadcast_in_dim3A = vector.broadcast %jit3A_568 : i32 to vector<16xi32>
        %broadcast_in_dim3A_570 = vector.broadcast %jit3A_569 : i32 to vector<16xi32>
        %select_n3A_571 = arith.select %ge3A_567, %broadcast_in_dim3A, %broadcast_in_dim3A_570 : vector<16xi1>, vector<16xi32>
        %add3A_572 = arith.constant 0 : i32
        %add3A_573 = vector.broadcast %add3A_572 : i32 to vector<16xi32>
        %add3A_574 = arith.addi %select_n3A_571, %add3A_573 : vector<16xi32>
        %gather3A = tpu.vector_load_idx %arg11[%add3A_564, %add3A_574] : memref<128x128xf32, #tpu.memory_space<vmem>>[vector<16xi32>, vector<16xi32>], vector<16xf32>,
        %add3A_575 = arith.constant 1 : i32
        %add3A_576 = vector.broadcast %add3A_575 : i32 to vector<16xi32>
        %add3A_577 = arith.addi %select_n3A_571, %add3A_576 : vector<16xi32>
        %gather3A_578 = tpu.vector_load_idx %arg11[%add3A_564, %add3A_577] : memref<128x128xf32, #tpu.memory_space<vmem>>[vector<16xi32>, vector<16xi32>], vector<16xf32>,
        %add3A_579 = arith.constant 2 : i32
        %add3A_580 = vector.broadcast %add3A_579 : i32 to vector<16xi32>
        %add3A_581 = arith.addi %select_n3A_571, %add3A_580 : vector<16xi32>
        %gather3A_582 = tpu.vector_load_idx %arg11[%add3A_564, %add3A_581] : memref<128x128xf32, #tpu.memory_space<vmem>>[vector<16xi32>, vector<16xi32>], vector<16xf32>,
        %add3A_583 = arith.constant 3 : i32
        %add3A_584 = vector.broadcast %add3A_583 : i32 to vector<16xi32>
        %add3A_585 = arith.addi %select_n3A_571, %add3A_584 : vector<16xi32>
        %gather3A_586 = tpu.vector_load_idx %arg11[%add3A_564, %add3A_585] : memref<128x128xf32, #tpu.memory_space<vmem>>[vector<16xi32>, vector<16xi32>], vector<16xf32>,
        %add3A_587 = arith.constant 4 : i32
        %add3A_588 = vector.broadcast %add3A_587 : i32 to vector<16xi32>
        %add3A_589 = arith.addi %select_n3A_571, %add3A_588 : vector<16xi32>
        %gather3A_590 = tpu.vector_load_idx %arg11[%add3A_564, %add3A_589] : memref<128x128xf32, #tpu.memory_space<vmem>>[vector<16xi32>, vector<16xi32>], vector<16xf32>,
        %add3A_591 = arith.constant 5 : i32
        %add3A_592 = vector.broadcast %add3A_591 : i32 to vector<16xi32>
        %add3A_593 = arith.addi %select_n3A_571, %add3A_592 : vector<16xi32>
        %gather3A_594 = tpu.vector_load_idx %arg11[%add3A_564, %add3A_593] : memref<128x128xf32, #tpu.memory_space<vmem>>[vector<16xi32>, vector<16xi32>], vector<16xf32>,
        %add3A_595 = arith.constant 6 : i32
        %add3A_596 = vector.broadcast %add3A_595 : i32 to vector<16xi32>
        %add3A_597 = arith.addi %select_n3A_571, %add3A_596 : vector<16xi32>
        %gather3A_598 = tpu.vector_load_idx %arg11[%add3A_564, %add3A_597] : memref<128x128xf32, #tpu.memory_space<vmem>>[vector<16xi32>, vector<16xi32>], vector<16xf32>,
        %add3A_599 = arith.constant 7 : i32
        %add3A_600 = vector.broadcast %add3A_599 : i32 to vector<16xi32>
        %add3A_601 = arith.addi %select_n3A_571, %add3A_600 : vector<16xi32>
        %gather3A_602 = tpu.vector_load_idx %arg11[%add3A_564, %add3A_601] : memref<128x128xf32, #tpu.memory_space<vmem>>[vector<16xi32>, vector<16xi32>], vector<16xf32>,
        %swap3A = arith.constant 16 : i32
        %swap3A_603 = arith.index_cast %swap3A : i32 to index
        %swap3A_604 = arith.index_cast %mul3A_562 : i32 to index
        %swap3A_605 = tpu.vector_load %arg13[%swap3A_603, %swap3A_604] {strides = array<i32>} : memref<78x128xf32, #tpu.memory_space<vmem>>, vector<16xf32>,
        tpu.vector_store %arg13[%swap3A_603, %swap3A_604], %gather3A {strides = array<i32>} : memref<78x128xf32, #tpu.memory_space<vmem>>, vector<16xf32>,
        %swap3A_606 = arith.constant 17 : i32
        %swap3A_607 = arith.index_cast %swap3A_606 : i32 to index
        %swap3A_608 = arith.index_cast %mul3A_562 : i32 to index
        %swap3A_609 = tpu.vector_load %arg13[%swap3A_607, %swap3A_608] {strides = array<i32>} : memref<78x128xf32, #tpu.memory_space<vmem>>, vector<16xf32>,
        tpu.vector_store %arg13[%swap3A_607, %swap3A_608], %gather3A_578 {strides = array<i32>} : memref<78x128xf32, #tpu.memory_space<vmem>>, vector<16xf32>,
        %swap3A_610 = arith.constant 18 : i32
        %swap3A_611 = arith.index_cast %swap3A_610 : i32 to index
        %swap3A_612 = arith.index_cast %mul3A_562 : i32 to index
        %swap3A_613 = tpu.vector_load %arg13[%swap3A_611, %swap3A_612] {strides = array<i32>} : memref<78x128xf32, #tpu.memory_space<vmem>>, vector<16xf32>,
        tpu.vector_store %arg13[%swap3A_611, %swap3A_612], %gather3A_582 {strides = array<i32>} : memref<78x128xf32, #tpu.memory_space<vmem>>, vector<16xf32>,
        %swap3A_614 = arith.constant 19 : i32
        %swap3A_615 = arith.index_cast %swap3A_614 : i32 to index
        %swap3A_616 = arith.index_cast %mul3A_562 : i32 to index
        %swap3A_617 = tpu.vector_load %arg13[%swap3A_615, %swap3A_616] {strides = array<i32>} : memref<78x128xf32, #tpu.memory_space<vmem>>, vector<16xf32>,
        tpu.vector_store %arg13[%swap3A_615, %swap3A_616], %gather3A_586 {strides = array<i32>} : memref<78x128xf32, #tpu.memory_space<vmem>>, vector<16xf32>,
        %swap3A_618 = arith.constant 20 : i32
        %swap3A_619 = arith.index_cast %swap3A_618 : i32 to index
        %swap3A_620 = arith.index_cast %mul3A_562 : i32 to index
        %swap3A_621 = tpu.vector_load %arg13[%swap3A_619, %swap3A_620] {strides = array<i32>} : memref<78x128xf32, #tpu.memory_space<vmem>>, vector<16xf32>,
        tpu.vector_store %arg13[%swap3A_619, %swap3A_620], %gather3A_590 {strides = array<i32>} : memref<78x128xf32, #tpu.memory_space<vmem>>, vector<16xf32>,
        %swap3A_622 = arith.constant 21 : i32
        %swap3A_623 = arith.index_cast %swap3A_622 : i32 to index
        %swap3A_624 = arith.index_cast %mul3A_562 : i32 to index
        %swap3A_625 = tpu.vector_load %arg13[%swap3A_623, %swap3A_624] {strides = array<i32>} : memref<78x128xf32, #tpu.memory_space<vmem>>, vector<16xf32>,
        tpu.vector_store %arg13[%swap3A_623, %swap3A_624], %gather3A_594 {strides = array<i32>} : memref<78x128xf32, #tpu.memory_space<vmem>>, vector<16xf32>,
        %swap3A_626 = arith.constant 22 : i32
        %swap3A_627 = arith.index_cast %swap3A_626 : i32 to index
        %swap3A_628 = arith.index_cast %mul3A_562 : i32 to index
        %swap3A_629 = tpu.vector_load %arg13[%swap3A_627, %swap3A_628] {strides = array<i32>} : memref<78x128xf32, #tpu.memory_space<vmem>>, vector<16xf32>,
        tpu.vector_store %arg13[%swap3A_627, %swap3A_628], %gather3A_598 {strides = array<i32>} : memref<78x128xf32, #tpu.memory_space<vmem>>, vector<16xf32>,
        %swap3A_630 = arith.constant 23 : i32
        %swap3A_631 = arith.index_cast %swap3A_630 : i32 to index
        %swap3A_632 = arith.index_cast %mul3A_562 : i32 to index
        %swap3A_633 = tpu.vector_load %arg13[%swap3A_631, %swap3A_632] {strides = array<i32>} : memref<78x128xf32, #tpu.memory_space<vmem>>, vector<16xf32>,
        tpu.vector_store %arg13[%swap3A_631, %swap3A_632], %gather3A_602 {strides = array<i32>} : memref<78x128xf32, #tpu.memory_space<vmem>>, vector<16xf32>,
        %add3A_634 = arith.constant 8 : i32
        %add3A_635 = vector.broadcast %add3A_634 : i32 to vector<16xi32>
        %add3A_636 = arith.addi %select_n3A_571, %add3A_635 : vector<16xi32>
        %gather3A_637 = tpu.vector_load_idx %arg11[%add3A_564, %add3A_636] : memref<128x128xf32, #tpu.memory_space<vmem>>[vector<16xi32>, vector<16xi32>], vector<16xf32>,
        %add3A_638 = arith.constant 9 : i32
        %add3A_639 = vector.broadcast %add3A_638 : i32 to vector<16xi32>
        %add3A_640 = arith.addi %select_n3A_571, %add3A_639 : vector<16xi32>
        %gather3A_641 = tpu.vector_load_idx %arg11[%add3A_564, %add3A_640] : memref<128x128xf32, #tpu.memory_space<vmem>>[vector<16xi32>, vector<16xi32>], vector<16xf32>,
        %add3A_642 = arith.constant 10 : i32
        %add3A_643 = vector.broadcast %add3A_642 : i32 to vector<16xi32>
        %add3A_644 = arith.addi %select_n3A_571, %add3A_643 : vector<16xi32>
        %gather3A_645 = tpu.vector_load_idx %arg11[%add3A_564, %add3A_644] : memref<128x128xf32, #tpu.memory_space<vmem>>[vector<16xi32>, vector<16xi32>], vector<16xf32>,
        %add3A_646 = arith.constant 11 : i32
        %add3A_647 = vector.broadcast %add3A_646 : i32 to vector<16xi32>
        %add3A_648 = arith.addi %select_n3A_571, %add3A_647 : vector<16xi32>
        %gather3A_649 = tpu.vector_load_idx %arg11[%add3A_564, %add3A_648] : memref<128x128xf32, #tpu.memory_space<vmem>>[vector<16xi32>, vector<16xi32>], vector<16xf32>,
        %add3A_650 = arith.constant 12 : i32
        %add3A_651 = vector.broadcast %add3A_650 : i32 to vector<16xi32>
        %add3A_652 = arith.addi %select_n3A_571, %add3A_651 : vector<16xi32>
        %gather3A_653 = tpu.vector_load_idx %arg11[%add3A_564, %add3A_652] : memref<128x128xf32, #tpu.memory_space<vmem>>[vector<16xi32>, vector<16xi32>], vector<16xf32>,
        %add3A_654 = arith.constant 13 : i32
        %add3A_655 = vector.broadcast %add3A_654 : i32 to vector<16xi32>
        %add3A_656 = arith.addi %select_n3A_571, %add3A_655 : vector<16xi32>
        %gather3A_657 = tpu.vector_load_idx %arg11[%add3A_564, %add3A_656] : memref<128x128xf32, #tpu.memory_space<vmem>>[vector<16xi32>, vector<16xi32>], vector<16xf32>,
        %add3A_658 = arith.constant 14 : i32
        %add3A_659 = vector.broadcast %add3A_658 : i32 to vector<16xi32>
        %add3A_660 = arith.addi %select_n3A_571, %add3A_659 : vector<16xi32>
        %gather3A_661 = tpu.vector_load_idx %arg11[%add3A_564, %add3A_660] : memref<128x128xf32, #tpu.memory_space<vmem>>[vector<16xi32>, vector<16xi32>], vector<16xf32>,
        %add3A_662 = arith.constant 15 : i32
        %add3A_663 = vector.broadcast %add3A_662 : i32 to vector<16xi32>
        %add3A_664 = arith.addi %select_n3A_571, %add3A_663 : vector<16xi32>
        %gather3A_665 = tpu.vector_load_idx %arg11[%add3A_564, %add3A_664] : memref<128x128xf32, #tpu.memory_space<vmem>>[vector<16xi32>, vector<16xi32>], vector<16xf32>,
        %swap3A_666 = arith.constant 24 : i32
        %swap3A_667 = arith.index_cast %swap3A_666 : i32 to index
        %swap3A_668 = arith.index_cast %mul3A_562 : i32 to index
        %swap3A_669 = tpu.vector_load %arg13[%swap3A_667, %swap3A_668] {strides = array<i32>} : memref<78x128xf32, #tpu.memory_space<vmem>>, vector<16xf32>,
        tpu.vector_store %arg13[%swap3A_667, %swap3A_668], %gather3A_637 {strides = array<i32>} : memref<78x128xf32, #tpu.memory_space<vmem>>, vector<16xf32>,
        %swap3A_670 = arith.constant 25 : i32
        %swap3A_671 = arith.index_cast %swap3A_670 : i32 to index
        %swap3A_672 = arith.index_cast %mul3A_562 : i32 to index
        %swap3A_673 = tpu.vector_load %arg13[%swap3A_671, %swap3A_672] {strides = array<i32>} : memref<78x128xf32, #tpu.memory_space<vmem>>, vector<16xf32>,
        tpu.vector_store %arg13[%swap3A_671, %swap3A_672], %gather3A_641 {strides = array<i32>} : memref<78x128xf32, #tpu.memory_space<vmem>>, vector<16xf32>,
        %swap3A_674 = arith.constant 26 : i32
        %swap3A_675 = arith.index_cast %swap3A_674 : i32 to index
        %swap3A_676 = arith.index_cast %mul3A_562 : i32 to index
        %swap3A_677 = tpu.vector_load %arg13[%swap3A_675, %swap3A_676] {strides = array<i32>} : memref<78x128xf32, #tpu.memory_space<vmem>>, vector<16xf32>,
        tpu.vector_store %arg13[%swap3A_675, %swap3A_676], %gather3A_645 {strides = array<i32>} : memref<78x128xf32, #tpu.memory_space<vmem>>, vector<16xf32>,
        %swap3A_678 = arith.constant 27 : i32
        %swap3A_679 = arith.index_cast %swap3A_678 : i32 to index
        %swap3A_680 = arith.index_cast %mul3A_562 : i32 to index
        %swap3A_681 = tpu.vector_load %arg13[%swap3A_679, %swap3A_680] {strides = array<i32>} : memref<78x128xf32, #tpu.memory_space<vmem>>, vector<16xf32>,
        tpu.vector_store %arg13[%swap3A_679, %swap3A_680], %gather3A_649 {strides = array<i32>} : memref<78x128xf32, #tpu.memory_space<vmem>>, vector<16xf32>,
        %swap3A_682 = arith.constant 28 : i32
        %swap3A_683 = arith.index_cast %swap3A_682 : i32 to index
        %swap3A_684 = arith.index_cast %mul3A_562 : i32 to index
        %swap3A_685 = tpu.vector_load %arg13[%swap3A_683, %swap3A_684] {strides = array<i32>} : memref<78x128xf32, #tpu.memory_space<vmem>>, vector<16xf32>,
        tpu.vector_store %arg13[%swap3A_683, %swap3A_684], %gather3A_653 {strides = array<i32>} : memref<78x128xf32, #tpu.memory_space<vmem>>, vector<16xf32>,
        %swap3A_686 = arith.constant 29 : i32
        %swap3A_687 = arith.index_cast %swap3A_686 : i32 to index
        %swap3A_688 = arith.index_cast %mul3A_562 : i32 to index
        %swap3A_689 = tpu.vector_load %arg13[%swap3A_687, %swap3A_688] {strides = array<i32>} : memref<78x128xf32, #tpu.memory_space<vmem>>, vector<16xf32>,
        tpu.vector_store %arg13[%swap3A_687, %swap3A_688], %gather3A_657 {strides = array<i32>} : memref<78x128xf32, #tpu.memory_space<vmem>>, vector<16xf32>,
        %swap3A_690 = arith.constant 30 : i32
        %swap3A_691 = arith.index_cast %swap3A_690 : i32 to index
        %swap3A_692 = arith.index_cast %mul3A_562 : i32 to index
        %swap3A_693 = tpu.vector_load %arg13[%swap3A_691, %swap3A_692] {strides = array<i32>} : memref<78x128xf32, #tpu.memory_space<vmem>>, vector<16xf32>,
        tpu.vector_store %arg13[%swap3A_691, %swap3A_692], %gather3A_661 {strides = array<i32>} : memref<78x128xf32, #tpu.memory_space<vmem>>, vector<16xf32>,
        %swap3A_694 = arith.constant 31 : i32
        %swap3A_695 = arith.index_cast %swap3A_694 : i32 to index
        %swap3A_696 = arith.index_cast %mul3A_562 : i32 to index
        %swap3A_697 = tpu.vector_load %arg13[%swap3A_695, %swap3A_696] {strides = array<i32>} : memref<78x128xf32, #tpu.memory_space<vmem>>, vector<16xf32>,
        tpu.vector_store %arg13[%swap3A_695, %swap3A_696], %gather3A_665 {strides = array<i32>} : memref<78x128xf32, #tpu.memory_space<vmem>>, vector<16xf32>,
        %add3A_698 = arith.constant 16 : i32
        %add3A_699 = vector.broadcast %add3A_698 : i32 to vector<16xi32>
        %add3A_700 = arith.addi %select_n3A_571, %add3A_699 : vector<16xi32>
        %gather3A_701 = tpu.vector_load_idx %arg11[%add3A_564, %add3A_700] : memref<128x128xf32, #tpu.memory_space<vmem>>[vector<16xi32>, vector<16xi32>], vector<16xf32>,
        %add3A_702 = arith.constant 17 : i32
        %add3A_703 = vector.broadcast %add3A_702 : i32 to vector<16xi32>
        %add3A_704 = arith.addi %select_n3A_571, %add3A_703 : vector<16xi32>
        %gather3A_705 = tpu.vector_load_idx %arg11[%add3A_564, %add3A_704] : memref<128x128xf32, #tpu.memory_space<vmem>>[vector<16xi32>, vector<16xi32>], vector<16xf32>,
        %add3A_706 = arith.constant 18 : i32
        %add3A_707 = vector.broadcast %add3A_706 : i32 to vector<16xi32>
        %add3A_708 = arith.addi %select_n3A_571, %add3A_707 : vector<16xi32>
        %gather3A_709 = tpu.vector_load_idx %arg11[%add3A_564, %add3A_708] : memref<128x128xf32, #tpu.memory_space<vmem>>[vector<16xi32>, vector<16xi32>], vector<16xf32>,
        %add3A_710 = arith.constant 19 : i32
        %add3A_711 = vector.broadcast %add3A_710 : i32 to vector<16xi32>
        %add3A_712 = arith.addi %select_n3A_571, %add3A_711 : vector<16xi32>
        %gather3A_713 = tpu.vector_load_idx %arg11[%add3A_564, %add3A_712] : memref<128x128xf32, #tpu.memory_space<vmem>>[vector<16xi32>, vector<16xi32>], vector<16xf32>,
        %add3A_714 = arith.constant 20 : i32
        %add3A_715 = vector.broadcast %add3A_714 : i32 to vector<16xi32>
        %add3A_716 = arith.addi %select_n3A_571, %add3A_715 : vector<16xi32>
        %gather3A_717 = tpu.vector_load_idx %arg11[%add3A_564, %add3A_716] : memref<128x128xf32, #tpu.memory_space<vmem>>[vector<16xi32>, vector<16xi32>], vector<16xf32>,
        %add3A_718 = arith.constant 21 : i32
        %add3A_719 = vector.broadcast %add3A_718 : i32 to vector<16xi32>
        %add3A_720 = arith.addi %select_n3A_571, %add3A_719 : vector<16xi32>
        %gather3A_721 = tpu.vector_load_idx %arg11[%add3A_564, %add3A_720] : memref<128x128xf32, #tpu.memory_space<vmem>>[vector<16xi32>, vector<16xi32>], vector<16xf32>,
        %add3A_722 = arith.constant 22 : i32
        %add3A_723 = vector.broadcast %add3A_722 : i32 to vector<16xi32>
        %add3A_724 = arith.addi %select_n3A_571, %add3A_723 : vector<16xi32>
        %gather3A_725 = tpu.vector_load_idx %arg11[%add3A_564, %add3A_724] : memref<128x128xf32, #tpu.memory_space<vmem>>[vector<16xi32>, vector<16xi32>], vector<16xf32>,
        %add3A_726 = arith.constant 23 : i32
        %add3A_727 = vector.broadcast %add3A_726 : i32 to vector<16xi32>
        %add3A_728 = arith.addi %select_n3A_571, %add3A_727 : vector<16xi32>
        %gather3A_729 = tpu.vector_load_idx %arg11[%add3A_564, %add3A_728] : memref<128x128xf32, #tpu.memory_space<vmem>>[vector<16xi32>, vector<16xi32>], vector<16xf32>,
        %swap3A_730 = arith.constant 32 : i32
        %swap3A_731 = arith.index_cast %swap3A_730 : i32 to index
        %swap3A_732 = arith.index_cast %mul3A_562 : i32 to index
        %swap3A_733 = tpu.vector_load %arg13[%swap3A_731, %swap3A_732] {strides = array<i32>} : memref<78x128xf32, #tpu.memory_space<vmem>>, vector<16xf32>,
        tpu.vector_store %arg13[%swap3A_731, %swap3A_732], %gather3A_701 {strides = array<i32>} : memref<78x128xf32, #tpu.memory_space<vmem>>, vector<16xf32>,
        %swap3A_734 = arith.constant 33 : i32
        %swap3A_735 = arith.index_cast %swap3A_734 : i32 to index
        %swap3A_736 = arith.index_cast %mul3A_562 : i32 to index
        %swap3A_737 = tpu.vector_load %arg13[%swap3A_735, %swap3A_736] {strides = array<i32>} : memref<78x128xf32, #tpu.memory_space<vmem>>, vector<16xf32>,
        tpu.vector_store %arg13[%swap3A_735, %swap3A_736], %gather3A_705 {strides = array<i32>} : memref<78x128xf32, #tpu.memory_space<vmem>>, vector<16xf32>,
        %swap3A_738 = arith.constant 34 : i32
        %swap3A_739 = arith.index_cast %swap3A_738 : i32 to index
        %swap3A_740 = arith.index_cast %mul3A_562 : i32 to index
        %swap3A_741 = tpu.vector_load %arg13[%swap3A_739, %swap3A_740] {strides = array<i32>} : memref<78x128xf32, #tpu.memory_space<vmem>>, vector<16xf32>,
        tpu.vector_store %arg13[%swap3A_739, %swap3A_740], %gather3A_709 {strides = array<i32>} : memref<78x128xf32, #tpu.memory_space<vmem>>, vector<16xf32>,
        %swap3A_742 = arith.constant 35 : i32
        %swap3A_743 = arith.index_cast %swap3A_742 : i32 to index
        %swap3A_744 = arith.index_cast %mul3A_562 : i32 to index
        %swap3A_745 = tpu.vector_load %arg13[%swap3A_743, %swap3A_744] {strides = array<i32>} : memref<78x128xf32, #tpu.memory_space<vmem>>, vector<16xf32>,
        tpu.vector_store %arg13[%swap3A_743, %swap3A_744], %gather3A_713 {strides = array<i32>} : memref<78x128xf32, #tpu.memory_space<vmem>>, vector<16xf32>,
        %swap3A_746 = arith.constant 36 : i32
        %swap3A_747 = arith.index_cast %swap3A_746 : i32 to index
        %swap3A_748 = arith.index_cast %mul3A_562 : i32 to index
        %swap3A_749 = tpu.vector_load %arg13[%swap3A_747, %swap3A_748] {strides = array<i32>} : memref<78x128xf32, #tpu.memory_space<vmem>>, vector<16xf32>,
        tpu.vector_store %arg13[%swap3A_747, %swap3A_748], %gather3A_717 {strides = array<i32>} : memref<78x128xf32, #tpu.memory_space<vmem>>, vector<16xf32>,
        %swap3A_750 = arith.constant 37 : i32
        %swap3A_751 = arith.index_cast %swap3A_750 : i32 to index
        %swap3A_752 = arith.index_cast %mul3A_562 : i32 to index
        %swap3A_753 = tpu.vector_load %arg13[%swap3A_751, %swap3A_752] {strides = array<i32>} : memref<78x128xf32, #tpu.memory_space<vmem>>, vector<16xf32>,
        tpu.vector_store %arg13[%swap3A_751, %swap3A_752], %gather3A_721 {strides = array<i32>} : memref<78x128xf32, #tpu.memory_space<vmem>>, vector<16xf32>,
        %swap3A_754 = arith.constant 38 : i32
        %swap3A_755 = arith.index_cast %swap3A_754 : i32 to index
        %swap3A_756 = arith.index_cast %mul3A_562 : i32 to index
        %swap3A_757 = tpu.vector_load %arg13[%swap3A_755, %swap3A_756] {strides = array<i32>} : memref<78x128xf32, #tpu.memory_space<vmem>>, vector<16xf32>,
        tpu.vector_store %arg13[%swap3A_755, %swap3A_756], %gather3A_725 {strides = array<i32>} : memref<78x128xf32, #tpu.memory_space<vmem>>, vector<16xf32>,
        %swap3A_758 = arith.constant 39 : i32
        %swap3A_759 = arith.index_cast %swap3A_758 : i32 to index
        %swap3A_760 = arith.index_cast %mul3A_562 : i32 to index
        %swap3A_761 = tpu.vector_load %arg13[%swap3A_759, %swap3A_760] {strides = array<i32>} : memref<78x128xf32, #tpu.memory_space<vmem>>, vector<16xf32>,
        tpu.vector_store %arg13[%swap3A_759, %swap3A_760], %gather3A_729 {strides = array<i32>} : memref<78x128xf32, #tpu.memory_space<vmem>>, vector<16xf32>,
        %add3A_762 = arith.constant 24 : i32
        %add3A_763 = vector.broadcast %add3A_762 : i32 to vector<16xi32>
        %add3A_764 = arith.addi %select_n3A_571, %add3A_763 : vector<16xi32>
        %gather3A_765 = tpu.vector_load_idx %arg11[%add3A_564, %add3A_764] : memref<128x128xf32, #tpu.memory_space<vmem>>[vector<16xi32>, vector<16xi32>], vector<16xf32>,
        %add3A_766 = arith.constant 25 : i32
        %add3A_767 = vector.broadcast %add3A_766 : i32 to vector<16xi32>
        %add3A_768 = arith.addi %select_n3A_571, %add3A_767 : vector<16xi32>
        %gather3A_769 = tpu.vector_load_idx %arg11[%add3A_564, %add3A_768] : memref<128x128xf32, #tpu.memory_space<vmem>>[vector<16xi32>, vector<16xi32>], vector<16xf32>,
        %add3A_770 = arith.constant 26 : i32
        %add3A_771 = vector.broadcast %add3A_770 : i32 to vector<16xi32>
        %add3A_772 = arith.addi %select_n3A_571, %add3A_771 : vector<16xi32>
        %gather3A_773 = tpu.vector_load_idx %arg11[%add3A_564, %add3A_772] : memref<128x128xf32, #tpu.memory_space<vmem>>[vector<16xi32>, vector<16xi32>], vector<16xf32>,
        %add3A_774 = arith.constant 27 : i32
        %add3A_775 = vector.broadcast %add3A_774 : i32 to vector<16xi32>
        %add3A_776 = arith.addi %select_n3A_571, %add3A_775 : vector<16xi32>
        %gather3A_777 = tpu.vector_load_idx %arg11[%add3A_564, %add3A_776] : memref<128x128xf32, #tpu.memory_space<vmem>>[vector<16xi32>, vector<16xi32>], vector<16xf32>,
        %add3A_778 = arith.constant 28 : i32
        %add3A_779 = vector.broadcast %add3A_778 : i32 to vector<16xi32>
        %add3A_780 = arith.addi %select_n3A_571, %add3A_779 : vector<16xi32>
        %gather3A_781 = tpu.vector_load_idx %arg11[%add3A_564, %add3A_780] : memref<128x128xf32, #tpu.memory_space<vmem>>[vector<16xi32>, vector<16xi32>], vector<16xf32>,
        %add3A_782 = arith.constant 29 : i32
        %add3A_783 = vector.broadcast %add3A_782 : i32 to vector<16xi32>
        %add3A_784 = arith.addi %select_n3A_571, %add3A_783 : vector<16xi32>
        %gather3A_785 = tpu.vector_load_idx %arg11[%add3A_564, %add3A_784] : memref<128x128xf32, #tpu.memory_space<vmem>>[vector<16xi32>, vector<16xi32>], vector<16xf32>,
        %add3A_786 = arith.constant 30 : i32
        %add3A_787 = vector.broadcast %add3A_786 : i32 to vector<16xi32>
        %add3A_788 = arith.addi %select_n3A_571, %add3A_787 : vector<16xi32>
        %gather3A_789 = tpu.vector_load_idx %arg11[%add3A_564, %add3A_788] : memref<128x128xf32, #tpu.memory_space<vmem>>[vector<16xi32>, vector<16xi32>], vector<16xf32>,
        %add3A_790 = arith.constant 31 : i32
        %add3A_791 = vector.broadcast %add3A_790 : i32 to vector<16xi32>
        %add3A_792 = arith.addi %select_n3A_571, %add3A_791 : vector<16xi32>
        %gather3A_793 = tpu.vector_load_idx %arg11[%add3A_564, %add3A_792] : memref<128x128xf32, #tpu.memory_space<vmem>>[vector<16xi32>, vector<16xi32>], vector<16xf32>,
        %swap3A_794 = arith.constant 40 : i32
        %swap3A_795 = arith.index_cast %swap3A_794 : i32 to index
        %swap3A_796 = arith.index_cast %mul3A_562 : i32 to index
        %swap3A_797 = tpu.vector_load %arg13[%swap3A_795, %swap3A_796] {strides = array<i32>} : memref<78x128xf32, #tpu.memory_space<vmem>>, vector<16xf32>,
        tpu.vector_store %arg13[%swap3A_795, %swap3A_796], %gather3A_765 {strides = array<i32>} : memref<78x128xf32, #tpu.memory_space<vmem>>, vector<16xf32>,
        %swap3A_798 = arith.constant 41 : i32
        %swap3A_799 = arith.index_cast %swap3A_798 : i32 to index
        %swap3A_800 = arith.index_cast %mul3A_562 : i32 to index
        %swap3A_801 = tpu.vector_load %arg13[%swap3A_799, %swap3A_800] {strides = array<i32>} : memref<78x128xf32, #tpu.memory_space<vmem>>, vector<16xf32>,
        tpu.vector_store %arg13[%swap3A_799, %swap3A_800], %gather3A_769 {strides = array<i32>} : memref<78x128xf32, #tpu.memory_space<vmem>>, vector<16xf32>,
        %swap3A_802 = arith.constant 42 : i32
        %swap3A_803 = arith.index_cast %swap3A_802 : i32 to index
        %swap3A_804 = arith.index_cast %mul3A_562 : i32 to index
        %swap3A_805 = tpu.vector_load %arg13[%swap3A_803, %swap3A_804] {strides = array<i32>} : memref<78x128xf32, #tpu.memory_space<vmem>>, vector<16xf32>,
        tpu.vector_store %arg13[%swap3A_803, %swap3A_804], %gather3A_773 {strides = array<i32>} : memref<78x128xf32, #tpu.memory_space<vmem>>, vector<16xf32>,
        %swap3A_806 = arith.constant 43 : i32
        %swap3A_807 = arith.index_cast %swap3A_806 : i32 to index
        %swap3A_808 = arith.index_cast %mul3A_562 : i32 to index
        %swap3A_809 = tpu.vector_load %arg13[%swap3A_807, %swap3A_808] {strides = array<i32>} : memref<78x128xf32, #tpu.memory_space<vmem>>, vector<16xf32>,
        tpu.vector_store %arg13[%swap3A_807, %swap3A_808], %gather3A_777 {strides = array<i32>} : memref<78x128xf32, #tpu.memory_space<vmem>>, vector<16xf32>,
        %swap3A_810 = arith.constant 44 : i32
        %swap3A_811 = arith.index_cast %swap3A_810 : i32 to index
        %swap3A_812 = arith.index_cast %mul3A_562 : i32 to index
        %swap3A_813 = tpu.vector_load %arg13[%swap3A_811, %swap3A_812] {strides = array<i32>} : memref<78x128xf32, #tpu.memory_space<vmem>>, vector<16xf32>,
        tpu.vector_store %arg13[%swap3A_811, %swap3A_812], %gather3A_781 {strides = array<i32>} : memref<78x128xf32, #tpu.memory_space<vmem>>, vector<16xf32>,
        %swap3A_814 = arith.constant 45 : i32
        %swap3A_815 = arith.index_cast %swap3A_814 : i32 to index
        %swap3A_816 = arith.index_cast %mul3A_562 : i32 to index
        %swap3A_817 = tpu.vector_load %arg13[%swap3A_815, %swap3A_816] {strides = array<i32>} : memref<78x128xf32, #tpu.memory_space<vmem>>, vector<16xf32>,
        tpu.vector_store %arg13[%swap3A_815, %swap3A_816], %gather3A_785 {strides = array<i32>} : memref<78x128xf32, #tpu.memory_space<vmem>>, vector<16xf32>,
        %swap3A_818 = arith.constant 46 : i32
        %swap3A_819 = arith.index_cast %swap3A_818 : i32 to index
        %swap3A_820 = arith.index_cast %mul3A_562 : i32 to index
        %swap3A_821 = tpu.vector_load %arg13[%swap3A_819, %swap3A_820] {strides = array<i32>} : memref<78x128xf32, #tpu.memory_space<vmem>>, vector<16xf32>,
        tpu.vector_store %arg13[%swap3A_819, %swap3A_820], %gather3A_789 {strides = array<i32>} : memref<78x128xf32, #tpu.memory_space<vmem>>, vector<16xf32>,
        %swap3A_822 = arith.constant 47 : i32
        %swap3A_823 = arith.index_cast %swap3A_822 : i32 to index
        %swap3A_824 = arith.index_cast %mul3A_562 : i32 to index
        %swap3A_825 = tpu.vector_load %arg13[%swap3A_823, %swap3A_824] {strides = array<i32>} : memref<78x128xf32, #tpu.memory_space<vmem>>, vector<16xf32>,
        tpu.vector_store %arg13[%swap3A_823, %swap3A_824], %gather3A_793 {strides = array<i32>} : memref<78x128xf32, #tpu.memory_space<vmem>>, vector<16xf32>,
        %add3A_826 = arith.constant 32 : i32
        %add3A_827 = vector.broadcast %add3A_826 : i32 to vector<16xi32>
        %add3A_828 = arith.addi %select_n3A_571, %add3A_827 : vector<16xi32>
        %gather3A_829 = tpu.vector_load_idx %arg11[%add3A_564, %add3A_828] : memref<128x128xf32, #tpu.memory_space<vmem>>[vector<16xi32>, vector<16xi32>], vector<16xf32>,
        %add3A_830 = arith.constant 33 : i32
        %add3A_831 = vector.broadcast %add3A_830 : i32 to vector<16xi32>
        %add3A_832 = arith.addi %select_n3A_571, %add3A_831 : vector<16xi32>
        %gather3A_833 = tpu.vector_load_idx %arg11[%add3A_564, %add3A_832] : memref<128x128xf32, #tpu.memory_space<vmem>>[vector<16xi32>, vector<16xi32>], vector<16xf32>,
        %add3A_834 = arith.constant 34 : i32
        %add3A_835 = vector.broadcast %add3A_834 : i32 to vector<16xi32>
        %add3A_836 = arith.addi %select_n3A_571, %add3A_835 : vector<16xi32>
        %gather3A_837 = tpu.vector_load_idx %arg11[%add3A_564, %add3A_836] : memref<128x128xf32, #tpu.memory_space<vmem>>[vector<16xi32>, vector<16xi32>], vector<16xf32>,
        %add3A_838 = arith.constant 35 : i32
        %add3A_839 = vector.broadcast %add3A_838 : i32 to vector<16xi32>
        %add3A_840 = arith.addi %select_n3A_571, %add3A_839 : vector<16xi32>
        %gather3A_841 = tpu.vector_load_idx %arg11[%add3A_564, %add3A_840] : memref<128x128xf32, #tpu.memory_space<vmem>>[vector<16xi32>, vector<16xi32>], vector<16xf32>,
        %add3A_842 = arith.constant 36 : i32
        %add3A_843 = vector.broadcast %add3A_842 : i32 to vector<16xi32>
        %add3A_844 = arith.addi %select_n3A_571, %add3A_843 : vector<16xi32>
        %gather3A_845 = tpu.vector_load_idx %arg11[%add3A_564, %add3A_844] : memref<128x128xf32, #tpu.memory_space<vmem>>[vector<16xi32>, vector<16xi32>], vector<16xf32>,
        %add3A_846 = arith.constant 37 : i32
        %add3A_847 = vector.broadcast %add3A_846 : i32 to vector<16xi32>
        %add3A_848 = arith.addi %select_n3A_571, %add3A_847 : vector<16xi32>
        %gather3A_849 = tpu.vector_load_idx %arg11[%add3A_564, %add3A_848] : memref<128x128xf32, #tpu.memory_space<vmem>>[vector<16xi32>, vector<16xi32>], vector<16xf32>,
        %add3A_850 = arith.constant 38 : i32
        %add3A_851 = vector.broadcast %add3A_850 : i32 to vector<16xi32>
        %add3A_852 = arith.addi %select_n3A_571, %add3A_851 : vector<16xi32>
        %gather3A_853 = tpu.vector_load_idx %arg11[%add3A_564, %add3A_852] : memref<128x128xf32, #tpu.memory_space<vmem>>[vector<16xi32>, vector<16xi32>], vector<16xf32>,
        %add3A_854 = arith.constant 39 : i32
        %add3A_855 = vector.broadcast %add3A_854 : i32 to vector<16xi32>
        %add3A_856 = arith.addi %select_n3A_571, %add3A_855 : vector<16xi32>
        %gather3A_857 = tpu.vector_load_idx %arg11[%add3A_564, %add3A_856] : memref<128x128xf32, #tpu.memory_space<vmem>>[vector<16xi32>, vector<16xi32>], vector<16xf32>,
        %swap3A_858 = arith.constant 48 : i32
        %swap3A_859 = arith.index_cast %swap3A_858 : i32 to index
        %swap3A_860 = arith.index_cast %mul3A_562 : i32 to index
        %swap3A_861 = tpu.vector_load %arg13[%swap3A_859, %swap3A_860] {strides = array<i32>} : memref<78x128xf32, #tpu.memory_space<vmem>>, vector<16xf32>,
        tpu.vector_store %arg13[%swap3A_859, %swap3A_860], %gather3A_829 {strides = array<i32>} : memref<78x128xf32, #tpu.memory_space<vmem>>, vector<16xf32>,
        %swap3A_862 = arith.constant 49 : i32
        %swap3A_863 = arith.index_cast %swap3A_862 : i32 to index
        %swap3A_864 = arith.index_cast %mul3A_562 : i32 to index
        %swap3A_865 = tpu.vector_load %arg13[%swap3A_863, %swap3A_864] {strides = array<i32>} : memref<78x128xf32, #tpu.memory_space<vmem>>, vector<16xf32>,
        tpu.vector_store %arg13[%swap3A_863, %swap3A_864], %gather3A_833 {strides = array<i32>} : memref<78x128xf32, #tpu.memory_space<vmem>>, vector<16xf32>,
        %swap3A_866 = arith.constant 50 : i32
        %swap3A_867 = arith.index_cast %swap3A_866 : i32 to index
        %swap3A_868 = arith.index_cast %mul3A_562 : i32 to index
        %swap3A_869 = tpu.vector_load %arg13[%swap3A_867, %swap3A_868] {strides = array<i32>} : memref<78x128xf32, #tpu.memory_space<vmem>>, vector<16xf32>,
        tpu.vector_store %arg13[%swap3A_867, %swap3A_868], %gather3A_837 {strides = array<i32>} : memref<78x128xf32, #tpu.memory_space<vmem>>, vector<16xf32>,
        %swap3A_870 = arith.constant 51 : i32
        %swap3A_871 = arith.index_cast %swap3A_870 : i32 to index
        %swap3A_872 = arith.index_cast %mul3A_562 : i32 to index
        %swap3A_873 = tpu.vector_load %arg13[%swap3A_871, %swap3A_872] {strides = array<i32>} : memref<78x128xf32, #tpu.memory_space<vmem>>, vector<16xf32>,
        tpu.vector_store %arg13[%swap3A_871, %swap3A_872], %gather3A_841 {strides = array<i32>} : memref<78x128xf32, #tpu.memory_space<vmem>>, vector<16xf32>,
        %swap3A_874 = arith.constant 52 : i32
        %swap3A_875 = arith.index_cast %swap3A_874 : i32 to index
        %swap3A_876 = arith.index_cast %mul3A_562 : i32 to index
        %swap3A_877 = tpu.vector_load %arg13[%swap3A_875, %swap3A_876] {strides = array<i32>} : memref<78x128xf32, #tpu.memory_space<vmem>>, vector<16xf32>,
        tpu.vector_store %arg13[%swap3A_875, %swap3A_876], %gather3A_845 {strides = array<i32>} : memref<78x128xf32, #tpu.memory_space<vmem>>, vector<16xf32>,
        %swap3A_878 = arith.constant 53 : i32
        %swap3A_879 = arith.index_cast %swap3A_878 : i32 to index
        %swap3A_880 = arith.index_cast %mul3A_562 : i32 to index
        %swap3A_881 = tpu.vector_load %arg13[%swap3A_879, %swap3A_880] {strides = array<i32>} : memref<78x128xf32, #tpu.memory_space<vmem>>, vector<16xf32>,
        tpu.vector_store %arg13[%swap3A_879, %swap3A_880], %gather3A_849 {strides = array<i32>} : memref<78x128xf32, #tpu.memory_space<vmem>>, vector<16xf32>,
        %swap3A_882 = arith.constant 54 : i32
        %swap3A_883 = arith.index_cast %swap3A_882 : i32 to index
        %swap3A_884 = arith.index_cast %mul3A_562 : i32 to index
        %swap3A_885 = tpu.vector_load %arg13[%swap3A_883, %swap3A_884] {strides = array<i32>} : memref<78x128xf32, #tpu.memory_space<vmem>>, vector<16xf32>,
        tpu.vector_store %arg13[%swap3A_883, %swap3A_884], %gather3A_853 {strides = array<i32>} : memref<78x128xf32, #tpu.memory_space<vmem>>, vector<16xf32>,
        %swap3A_886 = arith.constant 55 : i32
        %swap3A_887 = arith.index_cast %swap3A_886 : i32 to index
        %swap3A_888 = arith.index_cast %mul3A_562 : i32 to index
        %swap3A_889 = tpu.vector_load %arg13[%swap3A_887, %swap3A_888] {strides = array<i32>} : memref<78x128xf32, #tpu.memory_space<vmem>>, vector<16xf32>,
        tpu.vector_store %arg13[%swap3A_887, %swap3A_888], %gather3A_857 {strides = array<i32>} : memref<78x128xf32, #tpu.memory_space<vmem>>, vector<16xf32>,
        %add3A_890 = arith.constant 40 : i32
        %add3A_891 = vector.broadcast %add3A_890 : i32 to vector<16xi32>
        %add3A_892 = arith.addi %select_n3A_571, %add3A_891 : vector<16xi32>
        %gather3A_893 = tpu.vector_load_idx %arg11[%add3A_564, %add3A_892] : memref<128x128xf32, #tpu.memory_space<vmem>>[vector<16xi32>, vector<16xi32>], vector<16xf32>,
        %add3A_894 = arith.constant 41 : i32
        %add3A_895 = vector.broadcast %add3A_894 : i32 to vector<16xi32>
        %add3A_896 = arith.addi %select_n3A_571, %add3A_895 : vector<16xi32>
        %gather3A_897 = tpu.vector_load_idx %arg11[%add3A_564, %add3A_896] : memref<128x128xf32, #tpu.memory_space<vmem>>[vector<16xi32>, vector<16xi32>], vector<16xf32>,
        %add3A_898 = arith.constant 42 : i32
        %add3A_899 = vector.broadcast %add3A_898 : i32 to vector<16xi32>
        %add3A_900 = arith.addi %select_n3A_571, %add3A_899 : vector<16xi32>
        %gather3A_901 = tpu.vector_load_idx %arg11[%add3A_564, %add3A_900] : memref<128x128xf32, #tpu.memory_space<vmem>>[vector<16xi32>, vector<16xi32>], vector<16xf32>,
        %add3A_902 = arith.constant 43 : i32
        %add3A_903 = vector.broadcast %add3A_902 : i32 to vector<16xi32>
        %add3A_904 = arith.addi %select_n3A_571, %add3A_903 : vector<16xi32>
        %gather3A_905 = tpu.vector_load_idx %arg11[%add3A_564, %add3A_904] : memref<128x128xf32, #tpu.memory_space<vmem>>[vector<16xi32>, vector<16xi32>], vector<16xf32>,
        %add3A_906 = arith.constant 44 : i32
        %add3A_907 = vector.broadcast %add3A_906 : i32 to vector<16xi32>
        %add3A_908 = arith.addi %select_n3A_571, %add3A_907 : vector<16xi32>
        %gather3A_909 = tpu.vector_load_idx %arg11[%add3A_564, %add3A_908] : memref<128x128xf32, #tpu.memory_space<vmem>>[vector<16xi32>, vector<16xi32>], vector<16xf32>,
        %add3A_910 = arith.constant 45 : i32
        %add3A_911 = vector.broadcast %add3A_910 : i32 to vector<16xi32>
        %add3A_912 = arith.addi %select_n3A_571, %add3A_911 : vector<16xi32>
        %gather3A_913 = tpu.vector_load_idx %arg11[%add3A_564, %add3A_912] : memref<128x128xf32, #tpu.memory_space<vmem>>[vector<16xi32>, vector<16xi32>], vector<16xf32>,
        %add3A_914 = arith.constant 46 : i32
        %add3A_915 = vector.broadcast %add3A_914 : i32 to vector<16xi32>
        %add3A_916 = arith.addi %select_n3A_571, %add3A_915 : vector<16xi32>
        %gather3A_917 = tpu.vector_load_idx %arg11[%add3A_564, %add3A_916] : memref<128x128xf32, #tpu.memory_space<vmem>>[vector<16xi32>, vector<16xi32>], vector<16xf32>,
        %add3A_918 = arith.constant 47 : i32
        %add3A_919 = vector.broadcast %add3A_918 : i32 to vector<16xi32>
        %add3A_920 = arith.addi %select_n3A_571, %add3A_919 : vector<16xi32>
        %gather3A_921 = tpu.vector_load_idx %arg11[%add3A_564, %add3A_920] : memref<128x128xf32, #tpu.memory_space<vmem>>[vector<16xi32>, vector<16xi32>], vector<16xf32>,
        %swap3A_922 = arith.constant 56 : i32
        %swap3A_923 = arith.index_cast %swap3A_922 : i32 to index
        %swap3A_924 = arith.index_cast %mul3A_562 : i32 to index
        %swap3A_925 = tpu.vector_load %arg13[%swap3A_923, %swap3A_924] {strides = array<i32>} : memref<78x128xf32, #tpu.memory_space<vmem>>, vector<16xf32>,
        tpu.vector_store %arg13[%swap3A_923, %swap3A_924], %gather3A_893 {strides = array<i32>} : memref<78x128xf32, #tpu.memory_space<vmem>>, vector<16xf32>,
        %swap3A_926 = arith.constant 57 : i32
        %swap3A_927 = arith.index_cast %swap3A_926 : i32 to index
        %swap3A_928 = arith.index_cast %mul3A_562 : i32 to index
        %swap3A_929 = tpu.vector_load %arg13[%swap3A_927, %swap3A_928] {strides = array<i32>} : memref<78x128xf32, #tpu.memory_space<vmem>>, vector<16xf32>,
        tpu.vector_store %arg13[%swap3A_927, %swap3A_928], %gather3A_897 {strides = array<i32>} : memref<78x128xf32, #tpu.memory_space<vmem>>, vector<16xf32>,
        %swap3A_930 = arith.constant 58 : i32
        %swap3A_931 = arith.index_cast %swap3A_930 : i32 to index
        %swap3A_932 = arith.index_cast %mul3A_562 : i32 to index
        %swap3A_933 = tpu.vector_load %arg13[%swap3A_931, %swap3A_932] {strides = array<i32>} : memref<78x128xf32, #tpu.memory_space<vmem>>, vector<16xf32>,
        tpu.vector_store %arg13[%swap3A_931, %swap3A_932], %gather3A_901 {strides = array<i32>} : memref<78x128xf32, #tpu.memory_space<vmem>>, vector<16xf32>,
        %swap3A_934 = arith.constant 59 : i32
        %swap3A_935 = arith.index_cast %swap3A_934 : i32 to index
        %swap3A_936 = arith.index_cast %mul3A_562 : i32 to index
        %swap3A_937 = tpu.vector_load %arg13[%swap3A_935, %swap3A_936] {strides = array<i32>} : memref<78x128xf32, #tpu.memory_space<vmem>>, vector<16xf32>,
        tpu.vector_store %arg13[%swap3A_935, %swap3A_936], %gather3A_905 {strides = array<i32>} : memref<78x128xf32, #tpu.memory_space<vmem>>, vector<16xf32>,
        %swap3A_938 = arith.constant 60 : i32
        %swap3A_939 = arith.index_cast %swap3A_938 : i32 to index
        %swap3A_940 = arith.index_cast %mul3A_562 : i32 to index
        %swap3A_941 = tpu.vector_load %arg13[%swap3A_939, %swap3A_940] {strides = array<i32>} : memref<78x128xf32, #tpu.memory_space<vmem>>, vector<16xf32>,
        tpu.vector_store %arg13[%swap3A_939, %swap3A_940], %gather3A_909 {strides = array<i32>} : memref<78x128xf32, #tpu.memory_space<vmem>>, vector<16xf32>,
        %swap3A_942 = arith.constant 61 : i32
        %swap3A_943 = arith.index_cast %swap3A_942 : i32 to index
        %swap3A_944 = arith.index_cast %mul3A_562 : i32 to index
        %swap3A_945 = tpu.vector_load %arg13[%swap3A_943, %swap3A_944] {strides = array<i32>} : memref<78x128xf32, #tpu.memory_space<vmem>>, vector<16xf32>,
        tpu.vector_store %arg13[%swap3A_943, %swap3A_944], %gather3A_913 {strides = array<i32>} : memref<78x128xf32, #tpu.memory_space<vmem>>, vector<16xf32>,
        %swap3A_946 = arith.constant 62 : i32
        %swap3A_947 = arith.index_cast %swap3A_946 : i32 to index
        %swap3A_948 = arith.index_cast %mul3A_562 : i32 to index
        %swap3A_949 = tpu.vector_load %arg13[%swap3A_947, %swap3A_948] {strides = array<i32>} : memref<78x128xf32, #tpu.memory_space<vmem>>, vector<16xf32>,
        tpu.vector_store %arg13[%swap3A_947, %swap3A_948], %gather3A_917 {strides = array<i32>} : memref<78x128xf32, #tpu.memory_space<vmem>>, vector<16xf32>,
        %swap3A_950 = arith.constant 63 : i32
        %swap3A_951 = arith.index_cast %swap3A_950 : i32 to index
        %swap3A_952 = arith.index_cast %mul3A_562 : i32 to index
        %swap3A_953 = tpu.vector_load %arg13[%swap3A_951, %swap3A_952] {strides = array<i32>} : memref<78x128xf32, #tpu.memory_space<vmem>>, vector<16xf32>,
        tpu.vector_store %arg13[%swap3A_951, %swap3A_952], %gather3A_921 {strides = array<i32>} : memref<78x128xf32, #tpu.memory_space<vmem>>, vector<16xf32>,
        %add3A_954 = arith.constant 48 : i32
        %add3A_955 = vector.broadcast %add3A_954 : i32 to vector<16xi32>
        %add3A_956 = arith.addi %select_n3A_571, %add3A_955 : vector<16xi32>
        %gather3A_957 = tpu.vector_load_idx %arg11[%add3A_564, %add3A_956] : memref<128x128xf32, #tpu.memory_space<vmem>>[vector<16xi32>, vector<16xi32>], vector<16xf32>,
        %add3A_958 = arith.constant 49 : i32
        %add3A_959 = vector.broadcast %add3A_958 : i32 to vector<16xi32>
        %add3A_960 = arith.addi %select_n3A_571, %add3A_959 : vector<16xi32>
        %gather3A_961 = tpu.vector_load_idx %arg11[%add3A_564, %add3A_960] : memref<128x128xf32, #tpu.memory_space<vmem>>[vector<16xi32>, vector<16xi32>], vector<16xf32>,
        %swap3A_962 = arith.constant 64 : i32
        %swap3A_963 = arith.index_cast %swap3A_962 : i32 to index
        %swap3A_964 = arith.index_cast %mul3A_562 : i32 to index
        %swap3A_965 = tpu.vector_load %arg13[%swap3A_963, %swap3A_964] {strides = array<i32>} : memref<78x128xf32, #tpu.memory_space<vmem>>, vector<16xf32>,
        tpu.vector_store %arg13[%swap3A_963, %swap3A_964], %gather3A_957 {strides = array<i32>} : memref<78x128xf32, #tpu.memory_space<vmem>>, vector<16xf32>,
        %swap3A_966 = arith.constant 65 : i32
        %swap3A_967 = arith.index_cast %swap3A_966 : i32 to index
        %swap3A_968 = arith.index_cast %mul3A_562 : i32 to index
        %swap3A_969 = tpu.vector_load %arg13[%swap3A_967, %swap3A_968] {strides = array<i32>} : memref<78x128xf32, #tpu.memory_space<vmem>>, vector<16xf32>,
        tpu.vector_store %arg13[%swap3A_967, %swap3A_968], %gather3A_961 {strides = array<i32>} : memref<78x128xf32, #tpu.memory_space<vmem>>, vector<16xf32>,
      }
      %scan3A_552 = arith.constant 8 : i32
      "tpu.region"() ({
        %run_scoped3A = tpu.sem_alloc : memref<!tpu.dma_semaphore, #tpu.memory_space<semaphore_mem>>
        %dma_start3A_560 = arith.constant 0 : i32
        %dma_start3A_561 = tpu.memref_slice %arg5[%select_n3A_456, %dma_start3A_560, %mul3A_474] : memref<50x78x16384xf32, #tpu.memory_space<hbm>> -> memref<1x78x128xf32, #tpu.memory_space<hbm>>
        %dma_start3A_562 = tpu.memref_squeeze %dma_start3A_561 : memref<1x78x128xf32, #tpu.memory_space<hbm>> -> memref<78x128xf32, #tpu.memory_space<hbm>>
        %dma_start3A_563 = arith.constant 0 : i32
        %dma_start3A_564 = tpu.memref_slice %arg5[%select_n3A_456, %dma_start3A_563, %mul3A_474] : memref<50x78x16384xf32, #tpu.memory_space<hbm>> -> memref<1x78x128xf32, #tpu.memory_space<hbm>>
        %dma_start3A_565 = tpu.memref_squeeze %dma_start3A_564 : memref<1x78x128xf32, #tpu.memory_space<hbm>> -> memref<78x128xf32, #tpu.memory_space<hbm>>
        tpu.enqueue_dma source(%arg13 : memref<78x128xf32, #tpu.memory_space<vmem>>) target(%dma_start3A_565 : memref<78x128xf32, #tpu.memory_space<hbm>>) target_semaphore(%run_scoped3A : memref<!tpu.dma_semaphore, #tpu.memory_space<semaphore_mem>>)
        %dma_wait3A_566 = arith.constant 0 : i32
        %dma_wait3A_567 = tpu.memref_slice %arg5[%select_n3A_456, %dma_wait3A_566, %mul3A_474] : memref<50x78x16384xf32, #tpu.memory_space<hbm>> -> memref<1x78x128xf32, #tpu.memory_space<hbm>>
        %dma_wait3A_568 = tpu.memref_squeeze %dma_wait3A_567 : memref<1x78x128xf32, #tpu.memory_space<hbm>> -> memref<78x128xf32, #tpu.memory_space<hbm>>
        %dma_wait3A_569 = arith.constant 0 : i32
        %dma_wait3A_570 = tpu.memref_slice %arg5[%select_n3A_456, %dma_wait3A_569, %mul3A_474] : memref<50x78x16384xf32, #tpu.memory_space<hbm>> -> memref<1x78x128xf32, #tpu.memory_space<hbm>>
        %dma_wait3A_571 = tpu.memref_squeeze %dma_wait3A_570 : memref<1x78x128xf32, #tpu.memory_space<hbm>> -> memref<78x128xf32, #tpu.memory_space<hbm>>
        tpu.wait_dma2 semaphore(%run_scoped3A : memref<!tpu.dma_semaphore, #tpu.memory_space<semaphore_mem>>) src(%arg13 : memref<78x128xf32, #tpu.memory_space<vmem>>) dst(%dma_wait3A_571 : memref<78x128xf32, #tpu.memory_space<hbm>>)
        tpu.yield
      }) : () -> ()
      %add3A_553 = arith.constant 2 : i32
      %add3A_554 = arith.addi %add3A_168, %add3A_553 : i32
      %lt3A_555 = arith.constant 200 : i32
      %lt3A_556 = arith.cmpi slt, %add3A_554, %lt3A_555 : i32
      %convert_element_type3A_557 = arith.extui %lt3A_556 : i1 to i32
      %cond3A_558 = arith.constant 0 : i32
      %cond3A_559 = arith.cmpi ne, %convert_element_type3A_557, %cond3A_558 : i32
      scf.if %cond3A_559 {
        %add3A_560 = arith.constant 2 : i32
        %add3A_561 = arith.addi %add3A_168, %add3A_560 : i32
        %mul3A_562 = arith.constant 32 : i32
        %mul3A_563 = arith.muli %add3A_561, %mul3A_562 : i32
        %add3A_564 = arith.addi %mul3A_563, %add3A : i32
        %jit3A_565 = arith.constant 128 : i32
        %div3A_566 = arith.divsi %add3A_564, %jit3A_565 : i32
        %sign3A_567 = arith.constant 0 : i32
        %sign3A_568 = arith.cmpi sgt, %add3A_564, %sign3A_567 : i32
        %sign3A_569 = arith.extui %sign3A_568 : i1 to i32
        %sign3A_570 = arith.constant 0 : i32
        %sign3A_571 = arith.cmpi slt, %add3A_564, %sign3A_570 : i32
        %sign3A_572 = arith.extui %sign3A_571 : i1 to i32
        %sign3A_573 = arith.subi %sign3A_569, %sign3A_572 : i32
        %sign3A_574 = arith.constant 0 : i32
        %sign3A_575 = arith.cmpi sgt, %jit3A_565, %sign3A_574 : i32
        %sign3A_576 = arith.extui %sign3A_575 : i1 to i32
        %sign3A_577 = arith.constant 0 : i32
        %sign3A_578 = arith.cmpi slt, %jit3A_565, %sign3A_577 : i32
        %sign3A_579 = arith.extui %sign3A_578 : i1 to i32
        %sign3A_580 = arith.subi %sign3A_576, %sign3A_579 : i32
        %ne3A_581 = arith.cmpi ne, %sign3A_573, %sign3A_580 : i32
        %rem3A_582 = arith.remsi %add3A_564, %jit3A_565 : i32
        %ne3A_583 = arith.constant 0 : i32
        %ne3A_584 = arith.cmpi ne, %rem3A_582, %ne3A_583 : i32
        %and3A_585 = arith.andi %ne3A_581, %ne3A_584 : i1
        %sub3A_586 = arith.constant 1 : i32
        %sub3A_587 = arith.subi %div3A_566, %sub3A_586 : i32
        %select_n3A_588 = arith.select %and3A_585, %sub3A_587, %div3A_566 : i32
        %jit3A_589 = arith.constant 128 : i32
        %eq3A_590 = arith.constant 0 : i32
        %eq3A_591 = arith.cmpi eq, %jit3A_589, %eq3A_590 : i32
        %jit3A_592 = arith.constant 1 : i32
        %select_n3A_593 = arith.select %eq3A_591, %jit3A_592, %jit3A_589 : i32
        %rem3A_594 = arith.remsi %add3A_564, %select_n3A_593 : i32
        %ne3A_595 = arith.constant 0 : i32
        %ne3A_596 = arith.cmpi ne, %rem3A_594, %ne3A_595 : i32
        %lt3A_597 = arith.constant 0 : i32
        %lt3A_598 = arith.cmpi slt, %rem3A_594, %lt3A_597 : i32
        %lt3A_599 = arith.constant 0 : i32
        %lt3A_600 = arith.cmpi slt, %select_n3A_593, %lt3A_599 : i32
        %ne3A_601 = arith.xori %lt3A_598, %lt3A_600 : i1
        %and3A_602 = arith.andi %ne3A_601, %ne3A_596 : i1
        %add3A_603 = arith.addi %rem3A_594, %select_n3A_593 : i32
        %select_n3A_604 = arith.select %and3A_602, %add3A_603, %rem3A_594 : i32
        %mul3A_605 = arith.constant 128 : i32
        %mul3A_606 = arith.muli %select_n3A_604, %mul3A_605 : i32
        %dma_start3A_607 = tpu.memref_slice %arg2[%select_n3A_588, %mul3A_606] : memref<50x16384xi32, #tpu.memory_space<hbm>> -> memref<1x128xi32, #tpu.memory_space<hbm>>
        %dma_start3A_608 = tpu.memref_squeeze %dma_start3A_607 : memref<1x128xi32, #tpu.memory_space<hbm>> -> memref<128xi32, #tpu.memory_space<hbm>>
        %dma_start3A_609 = tpu.memref_slice %arg2[%select_n3A_588, %mul3A_606] : memref<50x16384xi32, #tpu.memory_space<hbm>> -> memref<1x128xi32, #tpu.memory_space<hbm>>
        %dma_start3A_610 = tpu.memref_squeeze %dma_start3A_609 : memref<1x128xi32, #tpu.memory_space<hbm>> -> memref<128xi32, #tpu.memory_space<hbm>>
        tpu.enqueue_dma source(%dma_start3A_610 : memref<128xi32, #tpu.memory_space<hbm>>) target(%arg7 : memref<128xi32, #tpu.memory_space<vmem>>) target_semaphore(%arg15 : memref<!tpu.dma_semaphore, #tpu.memory_space<semaphore_mem>>)
      } else {
      }
    }
    %scan3A_163 = arith.constant 100 : i32
    return
  }
}

module attributes {stable_mosaic.version = 14 : i64} {
  func.func @_relayout_body(%arg0: i32, %arg1: memref<4096x50xf32, #tpu.memory_space<vmem>>, %arg2: memref<4096x50xf32, #tpu.memory_space<vmem>>, %arg3: memref<4096x128xf32, #tpu.memory_space<vmem>>) attributes {dimension_semantics = [#tpu.dimension_semantics<parallel>], iteration_bounds = array<i64: 123>, scalar_prefetch = 0 : i64, scratch_operands = 0 : i64, tpu.core_type = #tpu.core_type<tc>, window_params = [{transform_indices = @transform_0, window_bounds = array<i64: 4096, 50>}, {transform_indices = @transform_1, window_bounds = array<i64: 4096, 50>}, {transform_indices = @transform_2, window_bounds = array<i64: 4096, 128>}]} {
    %broadcast_in_dim3A = arith.constant 0.000000e+00 : f32
    %broadcast_in_dim3A_0 = vector.broadcast %broadcast_in_dim3A : f32 to vector<4096x14xf32>
    %get3A = arith.constant 0 : index
    %get3A_1 = arith.constant 0 : index
    %get3A_2 = vector.load %arg1[%get3A, %get3A_1] : memref<4096x50xf32, #tpu.memory_space<vmem>>, vector<4096x50xf32>
    %get3A_3 = arith.constant 0 : index
    %get3A_4 = arith.constant 0 : index
    %get3A_5 = vector.load %arg2[%get3A_3, %get3A_4] : memref<4096x50xf32, #tpu.memory_space<vmem>>, vector<4096x50xf32>
    %concatenate3A = tpu.concatenate %get3A_2, %broadcast_in_dim3A_0, %get3A_5, %broadcast_in_dim3A_0 in 1 : vector<4096x50xf32>, vector<4096x14xf32>, vector<4096x50xf32>, vector<4096x14xf32> -> vector<4096x128xf32>
    %swap3A = arith.constant 0 : index
    %swap3A_6 = arith.constant 0 : index
    %swap3A_7 = vector.load %arg3[%swap3A, %swap3A_6] : memref<4096x128xf32, #tpu.memory_space<vmem>>, vector<4096x128xf32>
    tpu.vector_store %arg3[%swap3A, %swap3A_6], %concatenate3A {strides = array<i32>} : memref<4096x128xf32, #tpu.memory_space<vmem>>, vector<4096x128xf32>,
    return
  }
  func.func @transform_0(%arg0: i32) -> (i32, i32) {
    %c0_i32 = arith.constant 0 : i32
    %c0_i32_0 = arith.constant 0 : i32
    return %arg0, %c0_i32 : i32, i32
  }
  func.func @transform_1(%arg0: i32) -> (i32, i32) {
    %add3A = arith.constant 123 : i32
    %add3A_0 = arith.addi %arg0, %add3A : i32
    %min3A = arith.constant 244 : i32
    %min3A_1 = arith.minsi %add3A_0, %min3A : i32
    %c0_i32 = arith.constant 0 : i32
    %c0_i32_2 = arith.constant 0 : i32
    return %min3A_1, %c0_i32 : i32, i32
  }
  func.func @transform_2(%arg0: i32) -> (i32, i32) {
    %c0_i32 = arith.constant 0 : i32
    %c0_i32_0 = arith.constant 0 : i32
    return %arg0, %c0_i32 : i32, i32
  }
}

</mosaic_0001>

<sc_bundles>
// kernel: kernel.5.cloned.1.call-start
scs
__scs_entry_jumppad:
0x0: {  	(pc) =	sbr.rel $0x88, $3  }
0x1: {  	(tag) =	ssettag $0x0;
	lr =	simm.s32 $0x1  }
0x2: {  	[smem:$0x3F99] =	sst lr;
	_ =	strace $0xD0000000  }
0x3: {  	_ = 	snop  }
0x4: {  	_ = 	snop  }
0x5: {  	_ = 	snop  }
0x6: {  	_ = 	snop  }
0x7: {  	_ = 	snop  }
__scs_overlays_trampoline_lowered:
0x8: {  	[smem:$0x3FA8] =	sst s0  }
0x9: {  	[smem:$0x3FA9] =	sst s1  }
0xa: {  	[smem:$0x3FAA] =	sst s2  }
0xb: {  	[smem:$0x3FAB] =	sst s3  }
0xc: {  	[smem:$0x3FAC] =	sst s4  }
0xd: {  	[smem:$0x3FAD] =	sst s5  }
0xe: {  	[smem:$0x3FAE] =	sst s6  }
0xf: {  	[smem:$0x3FAF] =	sst s7  }
0x10: {  	[smem:$0x3FB0] =	sst s8  }
0x11: {  	[smem:$0x3FB1] =	sst s9;
	s0 =	simm.s32 @!p0 $0x0  }
0x12: {  	s1 =	sld [smem:$0x3F97];
	s0 =	simm.s32 @p0 $0x1  }
0x13: {  	[smem:$0x3FB2] =	sst s0;
	s0 =	simm.s32 @!p1 $0x0  }
0x14: {  	s2 =	sld [smem:$0x3F96];
	s0 =	simm.s32 @p1 $0x1  }
0x15: {  	[smem:$0x3FB3] =	sst s0;
	s0 =	simm.s32 @!p2 $0x0  }
0x16: {  	s3 =	sld [smem:$0x3FDB];
	s0 =	simm.s32 @p2 $0x1  }
0x17: {  	s4 =	simm.s32 $0x1BF5;
	[smem:$0x3FB5] =	sst s0  }
0x18: {  	s0 =	sld [smem:$0x3F98];
	_ =	swait.ge [sflag:s4], $0x0  }
0x19: {  	s7 =	sld [smem:$0x3F99]  }
0x1a: {  	s8 =	sadd.s32 $0xFFFFE003, lr  }
0x1b: {  	s9 =	sadd.s32 $0xFFFFFEF7, lr;
	s5 =	simm.s32 $0xFFFFFFFF;
	p2 =	slt.u32 s8, $0xFFFFF086  }
0x1c: {  	p1 =	slt.u32 s9, $0xF7A;
	s5 =	simm.s32 @!p2 $0x0  }
0x1d: {  	s5 =	simm.s32 @p1 $0x1;
	p0 =	seq.s32 s7, s2  }
0x1e: {  	s7 =	smul.u32 @!p0 $0xF7A, s2;
	p2 =	seq.s32 @!p0 s5, $0x0  }
0x1f: {  	s9 =	smul.u32 $0xF7A, s1;
	s8 =	simm.s32 @!p0 $0x1BF5;
	p2 =	por !p2, p0  }
0x20: {  	[sflag:s8] =	ssyncset.s32 @!p0 $0xFFFFF086;
	s6 =	sadd.s32 @!p0 s3, s7;
	s7 =	simm.s32 @!p0 $0x108  }
0x21: {  	s3 =	sadd.s32 s3, s9;
	s6 =	sadd.s32 @!p0 $0x88, s6;
	s7 =	simm.s32 @p2 $0x1082  }
0x22: {  	[simem:s7], [sflag:s8] =	dma.local @!p0 [hbm:s6], $0xF7A  }
0x23: {  	s9 =	sor.u32 $0xD0000000, s2;
	s6 =	simm.s32 $0x108;
	_ =	swait.ge @!p0 [sflag:s8], $0x0  }
0x24: {  	s3 =	sadd.s32 $0x88, s3;
	s6 =	simm.s32 @!p1 $0x1082;
	[sflag:s4] =	ssyncset.s32 $0xFFFFF086  }
0x25: {  	[simem:s6], [sflag:s4] =	dma.local [hbm:s3], $0xF7A  }
0x26: {  	[smem:$0x3F99] =	sst s1;
	(tag) =	ssettag s2;
	_ =	strace s9  }
0x27: {  	s1 =	sld [smem:$0x3FA9]  }
0x28: {  	s2 =	sld [smem:$0x3FAA]  }
0x29: {  	s4 =	sld [smem:$0x3FAC]  }
0x2a: {  	p0 =	seq.s32 s5, $0x0;
	s5 =	sld [smem:$0x3FAD]  }
0x2b: {  	s6 =	sld [smem:$0x3FAE]  }
0x2c: {  	s7 =	sld [smem:$0x3FAF]  }
0x2d: {  	s3 =	simm.s32 $0x108;
	s8 =	sld [smem:$0x3FB0]  }
0x2e: {  	s3 =	simm.s32 @!p0 $0x1082;
	s9 =	sld [smem:$0x3FB1]  }
0x2f: {  	lr =	sadd.s32 s0, s3;
	s0 =	sld [smem:$0x3FA8]  }
0x30: {  	s3 =	sld [smem:$0x3FAB]  }
0x31: {  	[smem:$0x3FB4] =	sst s10  }
0x32: {  	s10 =	sld [smem:$0x3FB2];
	_ =	sdelay $0x3  }
0x33: {  	p0 =	seq.s32 s10, $0x1;
	s10 =	sld [smem:$0x3FB4];
	_ =	sdelay $0x3  }
0x34: {  	[smem:$0x3FB4] =	sst s10  }
0x35: {  	s10 =	sld [smem:$0x3FB3];
	_ =	sdelay $0x3  }
0x36: {  	p1 =	seq.s32 s10, $0x1;
	s10 =	sld [smem:$0x3FB4];
	_ =	sdelay $0x3  }
0x37: {  	[smem:$0x3FB4] =	sst s10  }
0x38: {  	s10 =	sld [smem:$0x3FB5]  }
0x39: {  	_ = 	snop;
	(pc) =	sbr.ind lr, $3  }
0x3a: {  	_ = 	snop  }
0x3b: {  	_ = 	snop  }
0x3c: {  	p2 =	seq.s32 s10, $0x1;
	s10 =	sld [smem:$0x3FB4]  }
0x3d: {  	_ =	shalt  }
0x3e: {  	_ =	shalt  }
0x3f: {  	_ =	shalt  }
0x40: {  	_ =	shalt  }
0x41: {  	_ =	shalt  }
0x42: {  	_ =	shalt  }
0x43: {  	_ =	shalt  }
0x44: {  	_ =	shalt  }
0x45: {  	_ =	shalt  }
0x46: {  	_ =	shalt  }
0x47: {  	_ =	shalt  }
0x48: {  	_ =	shalt  }
0x49: {  	_ =	shalt  }
0x4a: {  	_ =	shalt  }
0x4b: {  	_ =	shalt  }
0x4c: {  	_ =	shalt  }
0x4d: {  	_ =	shalt  }
0x4e: {  	_ =	shalt  }
0x4f: {  	_ =	shalt  }
0x50: {  	_ =	shalt  }
0x51: {  	_ =	shalt  }
0x52: {  	_ =	shalt  }
0x53: {  	_ =	shalt  }
0x54: {  	_ =	shalt  }
0x55: {  	_ =	shalt  }
0x56: {  	_ =	shalt  }
0x57: {  	_ =	shalt  }
0x58: {  	_ =	shalt  }
0x59: {  	_ =	shalt  }
0x5a: {  	_ =	shalt  }
0x5b: {  	_ =	shalt  }
0x5c: {  	_ =	shalt  }
0x5d: {  	_ =	shalt  }
0x5e: {  	_ =	shalt  }
0x5f: {  	_ =	shalt  }
0x60: {  	_ =	shalt  }
0x61: {  	_ =	shalt  }
0x62: {  	_ =	shalt  }
0x63: {  	_ =	shalt  }
0x64: {  	_ =	shalt  }
0x65: {  	_ =	shalt  }
0x66: {  	_ =	shalt  }
0x67: {  	_ =	shalt  }
0x68: {  	_ =	shalt  }
0x69: {  	_ =	shalt  }
0x6a: {  	_ =	shalt  }
0x6b: {  	_ =	shalt  }
0x6c: {  	_ =	shalt  }
0x6d: {  	_ =	shalt  }
0x6e: {  	_ =	shalt  }
0x6f: {  	_ =	shalt  }
0x70: {  	_ =	shalt  }
0x71: {  	_ =	shalt  }
0x72: {  	_ =	shalt  }
0x73: {  	_ =	shalt  }
0x74: {  	_ =	shalt  }
0x75: {  	_ =	shalt  }
0x76: {  	_ =	shalt  }
0x77: {  	_ =	shalt  }
0x78: {  	_ =	shalt  }
0x79: {  	_ =	shalt  }
0x7a: {  	_ =	shalt  }
0x7b: {  	_ =	shalt  }
0x7c: {  	_ =	shalt  }
0x7d: {  	_ =	shalt  }
0x7e: {  	_ =	shalt  }
0x7f: {  	_ =	shalt  }
0x80: {  	_ =	shalt  }
0x81: {  	_ =	shalt  }
0x82: {  	_ =	shalt  }
0x83: {  	_ =	shalt  }
0x84: {  	_ =	shalt  }
0x85: {  	_ =	shalt  }
0x86: {  	_ =	shalt  }
0x87: {  	_ =	shalt  }
.Lfunc_end0:
.L_simem_size_0:
called_computation_lowered:
.L_overlay_start_0:
0x88: {  	s2 =	sld [smem:$0x3FD9]  }
0x89: {  	s3 =	sld [smem:$0x3FFE];
	_ =	sdelay $0x1  }
0x8a: {  	s1 =	srdreg.scid  }
0x8b: {  	s0 =	sand.u32 $0x1, s1  }
0x8c: {  	s17 =	sshll.u32 s0, $0xA;
	s2 =	sadd.s32 s3, s2  }
0x8d: {  	s2 =	sadd.s32 s2, s17  }
0x8e: {  	[smem:$0x3FC0] =	sst s2  }
0x8f: {  	_ = 	snop  }
0x90: {  	s2 =	sld [smem:$0x3FC9]  }
0x91: {  	s18 =	sld [smem:$0x3FC8]  }
0x92: {  	s4 =	sld [smem:$0x3FC6]  }
0x93: {  	s5 =	sld [smem:$0x3FC2]  }
0x94: {  	s6 =	sld [smem:$0x3FD0];
	(tm) =	ssettm $0x1  }
0x95: {  	s7 =	sld [smem:$0x3FFB];
	_ =	sdelay $0x3  }
0x96: {  	_ =	strace s7  }
0x97: {  	s7 =	sld [smem:$0x3FFC];
	_ =	sdelay $0x3  }
0x98: {  	_ =	strace s7  }
0x99: {  	s7 =	sld [smem:$0x3FFD];
	_ =	sdelay $0x3  }
0x9a: {  	_ =	strace s7  }
0x9b: {  	_ =	strace $0x8FFFFFFF  }
0x9c: {  	s19 =	sld [smem:$0x3FDB];
	_ =	sdelay $0x1  }
0x9d: {  	s8 =	simm.s32 $_scs_section_size  }
0x9e: {  	s9 =	simm.s32 $_size__tile_overlayer_lowered;
	s10 =	simm.s32 $_tile_overlayer_lowered  }
0x9f: {  	s22 =	simm.s32 $0x1BFF;
	s21 =	sshll.u32 s10, $0x1;
	s7 =	sadd.s32 s8, s19  }
0xa0: {  	s11 =	simm.s32 $0x0;
	s20 =	sshll.u32 s9, $0x1;
	s9 =	sadd.s32 s21, s7  }
0xa1: {  	[timem:s11], [sflag:s22] =	dma.local [hbm:s9], s20  }
0xa2: {  	_ =	swait.ge [sflag:s22], s20  }
0xa3: {  	s8 =	ssub.s32 $0x0, s20;
	[sflag:s22] =	ssyncset.done $0x0  }
0xa4: {  	[sflag:s22] =	ssyncadd.s32 s8;
	_ =	sdelay $0x1  }
0xa5: {  	s23 =	simm.s32 $0x1B8B  }
0xa6: {  	_ =	swait.ge [sflag:s23], $0x1  }
0xa7: {  	[sflag:s23] =	ssyncset.done $0x0  }
0xa8: {  	s25 =	simm.s32 $0x1B8E;
	s24 =	sld [smem:$0x3FFE];
	[sflag:s23] =	ssyncadd.s32 $0xFFFFFFFF  }
0xa9: {  	s26 =	simm.s32 $execute0_lowered;
	[smem:$0x3FD2] =	sst s25  }
0xaa: {  	s9 =	sshll.u32 s26, $0x1;
	_ =	strace $0x80000046;
	[dreg:$0x1] =	wrdreg $0xFFFFFFFF  }
0xab: {  	s28 =	simm.s32 $_size_execute0_lowered;
	s7 =	sadd.s32 s7, s9;
	[dreg:$0x0] =	wrdreg $0x0  }
0xac: {  	s9 =	sshll.u32 s28, $0x1;
	[dreg:$0x2] =	wrdreg s7  }
0xad: {  	[dreg:$0x3] =	wrdreg s9  }
0xae: {  	[dreg:$0x4] =	wrdreg $0xC0  }
0xaf: {  	_ =	task [dreg:s11], $0x5FFFF  }
0xb0: {  	[dreg:$0x1] =	wrdreg $0xFFFFFFFF  }
0xb1: {  	[dreg:$0x0] =	wrdreg $0x60  }
0xb2: {  	[dreg:$0x2] =	wrdreg s2  }
0xb3: {  	[dreg:$0x3] =	wrdreg s18  }
0xb4: {  	[dreg:$0x4] =	wrdreg s4  }
0xb5: {  	[dreg:$0x5] =	wrdreg s5  }
0xb6: {  	[dreg:$0x6] =	wrdreg s6  }
0xb7: {  	[dreg:$0x7] =	wrdreg s24  }
0xb8: {  	[dreg:$0x8] =	wrdreg $0x9  }
0xb9: {  	_ =	task.clear_ibuf [dreg:s11], $0x9FFFF;
	_ =	strace $0x90000046  }
0xba: {  	s29 =	simm.s32 $0x9;
	_ =	strace $0x80000048  }
0xbb: {  	_ =	swait.ge [sflag:s29], $0x1  }
0xbc: {  	[sflag:s29] =	ssyncadd.s32 $0xFFFFFFFF  }
0xbd: {  	_ =	strace $0x90000048  }
0xbe: {  	_ =	sfence  }
0xbf: {  	s30 =	sld [smem:$0x0];
	_ =	sdelay $0x2  }
0xc0: {  	s31 =	sshll.u32 s1, $0xD;
	s1 =	sshrl.u32 s1, $0x2  }
0xc1: {  	s3 =	sand.u32 $0x4000, s31;
	s1 =	sadd.s32 s1, s30  }
0xc2: {  	s0 =	sor.u32 s3, s0;
	s1 =	sshll.u32 s1, $0x11  }
0xc3: {  	s0 =	sor.u32 s1, s0  }
0xc4: {  	s0 =	sadd.s32 $0x8F2B, s0  }
0xc5: {  	[sflag:s0] =	ssyncadd.remote.s32 $0x1  }
0xc6: {  	_ =	sfence.sel $0xFFFF  }
0xc7: {  	[dreg:$0x0] =	wrdreg $0xFFFFFFFF;
	(pc) =	sbr.abs _section_cstart, $3  }
0xc8: {  	[dreg:$0x1] =	wrdreg $0xFFFFFFFF  }
0xc9: {  	_ =	task.clear_ibuf [dreg:s11], $0x2FFFF;
	_ =	strace $0x9FFFFFFF  }
0xca: {  	(tm) =	ssettm $0x7FFFFFFF  }
0xcb: {  	_ =	shalt  }
tec
execute0_lowered:
.L_overlay_start_1:
0x0: {  	(tag) =	ssettag $0x1  }
0x1: {  	s0 =	rddreg [dreg:$0x0]  }
0x2: {  	s2 =	rddreg [dreg:$0x1]  }
0x3: {  	s3 =	rddreg [dreg:$0x2]  }
0x4: {  	s4 =	rddreg [dreg:$0x3]  }
0x5: {  	s5 =	rddreg [dreg:$0x4]  }
0x6: {  	s8 =	rddreg [dreg:$0x5]  }
0x7: {  	s7 =	srdreg.scid;
	s1 =	rddreg [dreg:$0x6]  }
0x8: {  	s6 =	simm.s32 $0x0;
	s12 =	simm.s32 $0x180;
	s13 =	simm.s32 $0x1  }
0x9: {  	s14 =	simm.s32 $0x4180;
	s15 =	simm.s32 $0x80;
	s16 =	simm.s32 $0x100  }
0xa: {  	s17 =	simm.s32 $0x400;
	s18 =	simm.s32 $0x20000;
	s7 =	sand.u32 $0x1, s7  }
0xb: {  	s19 =	simm.s32 $0x4980;
	s20 =	simm.s32 $0x5580;
	s10 =	ssub.s32 $0x2, s7  }
0xc: {  	s21 =	simm.s32 $0x0;
	[smem:$0x7FF] =	sst s6;
	s11 =	sshrl.u32 s10, $0x1  }
0xd: {  	s9 =	sadd.s32 $0x800, s8;
	s8 =	stileid.u32;
	s11 =	ssub.s32 s10, s11  }
0xe: {  	vm0 =	vmmov $0xffff;
	_ =	strace $0x80000047;
	s10 =	sshll.u32 s8, $0x1;
	s11 =	smax.u32 s11, $0x1  }
.LBB2_1:
0xf: {  	[tilespmem:s12], [sflag:$0x1] =	stream.linear.gather [hbm4b:s4+s6], $0x4000, $0x38;
	[tilespmem:$0x5980] =	vst v63  }
0x10: {  	_ =	swait.ge [sflag:s13], $0x4000  }
0x11: {  	[sflag:s13] =	ssyncset.done $0x0  }
0x12: {  	[sflag:s13] =	ssyncadd.s32 $0xFFFFC000  }
0x13: {  	[tilespmem:s14], [sflag:$0x1] =	stream.linear.gather [hbm4b:s5+s6], $0x800, $0x38;
	[tilespmem:$0x5980] =	vst v63  }
0x14: {  	_ =	swait.ge [sflag:s13], $0x800  }
0x15: {  	[sflag:s13] =	ssyncset.done $0x0  }
0x16: {  	[sflag:s13] =	ssyncadd.s32 $0xFFFFF800  }
0x17: {  	v0 =	vld [tilespmem:$0x4180]  }
0x18: {  	v1 =	vld [tilespmem:$0x4280]  }
0x19: {  	v2 =	vld [tilespmem:$0x4380]  }
0x1a: {  	v3 =	vld [tilespmem:$0x4480]  }
0x1b: {  	v4 =	vld [tilespmem:$0x4580]  }
0x1c: {  	v5 =	vld [tilespmem:$0x4680]  }
0x1d: {  	v6 =	vld [tilespmem:$0x4780]  }
0x1e: {  	v7 =	vld [tilespmem:$0x4880]  }
0x1f: {  	v8 =	vld [tilespmem:$0x4200]  }
0x20: {  	v9 =	vld [tilespmem:$0x4300]  }
0x21: {  	v10 =	vld [tilespmem:$0x4400]  }
0x22: {  	v11 =	vld [tilespmem:$0x4500]  }
0x23: {  	v12 =	vld [tilespmem:$0x4600]  }
0x24: {  	v13 =	vld [tilespmem:$0x4700]  }
0x25: {  	v14 =	vld [tilespmem:$0x4800]  }
0x26: {  	s22 =	simm.s32 $0x0;
	v15 =	vld [tilespmem:$0x4900]  }
.LBB2_2:
0x27: {  	s23 =	sshll.u32 s22, $0x5  }
0x28: {  	s24 =	sand.u32 $0x60, s23  }
0x29: {  	s25 =	sshll.u32 s22, $0xC;
	s24 =	sor.u32 s24, s10  }
0x2a: {  	s25 =	sand.u32 $0xE0000, s25;
	s26 =	sand.u32 $0x380, s23;
	s24 =	sor.u32 s7, s24  }
0x2b: {  	s26 =	sor.u32 s26, s25;
	s23 =	sshll.u32 s24, $0xA  }
0x2c: {  	s24 =	sor.u32 s23, s26  }
0x2d: {  	s24 =	sshrl.u32 s24, $0x3  }
0x2e: {  	s30 =	simm.s32 $0x0;
	s29 =	sadd.s32 s0, s24  }
0x2f: {  	[tilespmem:s30], [sflag:$0x1] =	stream.linear.gather [hbm4b:s29+s30], $0x80, $0x38;
	[tilespmem:$0x5980] =	vst v63  }
0x30: {  	_ =	swait.ge [sflag:s13], $0x80  }
0x31: {  	[sflag:s13] =	ssyncset.done $0x0  }
0x32: {  	s31 =	sadd.s32 s2, s24;
	[sflag:s13] =	ssyncadd.s32 $0xFFFFFF80  }
0x33: {  	[tilespmem:s15], [sflag:$0x1] =	stream.linear.gather [hbm4b:s31+s30], $0x80, $0x38;
	[tilespmem:$0x5980] =	vst v63  }
0x34: {  	_ =	swait.ge [sflag:s13], $0x80  }
0x35: {  	[sflag:s13] =	ssyncset.done $0x0  }
0x36: {  	s24 =	sadd.s32 s3, s24;
	[sflag:s13] =	ssyncadd.s32 $0xFFFFFF80  }
0x37: {  	[tilespmem:s16], [sflag:$0x1] =	stream.linear.gather [hbm4b:s24+s30], $0x80, $0x38;
	[tilespmem:$0x5980] =	vst v63  }
0x38: {  	_ =	swait.ge [sflag:s13], $0x80  }
0x39: {  	[sflag:s13] =	ssyncset.done $0x0  }
0x3a: {  	s24 =	simm.s32 $0x0;
	[sflag:s13] =	ssyncadd.s32 $0xFFFFFF80  }
0x3b: {  	v16 =	vld [tilespmem:s24+$0x80]  }
0x3c: {  	v17 =	vld [tilespmem:s24+$0x0];
	_ =	sdelay $0x3  }
0x3d: {  	vm1 =	veq.f32 v16, v16  }
0x3e: {  	vm3 =	veq.f32 v17, v17;
	vm2 =	vmand vm1, vm0  }
0x3f: {  	vm1 =	vmand vm3, vm0;
	v16 =	vnsel vm2, $0x0, v16  }
0x40: {  	v17 =	vnsel vm1, $0x0, v17;
	v18 =	vmul.f32 v16, v3;
	v19 =	vmul.f32 v16, v7  }
0x41: {  	v20 =	vmul.f32 v17, v4;
	v21 =	vmul.f32 v17, v7  }
0x42: {  	v22 =	vmul.f32 v16, v4;
	v23 =	vmul.f32 v16, v6  }
0x43: {  	v24 =	vmul.f32 v17, v5;
	v25 =	vmul.f32 v17, v6;
	v19 =	vadd.f32 v19, v15  }
0x44: {  	v26 =	vmul.f32 v16, v5;
	v21 =	vadd.f32 v21, v15;
	v23 =	vadd.f32 v23, v14  }
0x45: {  	v25 =	vadd.f32 v25, v14;
	v20 =	vadd.f32 v20, v12;
	v19 =	vmax.f32 v19, $0.0e+00  }
0x46: {  	v18 =	vadd.f32 v18, v11;
	v21 =	vmax.f32 v21, $0.0e+00;
	v19 =	vnsel vm2, $0x0, v19  }
0x47: {  	v23 =	vmax.f32 v23, $0.0e+00;
	v21 =	vnsel vm1, $0x0, v21;
	[tilespmem:s24+$0x5100] =	vst v19;
	v19 =	vadd.f32 v24, v13  }
0x48: {  	v26 =	vadd.f32 v26, v13;
	v18 =	vmax.f32 v18, $0.0e+00;
	v23 =	vnsel vm2, $0x0, v23;
	[tilespmem:s24+$0x4D00] =	vst v21  }
0x49: {  	v20 =	vmax.f32 v20, $0.0e+00;
	v18 =	vnsel vm2, $0x0, v18;
	[tilespmem:s24+$0x5080] =	vst v23;
	v19 =	vmax.f32 v19, $0.0e+00  }
0x4a: {  	v24 =	vmax.f32 v25, $0.0e+00;
	v21 =	vadd.f32 v22, v12;
	[tilespmem:s24+$0x4F00] =	vst v18;
	v19 =	vnsel vm1, $0x0, v19  }
0x4b: {  	v22 =	vmax.f32 v26, $0.0e+00;
	v18 =	vld [tilespmem:s24+$0x100];
	v23 =	vmul.f32 v16, v1;
	[tilespmem:s24+$0x4C00] =	vst v19;
	v19 =	vnsel vm1, $0x0, v20  }
0x4c: {  	v24 =	vnsel vm1, $0x0, v24;
	v21 =	vmax.f32 v21, $0.0e+00;
	[tilespmem:s24+$0x4B80] =	vst v19;
	v19 =	vmul.f32 v17, v0  }
0x4d: {  	v22 =	vnsel vm2, $0x0, v22;
	[tilespmem:s24+$0x4C80] =	vst v24;
	v21 =	vnsel vm2, $0x0, v21;
	v20 =	vmul.f32 v16, v0  }
0x4e: {  	v24 =	vmul.f32 v17, v2;
	[tilespmem:s24+$0x4F80] =	vst v21;
	v21 =	vmul.f32 v17, v1;
	v19 =	vadd.f32 v19, v8  }
0x4f: {  	v23 =	vadd.f32 v23, v9;
	v16 =	vmul.f32 v16, v2;
	v20 =	vadd.f32 v20, v8  }
0x50: {  	[tilespmem:s24+$0x5000] =	vst v22;
	v22 =	vshll.u32 v18, $0x3;
	v21 =	vadd.f32 v21, v9;
	v19 =	vmax.f32 v19, $0.0e+00  }
0x51: {  	v18 =	vand.u32 $0x7F, v18;
	v20 =	vmax.f32 v20, $0.0e+00;
	v19 =	vnsel vm1, $0x0, v19  }
0x52: {  	v17 =	vmul.f32 v17, v3;
	[tilespmem:s24+$0x4980] =	vst v19;
	v19 =	vnsel vm2, $0x0, v20;
	v20 =	vmax.f32 v21, $0.0e+00  }
0x53: {  	v21 =	vadd.f32 v24, v10;
	[tilespmem:s24+$0x4D80] =	vst v19;
	v19 =	vnsel vm1, $0x0, v20;
	v20 =	vmax.f32 v23, $0.0e+00  }
0x54: {  	v16 =	vadd.f32 v16, v10;
	[tilespmem:s24+$0x4A00] =	vst v19;
	v19 =	vnsel vm2, $0x0, v20;
	v20 =	vand.u32 $0xFFFFFC00, v22  }
0x55: {  	v17 =	vadd.f32 v17, v11;
	v21 =	vmax.f32 v21, $0.0e+00;
	[tilespmem:s24+$0x4E00] =	vst v19;
	v19 =	vor.u32 v18, v20  }
0x56: {  	s25 =	simm.s32 $0x10;
	v16 =	vmax.f32 v16, $0.0e+00;
	v18 =	vnsel vm1, $0x0, v21;
	v20 =	vor.u32 $0x80, v19  }
0x57: {  	v16 =	vnsel vm2, $0x0, v16;
	v17 =	vmax.f32 v17, $0.0e+00;
	v21 =	vld [tilespmem:s25+$0x0];
	[tilespmem:s24+$0x4A80] =	vst v18;
	v18 =	vor.u32 $0x100, v19  }
0x58: {  	v23 =	vor.u32 $0x180, v19;
	v22 =	vld [tilespmem:s25+$0x80];
	[tilespmem:s24+$0x4E80] =	vst v16;
	v16 =	vnsel vm1, $0x0, v17  }
0x59: {  	v24 =	vor.u32 $0x200, v19;
	[tilespmem:s24+$0x4B00] =	vst v16  }
0x5a: {  	v26 =	vor.u32 $0x280, v19;
	v16 =	vld.idx.msk [tilespmem:v19+s12+$0x0], $0xffff  }
0x5b: {  	v25 =	vadd.s32 $0x2180, v19;
	v17 =	vld.idx.msk [tilespmem:v20+s12+$0x0], $0xffff  }
0x5c: {  	v27 =	vor.u32 $0x300, v19;
	v18 =	vld.idx.msk [tilespmem:v18+s12+$0x0], $0xffff  }
0x5d: {  	v29 =	vadd.s32 $0x2000, v19;
	v30 =	vadd.s32 $0x2080, v19;
	v28 =	vld.idx.msk [tilespmem:v23+s12+$0x0], $0xffff;
	vm1 =	veq.f32 v22, v22  }
0x5e: {  	v23 =	vor.u32 $0x380, v19;
	v24 =	vld.idx.msk [tilespmem:v24+s12+$0x0], $0xffff;
	vm3 =	veq.f32 v21, v21;
	vm2 =	vmand vm1, vm0  }
0x5f: {  	vm1 =	vmand vm3, vm0;
	v20 =	vnsel vm2, $0x0, v22;
	v22 =	vld.idx.msk [tilespmem:v26+s12+$0x0], $0xffff;
	v26 =	vadd.s32 $0x2100, v19  }
0x60: {  	v25 =	vld.idx.msk [tilespmem:v25+s12+$0x0], $0xffff;
	v19 =	vnsel vm1, $0x0, v21;
	v21 =	vmul.f32 v20, v3;
	v31 =	vmul.f32 v20, v7  }
0x61: {  	v27 =	vld.idx.msk [tilespmem:v27+s12+$0x0], $0xffff;
	v32 =	vmul.f32 v19, v4;
	v33 =	vmul.f32 v19, v7  }
0x62: {  	v29 =	vld.idx.msk [tilespmem:v29+s12+$0x0], $0xffff;
	v34 =	vmul.f32 v20, v4;
	v35 =	vmul.f32 v20, v6;
	v31 =	vadd.f32 v31, v15  }
0x63: {  	v30 =	vld.idx.msk [tilespmem:v30+s12+$0x0], $0xffff;
	v36 =	vmul.f32 v19, v5;
	v37 =	vmul.f32 v19, v6;
	v33 =	vadd.f32 v33, v15  }
0x64: {  	v38 =	vmul.f32 v20, v5;
	v23 =	vld.idx.msk [tilespmem:v23+s12+$0x0], $0xffff;
	v35 =	vadd.f32 v35, v14;
	v31 =	vmax.f32 v31, $0.0e+00  }
0x65: {  	v37 =	vadd.f32 v37, v14;
	v26 =	vld.idx.msk [tilespmem:v26+s12+$0x0], $0xffff;
	v33 =	vmax.f32 v33, $0.0e+00;
	[tilespmem:s24+$0x5700] =	vst v25;
	v31 =	vnsel vm2, $0x0, v31  }
0x66: {  	v21 =	vadd.f32 v21, v11;
	v35 =	vmax.f32 v35, $0.0e+00;
	v33 =	vnsel vm1, $0x0, v33;
	[tilespmem:s25+$0x5100] =	vst v31  }
0x67: {  	v25 =	vadd.f32 v38, v13;
	v60 =	vmax.f32 v37, $0.0e+00;
	v35 =	vnsel vm2, $0x0, v35;
	[tilespmem:s25+$0x4D00] =	vst v33  }
0x68: {  	v59 =	vadd.f32 v36, v13;
	v21 =	vmax.f32 v21, $0.0e+00;
	v62 =	vnsel vm1, $0x0, v60;
	[tilespmem:s25+$0x5080] =	vst v35  }
0x69: {  	v61 =	vadd.f32 v34, v12;
	v21 =	vnsel vm2, $0x0, v21;
	v25 =	vmax.f32 v25, $0.0e+00;
	[tilespmem:s25+$0x4C80] =	vst v62  }
0x6a: {  	v32 =	vadd.f32 v32, v12;
	v31 =	vmax.f32 v59, $0.0e+00;
	[tilespmem:s25+$0x4F00] =	vst v21;
	v25 =	vnsel vm2, $0x0, v25  }
0x6b: {  	v33 =	vmax.f32 v61, $0.0e+00;
	v31 =	vnsel vm1, $0x0, v31;
	[tilespmem:s25+$0x5000] =	vst v25  }
0x6c: {  	v63 =	vnsel vm2, $0x0, v33;
	v25 =	vmax.f32 v32, $0.0e+00;
	[tilespmem:s25+$0x4C00] =	vst v31  }
0x6d: {  	[tilespmem:s25+$0x4F80] =	vst v63;
	v25 =	vnsel vm1, $0x0, v25  }
0x6e: {  	[tilespmem:s25+$0x4B80] =	vst v25  }
0x6f: {  	v21 =	vld [tilespmem:s25+$0x100];
	[tilespmem:s24+$0x5480] =	vst v27  }
0x70: {  	[tilespmem:s24+$0x5680] =	vst v26  }
0x71: {  	[tilespmem:s24+$0x5600] =	vst v30  }
0x72: {  	[tilespmem:s24+$0x5580] =	vst v29  }
0x73: {  	[tilespmem:s24+$0x5500] =	vst v23  }
0x74: {  	v25 =	vshll.u32 v21, $0x3;
	v23 =	vmul.f32 v19, v0;
	v21 =	vand.u32 $0x7F, v21;
	[tilespmem:s24+$0x5400] =	vst v22  }
0x75: {  	[tilespmem:s24+$0x5380] =	vst v24;
	v24 =	vmul.f32 v19, v1;
	v26 =	vand.u32 $0xFFFFFC00, v25;
	v25 =	vmul.f32 v20, v0  }
0x76: {  	s28 =	simm.s32 $0x80;
	s26 =	sshrl.u32 s22, $0x2;
	v22 =	vmul.f32 v20, v1;
	[tilespmem:s24+$0x5300] =	vst v28;
	v21 =	vor.u32 v21, v26;
	v23 =	vadd.f32 v23, v8  }
.LBB2_3:
0x77: {  	p0 =	sne.s32 s28, $0x1C0;
	v25 =	vadd.f32 v25, v8;
	v26 =	vmul.f32 v19, v2;
	v20 =	vmul.f32 v20, v2;
	[tilespmem:s24+$0x5280] =	vst v18  }
0x78: {  	v19 =	vmul.f32 v19, v3;
	v18 =	vmax.f32 v23, $0.0e+00;
	v23 =	vadd.f32 v24, v9;
	[tilespmem:s24+$0x5200] =	vst v17  }
0x79: {  	v22 =	vadd.f32 v22, v9;
	v17 =	vnsel vm1, $0x0, v18;
	v18 =	vmax.f32 v25, $0.0e+00;
	[tilespmem:s24+$0x5180] =	vst v16;
	s24 =	smov.u32 s25  }
0x7a: {  	[tilespmem:s24+$0x4980] =	vst v17;
	v16 =	vnsel vm2, $0x0, v18;
	v17 =	vmax.f32 v23, $0.0e+00;
	v18 =	vadd.f32 v26, v10  }
0x7b: {  	v20 =	vadd.f32 v20, v10;
	[tilespmem:s24+$0x4D80] =	vst v16;
	v16 =	vnsel vm1, $0x0, v17;
	v17 =	vmax.f32 v22, $0.0e+00  }
0x7c: {  	[tilespmem:s24+$0x4A00] =	vst v16;
	v16 =	vnsel vm2, $0x0, v17;
	v17 =	vmax.f32 v18, $0.0e+00;
	v18 =	vadd.f32 v19, v11  }
0x7d: {  	s25 =	sshra.s32 s28, $0x2;
	v19 =	vor.u32 $0x80, v21;
	[tilespmem:s24+$0x4E00] =	vst v16;
	v16 =	vnsel vm1, $0x0, v17;
	v17 =	vmax.f32 v20, $0.0e+00  }
0x7e: {  	v20 =	vld [tilespmem:s25+$0x0];
	[tilespmem:s24+$0x4A80] =	vst v16;
	v16 =	vnsel vm2, $0x0, v17;
	v17 =	vmax.f32 v18, $0.0e+00;
	v18 =	vor.u32 $0x100, v21  }
0x7f: {  	v23 =	vor.u32 $0x180, v21;
	v22 =	vld [tilespmem:s25+$0x80];
	[tilespmem:s24+$0x4E80] =	vst v16;
	v16 =	vnsel vm1, $0x0, v17  }
0x80: {  	v24 =	vor.u32 $0x200, v21;
	[tilespmem:s24+$0x4B00] =	vst v16  }
0x81: {  	v25 =	vadd.s32 $0x2180, v21;
	v16 =	vld.idx.msk [tilespmem:v21+s12+$0x0], $0xffff  }
0x82: {  	v26 =	vor.u32 $0x280, v21;
	v17 =	vld.idx.msk [tilespmem:v19+s12+$0x0], $0xffff  }
0x83: {  	v27 =	vor.u32 $0x300, v21;
	v18 =	vld.idx.msk [tilespmem:v18+s12+$0x0], $0xffff  }
0x84: {  	vm1 =	veq.f32 v20, v20;
	vm2 =	veq.f32 v22, v22;
	v28 =	vld.idx.msk [tilespmem:v23+s12+$0x0], $0xffff;
	v23 =	vor.u32 $0x380, v21  }
0x85: {  	v29 =	vadd.s32 $0x2000, v21;
	vm1 =	vmand vm1, vm0;
	vm2 =	vmand vm2, vm0;
	v24 =	vld.idx.msk [tilespmem:v24+s12+$0x0], $0xffff  }
0x86: {  	v19 =	vnsel vm1, $0x0, v20;
	v20 =	vnsel vm2, $0x0, v22;
	v22 =	vadd.s32 $0x2080, v21;
	v25 =	vld.idx.msk [tilespmem:v25+s12+$0x0], $0xffff  }
0x87: {  	v21 =	vadd.s32 $0x2100, v21;
	v30 =	vmul.f32 v20, v3;
	v31 =	vmul.f32 v20, v7;
	v26 =	vld.idx.msk [tilespmem:v26+s12+$0x0], $0xffff  }
0x88: {  	v32 =	vmul.f32 v19, v4;
	v33 =	vmul.f32 v19, v7;
	v27 =	vld.idx.msk [tilespmem:v27+s12+$0x0], $0xffff  }
0x89: {  	v34 =	vmul.f32 v20, v4;
	v35 =	vmul.f32 v20, v6;
	v31 =	vadd.f32 v31, v15;
	v23 =	vld.idx.msk [tilespmem:v23+s12+$0x0], $0xffff  }
0x8a: {  	v36 =	vmul.f32 v19, v5;
	v37 =	vmul.f32 v19, v6;
	v33 =	vadd.f32 v33, v15;
	v29 =	vld.idx.msk [tilespmem:v29+s12+$0x0], $0xffff  }
0x8b: {  	v38 =	vmul.f32 v20, v5;
	v35 =	vadd.f32 v35, v14;
	v31 =	vmax.f32 v31, $0.0e+00;
	v22 =	vld.idx.msk [tilespmem:v22+s12+$0x0], $0xffff  }
0x8c: {  	v37 =	vadd.f32 v37, v14;
	v33 =	vmax.f32 v33, $0.0e+00;
	v31 =	vnsel vm2, $0x0, v31;
	v21 =	vld.idx.msk [tilespmem:v21+s12+$0x0], $0xffff;
	[tilespmem:s24+$0x5700] =	vst v25  }
0x8d: {  	v35 =	vmax.f32 v35, $0.0e+00;
	v33 =	vnsel vm1, $0x0, v33;
	v25 =	vadd.f32 v38, v13;
	[tilespmem:s25+$0x5100] =	vst v31  }
0x8e: {  	v35 =	vnsel vm2, $0x0, v35;
	v31 =	vadd.f32 v36, v13;
	v36 =	vmax.f32 v37, $0.0e+00;
	[tilespmem:s25+$0x4D00] =	vst v33  }
0x8f: {  	v33 =	vadd.f32 v34, v12;
	v25 =	vmax.f32 v25, $0.0e+00;
	v34 =	vnsel vm1, $0x0, v36;
	[tilespmem:s25+$0x5080] =	vst v35  }
0x90: {  	v32 =	vadd.f32 v32, v12;
	v31 =	vmax.f32 v31, $0.0e+00;
	v25 =	vnsel vm2, $0x0, v25;
	[tilespmem:s25+$0x4C80] =	vst v34  }
0x91: {  	v30 =	vadd.f32 v30, v11;
	v33 =	vmax.f32 v33, $0.0e+00;
	v31 =	vnsel vm1, $0x0, v31;
	[tilespmem:s25+$0x5000] =	vst v25  }
0x92: {  	v25 =	vmax.f32 v32, $0.0e+00;
	v32 =	vnsel vm2, $0x0, v33;
	[tilespmem:s25+$0x4C00] =	vst v31  }
0x93: {  	v30 =	vmax.f32 v30, $0.0e+00;
	v25 =	vnsel vm1, $0x0, v25;
	[tilespmem:s25+$0x4F80] =	vst v32  }
0x94: {  	v30 =	vnsel vm2, $0x0, v30;
	[tilespmem:s25+$0x4B80] =	vst v25  }
0x95: {  	[tilespmem:s25+$0x4F00] =	vst v30;
	v25 =	vld [tilespmem:s25+$0x100]  }
0x96: {  	[tilespmem:s24+$0x5480] =	vst v27  }
0x97: {  	[tilespmem:s24+$0x5680] =	vst v21  }
0x98: {  	[tilespmem:s24+$0x5600] =	vst v22  }
.Ltmp0:
0x99: {  	[tilespmem:s24+$0x5580] =	vst v29;
	(pc) =	sbr.rel @p0 .LBB2_3-.Ltmp0, $4  }
0x9a: {  	v21 =	vshll.u32 v25, $0x3;
	[tilespmem:s24+$0x5500] =	vst v23  }
0x9b: {  	v22 =	vmul.f32 v19, v0;
	v23 =	vand.u32 $0x7F, v25;
	v21 =	vand.u32 $0xFFFFFC00, v21;
	[tilespmem:s24+$0x5400] =	vst v26  }
0x9c: {  	v25 =	vmul.f32 v20, v0;
	v21 =	vor.u32 v23, v21;
	[tilespmem:s24+$0x5380] =	vst v24  }
0x9d: {  	s28 =	sadd.s32 $0x40, s28;
	v23 =	vadd.f32 v22, v8;
	v24 =	vmul.f32 v19, v1;
	v22 =	vmul.f32 v20, v1;
	[tilespmem:s24+$0x5300] =	vst v28  }
0x9e: {  	v25 =	vadd.f32 v25, v8;
	v26 =	vmul.f32 v19, v2;
	v20 =	vmul.f32 v20, v2;
	[tilespmem:s24+$0x5280] =	vst v18  }
0x9f: {  	v51 =	vmul.f32 v19, v3;
	[tilespmem:s24+$0x5200] =	vst v17;
	v49 =	vmax.f32 v23, $0.0e+00;
	v50 =	vadd.f32 v24, v9  }
0xa0: {  	[tilespmem:s24+$0x5180] =	vst v16;
	v22 =	vadd.f32 v22, v9;
	v17 =	vnsel vm1, $0x0, v49;
	v52 =	vmax.f32 v25, $0.0e+00  }
0xa1: {  	v53 =	vadd.f32 v26, v10;
	[tilespmem:s25+$0x4980] =	vst v17;
	v16 =	vnsel vm2, $0x0, v52;
	v17 =	vmax.f32 v50, $0.0e+00  }
0xa2: {  	v20 =	vadd.f32 v20, v10;
	[tilespmem:s25+$0x4D80] =	vst v16;
	v16 =	vnsel vm1, $0x0, v17;
	v17 =	vmax.f32 v22, $0.0e+00  }
0xa3: {  	v54 =	vadd.f32 v51, v11;
	[tilespmem:s25+$0x4A00] =	vst v16;
	v16 =	vnsel vm2, $0x0, v17;
	v17 =	vmax.f32 v53, $0.0e+00  }
0xa4: {  	v55 =	vor.u32 $0x80, v21;
	[tilespmem:s25+$0x4E00] =	vst v16;
	v16 =	vnsel vm1, $0x0, v17;
	v17 =	vmax.f32 v20, $0.0e+00  }
0xa5: {  	v56 =	vor.u32 $0x100, v21;
	[tilespmem:s25+$0x4A80] =	vst v16;
	v16 =	vnsel vm2, $0x0, v17;
	v17 =	vmax.f32 v54, $0.0e+00  }
0xa6: {  	v58 =	vadd.s32 $0x2180, v21;
	[tilespmem:s25+$0x4E80] =	vst v16;
	v16 =	vnsel vm1, $0x0, v17  }
0xa7: {  	v59 =	vor.u32 $0x280, v21;
	[tilespmem:s25+$0x4B00] =	vst v16  }
0xa8: {  	v60 =	vor.u32 $0x300, v21;
	v57 =	vld.idx.msk [tilespmem:v21+s12+$0x0], $0xffff  }
0xa9: {  	v61 =	vor.u32 $0x380, v21;
	v19 =	vld.idx.msk [tilespmem:v55+s12+$0x0], $0xffff  }
0xaa: {  	v62 =	vadd.s32 $0x2100, v21;
	v18 =	vld.idx.msk [tilespmem:v56+s12+$0x0], $0xffff  }
0xab: {  	v27 =	vadd.s32 $0x2080, v21;
	v22 =	vld.idx.msk [tilespmem:v58+s12+$0x0], $0xffff  }
0xac: {  	v63 =	vadd.s32 $0x2000, v21;
	v23 =	vld.idx.msk [tilespmem:v59+s12+$0x0], $0xffff  }
0xad: {  	v17 =	vor.u32 $0x180, v21;
	v24 =	vld.idx.msk [tilespmem:v60+s12+$0x0], $0xffff  }
0xae: {  	v16 =	vor.u32 $0x200, v21;
	v25 =	vld.idx.msk [tilespmem:v61+s12+$0x0], $0xffff  }
0xaf: {  	v26 =	vld.idx.msk [tilespmem:v62+s12+$0x0], $0xffff  }
0xb0: {  	v27 =	vld.idx.msk [tilespmem:v27+s12+$0x0], $0xffff  }
0xb1: {  	v21 =	vld.idx.msk [tilespmem:v63+s12+$0x0], $0xffff  }
0xb2: {  	v17 =	vld.idx.msk [tilespmem:v17+s12+$0x0], $0xffff  }
0xb3: {  	v16 =	vld.idx.msk [tilespmem:v16+s12+$0x0], $0xffff;
	[tilespmem:s25+$0x5700] =	vst v22  }
0xb4: {  	[tilespmem:s25+$0x5480] =	vst v24  }
0xb5: {  	[tilespmem:s25+$0x5680] =	vst v26  }
0xb6: {  	[tilespmem:s25+$0x5600] =	vst v27  }
0xb7: {  	[tilespmem:s25+$0x5580] =	vst v21  }
0xb8: {  	[tilespmem:s25+$0x5500] =	vst v25  }
0xb9: {  	[tilespmem:s25+$0x5400] =	vst v23  }
0xba: {  	[tilespmem:s25+$0x5280] =	vst v18  }
0xbb: {  	s31 =	sshll.u32 s26, $0x13;
	[tilespmem:s25+$0x5200] =	vst v19  }
0xbc: {  	s23 =	sor.u32 s31, s23;
	[tilespmem:s25+$0x5180] =	vst v57  }
0xbd: {  	s22 =	sadd.s32 $0x1, s22;
	s23 =	sshrl.u32 s23, $0x3;
	[tilespmem:s25+$0x5300] =	vst v17  }
0xbe: {  	p0 =	sne.s32 s22, $0xC8;
	s23 =	sadd.s32 s9, s23;
	[tilespmem:s25+$0x5380] =	vst v16  }
0xbf: {  	[hbm4b:s23+s17] =	stream.strided.scatter [tilespmem:s19], [sflag:$0x1], $0xC00, s18, s17, $0x38;
	[tilespmem:$0x5980] =	vst v63  }
.Ltmp1:
0xc0: {  	s23 =	sadd.s32 $0xC000, s23;
	(pc) =	sbr.rel @p0 .LBB2_2-.Ltmp1, $4  }
0xc1: {  	[hbm4b:s23+s6] =	stream.linear.scatter [tilespmem:s20], [sflag:$0x1], $0x200, $0x38;
	[tilespmem:$0x5980] =	vst v63  }
0xc2: {  	_ =	swait.ge [sflag:s13], $0xE00  }
0xc3: {  	[sflag:s13] =	ssyncset.done $0x0  }
0xc4: {  	[sflag:s13] =	ssyncadd.s32 $0xFFFFF200  }
0xc5: {  	s21 =	sadd.s32 $0x1, s21  }
0xc6: {  	p0 =	sne.s32 s21, s11  }
.Ltmp2:
0xc7: {  	_ = 	snop;
	(pc) =	sbr.rel @p0 .LBB2_1-.Ltmp2, $1  }
0xc8: {  	_ =	sdelay $0x3  }
0xc9: {  	_ =	sfence.sel $0x180000  }
0xca: {  	[bflag:$0x0] =	sbarrier.arrive $0xFFFF  }
0xcb: {  	p0 =	sne.s32 s8, $0x0;
	_ =	strace $0x90000047  }
0xcc: {  	s0 =	sadd.s32 @!p0 $0x100000, s1;
	[bflag:$0x2] =	sbarrier.arrive $0xFFFF  }
0xcd: {  	[sflag:s0] =	ssyncadd.tile.s32 @!p0 $0x1;
	_ =	shalt  }
.Lfunc_end2:
_tile_overlayer_lowered:
.L_overlay_start_2:
0xce: {  	(tag) =	ssettag $0x2  }
0xcf: {  	s0 =	rddreg [dreg:$0x0];
	s2 =	stileid.u32  }
0xd0: {  	s1 =	rddreg [dreg:$0x1];
	p0 =	sne.s32 s2, $0x0  }
0xd1: {  	s3 =	rddreg [dreg:$0x2];
	[bflag:$0x3] =	sbarrier.arrive $0xFFFF;
	s2 =	simm.s32 @!p0 $0x1C01  }
0xd2: {  	[timem:s3], [sflag:s2] =	dma.local @!p0 [hbm:s0], s1  }
0xd3: {  	s0 =	simm.s32 @!p0 $0x1  }
0xd4: {  	_ =	swait.ge @!p0 [sflag:s0], s1  }
0xd5: {  	s1 =	ssub.s32 @!p0 $0x0, s1;
	[sflag:s0] =	ssyncset.done @!p0 $0x0  }
0xd6: {  	[sflag:s0] =	ssyncadd.s32 @!p0 s1  }
0xd7: {  	[bflag:$0x3] =	sbarrier.arrive $0xFFFF  }
0xd8: {  	_ =	shalt  }

// kernel: kernel.8.cloned.1.call-start
scs
__scs_entry_jumppad:
0x0: {  	(pc) =	sbr.rel $0x88, $3  }
0x1: {  	(tag) =	ssettag $0x0;
	lr =	simm.s32 $0x1  }
0x2: {  	[smem:$0x3F99] =	sst lr;
	_ =	strace $0xD0000000  }
0x3: {  	_ = 	snop  }
0x4: {  	_ = 	snop  }
0x5: {  	_ = 	snop  }
0x6: {  	_ = 	snop  }
0x7: {  	_ = 	snop  }
__scs_overlays_trampoline_lowered:
0x8: {  	[smem:$0x3FA8] =	sst s0  }
0x9: {  	[smem:$0x3FA9] =	sst s1  }
0xa: {  	[smem:$0x3FAA] =	sst s2  }
0xb: {  	[smem:$0x3FAB] =	sst s3  }
0xc: {  	[smem:$0x3FAC] =	sst s4  }
0xd: {  	[smem:$0x3FAD] =	sst s5  }
0xe: {  	[smem:$0x3FAE] =	sst s6  }
0xf: {  	[smem:$0x3FAF] =	sst s7  }
0x10: {  	[smem:$0x3FB0] =	sst s8  }
0x11: {  	[smem:$0x3FB1] =	sst s9;
	s0 =	simm.s32 @!p0 $0x0  }
0x12: {  	s1 =	sld [smem:$0x3F97];
	s0 =	simm.s32 @p0 $0x1  }
0x13: {  	[smem:$0x3FB2] =	sst s0;
	s0 =	simm.s32 @!p1 $0x0  }
0x14: {  	s2 =	sld [smem:$0x3F96];
	s0 =	simm.s32 @p1 $0x1  }
0x15: {  	[smem:$0x3FB3] =	sst s0;
	s0 =	simm.s32 @!p2 $0x0  }
0x16: {  	s3 =	sld [smem:$0x3FDB];
	s0 =	simm.s32 @p2 $0x1  }
0x17: {  	s4 =	simm.s32 $0x1BF5;
	[smem:$0x3FB5] =	sst s0  }
0x18: {  	s0 =	sld [smem:$0x3F98];
	_ =	swait.ge [sflag:s4], $0x0  }
0x19: {  	s7 =	sld [smem:$0x3F99]  }
0x1a: {  	s8 =	sadd.s32 $0xFFFFE003, lr  }
0x1b: {  	s9 =	sadd.s32 $0xFFFFFEF7, lr;
	s5 =	simm.s32 $0xFFFFFFFF;
	p2 =	slt.u32 s8, $0xFFFFF086  }
0x1c: {  	p1 =	slt.u32 s9, $0xF7A;
	s5 =	simm.s32 @!p2 $0x0  }
0x1d: {  	s5 =	simm.s32 @p1 $0x1;
	p0 =	seq.s32 s7, s2  }
0x1e: {  	s7 =	smul.u32 @!p0 $0xF7A, s2;
	p2 =	seq.s32 @!p0 s5, $0x0  }
0x1f: {  	s9 =	smul.u32 $0xF7A, s1;
	s8 =	simm.s32 @!p0 $0x1BF5;
	p2 =	por !p2, p0  }
0x20: {  	[sflag:s8] =	ssyncset.s32 @!p0 $0xFFFFF086;
	s6 =	sadd.s32 @!p0 s3, s7;
	s7 =	simm.s32 @!p0 $0x108  }
0x21: {  	s3 =	sadd.s32 s3, s9;
	s6 =	sadd.s32 @!p0 $0x88, s6;
	s7 =	simm.s32 @p2 $0x1082  }
0x22: {  	[simem:s7], [sflag:s8] =	dma.local @!p0 [hbm:s6], $0xF7A  }
0x23: {  	s9 =	sor.u32 $0xD0000000, s2;
	s6 =	simm.s32 $0x108;
	_ =	swait.ge @!p0 [sflag:s8], $0x0  }
0x24: {  	s3 =	sadd.s32 $0x88, s3;
	s6 =	simm.s32 @!p1 $0x1082;
	[sflag:s4] =	ssyncset.s32 $0xFFFFF086  }
0x25: {  	[simem:s6], [sflag:s4] =	dma.local [hbm:s3], $0xF7A  }
0x26: {  	[smem:$0x3F99] =	sst s1;
	(tag) =	ssettag s2;
	_ =	strace s9  }
0x27: {  	s1 =	sld [smem:$0x3FA9]  }
0x28: {  	s2 =	sld [smem:$0x3FAA]  }
0x29: {  	s4 =	sld [smem:$0x3FAC]  }
0x2a: {  	p0 =	seq.s32 s5, $0x0;
	s5 =	sld [smem:$0x3FAD]  }
0x2b: {  	s6 =	sld [smem:$0x3FAE]  }
0x2c: {  	s7 =	sld [smem:$0x3FAF]  }
0x2d: {  	s3 =	simm.s32 $0x108;
	s8 =	sld [smem:$0x3FB0]  }
0x2e: {  	s3 =	simm.s32 @!p0 $0x1082;
	s9 =	sld [smem:$0x3FB1]  }
0x2f: {  	lr =	sadd.s32 s0, s3;
	s0 =	sld [smem:$0x3FA8]  }
0x30: {  	s3 =	sld [smem:$0x3FAB]  }
0x31: {  	[smem:$0x3FB4] =	sst s10  }
0x32: {  	s10 =	sld [smem:$0x3FB2];
	_ =	sdelay $0x3  }
0x33: {  	p0 =	seq.s32 s10, $0x1;
	s10 =	sld [smem:$0x3FB4];
	_ =	sdelay $0x3  }
0x34: {  	[smem:$0x3FB4] =	sst s10  }
0x35: {  	s10 =	sld [smem:$0x3FB3];
	_ =	sdelay $0x3  }
0x36: {  	p1 =	seq.s32 s10, $0x1;
	s10 =	sld [smem:$0x3FB4];
	_ =	sdelay $0x3  }
0x37: {  	[smem:$0x3FB4] =	sst s10  }
0x38: {  	s10 =	sld [smem:$0x3FB5]  }
0x39: {  	_ = 	snop;
	(pc) =	sbr.ind lr, $3  }
0x3a: {  	_ = 	snop  }
0x3b: {  	_ = 	snop  }
0x3c: {  	p2 =	seq.s32 s10, $0x1;
	s10 =	sld [smem:$0x3FB4]  }
0x3d: {  	_ =	shalt  }
0x3e: {  	_ =	shalt  }
0x3f: {  	_ =	shalt  }
0x40: {  	_ =	shalt  }
0x41: {  	_ =	shalt  }
0x42: {  	_ =	shalt  }
0x43: {  	_ =	shalt  }
0x44: {  	_ =	shalt  }
0x45: {  	_ =	shalt  }
0x46: {  	_ =	shalt  }
0x47: {  	_ =	shalt  }
0x48: {  	_ =	shalt  }
0x49: {  	_ =	shalt  }
0x4a: {  	_ =	shalt  }
0x4b: {  	_ =	shalt  }
0x4c: {  	_ =	shalt  }
0x4d: {  	_ =	shalt  }
0x4e: {  	_ =	shalt  }
0x4f: {  	_ =	shalt  }
0x50: {  	_ =	shalt  }
0x51: {  	_ =	shalt  }
0x52: {  	_ =	shalt  }
0x53: {  	_ =	shalt  }
0x54: {  	_ =	shalt  }
0x55: {  	_ =	shalt  }
0x56: {  	_ =	shalt  }
0x57: {  	_ =	shalt  }
0x58: {  	_ =	shalt  }
0x59: {  	_ =	shalt  }
0x5a: {  	_ =	shalt  }
0x5b: {  	_ =	shalt  }
0x5c: {  	_ =	shalt  }
0x5d: {  	_ =	shalt  }
0x5e: {  	_ =	shalt  }
0x5f: {  	_ =	shalt  }
0x60: {  	_ =	shalt  }
0x61: {  	_ =	shalt  }
0x62: {  	_ =	shalt  }
0x63: {  	_ =	shalt  }
0x64: {  	_ =	shalt  }
0x65: {  	_ =	shalt  }
0x66: {  	_ =	shalt  }
0x67: {  	_ =	shalt  }
0x68: {  	_ =	shalt  }
0x69: {  	_ =	shalt  }
0x6a: {  	_ =	shalt  }
0x6b: {  	_ =	shalt  }
0x6c: {  	_ =	shalt  }
0x6d: {  	_ =	shalt  }
0x6e: {  	_ =	shalt  }
0x6f: {  	_ =	shalt  }
0x70: {  	_ =	shalt  }
0x71: {  	_ =	shalt  }
0x72: {  	_ =	shalt  }
0x73: {  	_ =	shalt  }
0x74: {  	_ =	shalt  }
0x75: {  	_ =	shalt  }
0x76: {  	_ =	shalt  }
0x77: {  	_ =	shalt  }
0x78: {  	_ =	shalt  }
0x79: {  	_ =	shalt  }
0x7a: {  	_ =	shalt  }
0x7b: {  	_ =	shalt  }
0x7c: {  	_ =	shalt  }
0x7d: {  	_ =	shalt  }
0x7e: {  	_ =	shalt  }
0x7f: {  	_ =	shalt  }
0x80: {  	_ =	shalt  }
0x81: {  	_ =	shalt  }
0x82: {  	_ =	shalt  }
0x83: {  	_ =	shalt  }
0x84: {  	_ =	shalt  }
0x85: {  	_ =	shalt  }
0x86: {  	_ =	shalt  }
0x87: {  	_ =	shalt  }
.Lfunc_end0:
.L_simem_size_0:
called_computation.1_lowered:
.L_overlay_start_0:
0x88: {  	s2 =	sld [smem:$0x3FD9]  }
0x89: {  	s3 =	sld [smem:$0x3FFE];
	_ =	sdelay $0x1  }
0x8a: {  	s1 =	srdreg.scid  }
0x8b: {  	s0 =	sand.u32 $0x1, s1  }
0x8c: {  	s17 =	sshll.u32 s0, $0xA;
	s2 =	sadd.s32 s3, s2  }
0x8d: {  	s2 =	sadd.s32 s2, s17  }
0x8e: {  	[smem:$0x3FC0] =	sst s2  }
0x8f: {  	_ = 	snop  }
0x90: {  	s2 =	sld [smem:$0x3FC7]  }
0x91: {  	s18 =	sld [smem:$0x3FD0];
	(tm) =	ssettm $0x1  }
0x92: {  	s4 =	sld [smem:$0x3FFB];
	_ =	sdelay $0x3  }
0x93: {  	_ =	strace s4  }
0x94: {  	s4 =	sld [smem:$0x3FFC];
	_ =	sdelay $0x3  }
0x95: {  	_ =	strace s4  }
0x96: {  	s4 =	sld [smem:$0x3FFD];
	_ =	sdelay $0x3  }
0x97: {  	_ =	strace s4  }
0x98: {  	_ =	strace $0x8FFFFFFF  }
0x99: {  	s19 =	sld [smem:$0x3FDB];
	_ =	sdelay $0x1  }
0x9a: {  	s5 =	simm.s32 $_scs_section_size  }
0x9b: {  	s6 =	simm.s32 $_size__tile_overlayer_lowered;
	s7 =	simm.s32 $_tile_overlayer_lowered  }
0x9c: {  	s22 =	simm.s32 $0x1BFF;
	s21 =	sshll.u32 s7, $0x1;
	s4 =	sadd.s32 s5, s19  }
0x9d: {  	s8 =	simm.s32 $0x0;
	s20 =	sshll.u32 s6, $0x1;
	s6 =	sadd.s32 s21, s4  }
0x9e: {  	[timem:s8], [sflag:s22] =	dma.local [hbm:s6], s20  }
0x9f: {  	_ =	swait.ge [sflag:s22], s20  }
0xa0: {  	s5 =	ssub.s32 $0x0, s20;
	[sflag:s22] =	ssyncset.done $0x0  }
0xa1: {  	[sflag:s22] =	ssyncadd.s32 s5;
	_ =	sdelay $0x1  }
0xa2: {  	s23 =	simm.s32 $0x1B8B  }
0xa3: {  	_ =	swait.ge [sflag:s23], $0x1  }
0xa4: {  	[sflag:s23] =	ssyncset.done $0x0  }
0xa5: {  	s25 =	simm.s32 $0x1B8E;
	s24 =	sld [smem:$0x3FFE];
	[sflag:s23] =	ssyncadd.s32 $0xFFFFFFFF  }
0xa6: {  	s26 =	simm.s32 $execute0_lowered;
	[smem:$0x3FD2] =	sst s25  }
0xa7: {  	s6 =	sshll.u32 s26, $0x1;
	_ =	strace $0x80000049;
	[dreg:$0x1] =	wrdreg $0xFFFFFFFF  }
0xa8: {  	s28 =	simm.s32 $_size_execute0_lowered;
	s4 =	sadd.s32 s4, s6;
	[dreg:$0x0] =	wrdreg $0x0  }
0xa9: {  	s6 =	sshll.u32 s28, $0x1;
	[dreg:$0x2] =	wrdreg s4  }
0xaa: {  	[dreg:$0x3] =	wrdreg s6  }
0xab: {  	[dreg:$0x4] =	wrdreg $0xC0  }
0xac: {  	_ =	task [dreg:s8], $0x5FFFF  }
0xad: {  	[dreg:$0x1] =	wrdreg $0xFFFFFFFF  }
0xae: {  	[dreg:$0x0] =	wrdreg $0x60  }
0xaf: {  	[dreg:$0x2] =	wrdreg s2  }
0xb0: {  	[dreg:$0x3] =	wrdreg s24  }
0xb1: {  	[dreg:$0x4] =	wrdreg s18  }
0xb2: {  	[dreg:$0x5] =	wrdreg $0x9  }
0xb3: {  	_ =	task.clear_ibuf [dreg:s8], $0x6FFFF;
	_ =	strace $0x90000049  }
0xb4: {  	s29 =	simm.s32 $0x9;
	_ =	strace $0x8000004B  }
0xb5: {  	_ =	swait.ge [sflag:s29], $0x1  }
0xb6: {  	[sflag:s29] =	ssyncadd.s32 $0xFFFFFFFF  }
0xb7: {  	_ =	strace $0x9000004B  }
0xb8: {  	_ =	sfence  }
0xb9: {  	s30 =	sld [smem:$0x0];
	_ =	sdelay $0x2  }
0xba: {  	s31 =	sshll.u32 s1, $0xD;
	s1 =	sshrl.u32 s1, $0x2  }
0xbb: {  	s3 =	sand.u32 $0x4000, s31;
	s1 =	sadd.s32 s1, s30  }
0xbc: {  	s0 =	sor.u32 s3, s0;
	s1 =	sshll.u32 s1, $0x11  }
0xbd: {  	s0 =	sor.u32 s1, s0  }
0xbe: {  	s0 =	sadd.s32 $0x8F2B, s0  }
0xbf: {  	[sflag:s0] =	ssyncadd.remote.s32 $0x1  }
0xc0: {  	_ =	sfence.sel $0xFFFF  }
0xc1: {  	[dreg:$0x0] =	wrdreg $0xFFFFFFFF;
	(pc) =	sbr.abs _section_cstart, $3  }
0xc2: {  	[dreg:$0x1] =	wrdreg $0xFFFFFFFF  }
0xc3: {  	_ =	task.clear_ibuf [dreg:s8], $0x2FFFF;
	_ =	strace $0x9FFFFFFF  }
0xc4: {  	(tm) =	ssettm $0x7FFFFFFF  }
0xc5: {  	_ =	shalt  }
tec
execute0_lowered:
.L_overlay_start_1:
0x0: {  	(tag) =	ssettag $0x1  }
0x1: {  	s1 =	rddreg [dreg:$0x0]  }
0x2: {  	s0 =	rddreg [dreg:$0x1]  }
0x3: {  	s2 =	rddreg [dreg:$0x2]  }
0x4: {  	s4 =	simm.s32 $0x0;
	s3 =	srdreg.scid;
	s6 =	stileid.u32  }
0x5: {  	s15 =	simm.s32 $0x7;
	s16 =	simm.s32 $0x80;
	s18 =	simm.s32 $0x200  }
0x6: {  	s19 =	simm.s32 $0x400;
	s20 =	simm.s32 $0x20000;
	s21 =	simm.s32 $0x8200  }
0x7: {  	s28 =	simm.s32 $0x4200;
	s29 =	simm.s32 $0xAA00;
	s12 =	simm.s32 $0x6  }
0x8: {  	s14 =	simm.s32 $0x4;
	s23 =	simm.s32 $0xCE00;
	s11 =	simm.s32 $0x0  }
0x9: {  	[smem:$0x7FF] =	sst s4;
	s3 =	sand.u32 $0x1, s3;
	s7 =	sshll.u32 s6, $0x1  }
0xa: {  	s5 =	sadd.s32 $0x1262E00, s0;
	s8 =	ssub.s32 $0x2, s3;
	s7 =	sor.u32 s3, s7  }
0xb: {  	s6 =	sadd.s32 $0x800, s0;
	s9 =	sshrl.u32 s8, $0x1;
	s25 =	sshll.u32 s7, $0x7  }
0xc: {  	_ =	strace $0x8000004A;
	s24 =	ssub.s32 s8, s9;
	s10 =	sadd.s32 s6, s25  }
0xd: {  	s8 =	sadd.s32 $0x8800, s0;
	s26 =	sadd.s32 s1, s25;
	[dreg:$0x5] =	wrdreg s10  }
.Ltmp0:
0xe: {  	[dreg:$0x4] =	wrdreg s26;
	s0 =	sadd.s32 $0x1000, s26;
	(pc) =	sbr.rel .LBB2_1-.Ltmp0, $4  }
0xf: {  	s3 =	simm.s32 $0x3;
	s30 =	smax.u32 s24, $0x1;
	[dreg:$0x7] =	wrdreg s0  }
0x10: {  	s13 =	sshll.u32 s7, $0xA;
	s9 =	sadd.s32 s25, s8;
	[dreg:$0x8] =	wrdreg s30  }
0x11: {  	v2 =	vlaneseq.u32;
	s25 =	simm.s32 $0x2;
	[dreg:$0x6] =	wrdreg s9;
	s31 =	sadd.s32 $0x4000, s9  }
0x12: {  	v0 =	vimm.s32 $0xFFF85000;
	v1 =	vimm.s32 $0x0;
	v2 =	vmul.u32 $0x80, v2;
	s0 =	simm.s32 $0x5;
	s9 =	simm.s32 $0x1;
	[dreg:$0x9] =	wrdreg s31  }
.LBB2_10:
0x13: {  	s11 =	rddreg [dreg:$0xa]  }
0x14: {  	s10 =	rddreg [dreg:$0x8];
	s11 =	sadd.s32 $0x1, s11  }
0x15: {  	p0 =	sne.s32 s11, s10  }
.Ltmp1:
0x16: {  	_ = 	snop;
	(pc) =	sbr.rel @!p0 .LBB2_11-.Ltmp1, $1  }
0x17: {  	_ =	sdelay $0x3  }
.LBB2_1:
0x18: {  	[dreg:$0xa] =	wrdreg s11  }
0x19: {  	s10 =	rddreg [dreg:$0x4]  }
0x1a: {  	[tilespmem:s4], [sflag:$0x7] =	stream.linear.gather [hbm4b:s10+s4], $0x80, $0x38;
	[tilespmem:$0xD200] =	vst v63  }
0x1b: {  	_ =	swait.ge [sflag:s15], $0x80  }
0x1c: {  	[sflag:s15] =	ssyncset.done $0x0  }
0x1d: {  	[sflag:s15] =	ssyncadd.s32 $0xFFFFFF80  }
0x1e: {  	v3 =	vld [tilespmem:$0x0]  }
0x1f: {  	v4 =	vld [tilespmem:$0x10]  }
0x20: {  	v5 =	vld [tilespmem:$0x20]  }
0x21: {  	v6 =	vld [tilespmem:$0x30]  }
0x22: {  	v7 =	vld [tilespmem:$0x40]  }
0x23: {  	v8 =	vld [tilespmem:$0x50];
	vm0 =	vlt.s32 v3, $0x7B000  }
0x24: {  	v10 =	vld [tilespmem:$0x60];
	vm9 =	vlt.s32 v4, $0x7B000;
	v9 =	vsel vm0, $0x0, v0  }
0x25: {  	v11 =	vld [tilespmem:$0x70];
	vm10 =	vlt.s32 v5, $0x7B000;
	v57 =	vsel vm9, $0x0, v0;
	v3 =	vadd.s32 v3, v9  }
0x26: {  	vm11 =	vlt.s32 v6, $0x7B000;
	v58 =	vsel vm10, $0x0, v0;
	[tilespmem:$0x100] =	vst v3;
	v3 =	vadd.s32 v4, v57  }
0x27: {  	vm12 =	vlt.s32 v7, $0x7B000;
	v59 =	vsel vm11, $0x0, v0;
	[tilespmem:$0x110] =	vst v3;
	v3 =	vadd.s32 v5, v58  }
0x28: {  	vm13 =	vlt.s32 v8, $0x7B000;
	v60 =	vsel vm12, $0x0, v0;
	[tilespmem:$0x120] =	vst v3;
	v3 =	vadd.s32 v6, v59  }
0x29: {  	vm14 =	vlt.s32 v10, $0x7B000;
	v61 =	vsel vm13, $0x0, v0;
	[tilespmem:$0x130] =	vst v3;
	v3 =	vadd.s32 v7, v60  }
0x2a: {  	vm15 =	vlt.s32 v11, $0x7B000;
	v62 =	vsel vm14, $0x0, v0;
	[tilespmem:$0x140] =	vst v3;
	v3 =	vadd.s32 v8, v61  }
0x2b: {  	v63 =	vsel vm15, $0x0, v0;
	[tilespmem:$0x150] =	vst v3;
	v3 =	vadd.s32 v10, v62  }
0x2c: {  	[tilespmem:$0x160] =	vst v3;
	v3 =	vadd.s32 v11, v63  }
0x2d: {  	s11 =	simm.s32 $0x100;
	[tilespmem:$0x170] =	vst v3  }
0x2e: {  	[tilespmem:s18], [sflag:$0x3] =	stream.indirect.gather [hbm4b:s5+s16], $0x80, s11, s16, $0xb8;
	[tilespmem:$0xD200] =	vst v63  }
0x2f: {  	s17 =	rddreg [dreg:$0x5]  }
0x30: {  	[tilespmem:s21], [sflag:$0x5] =	stream.strided.gather [hbm4b:s17+s19], $0x800, s20, s19, $0x38;
	[tilespmem:$0xD200] =	vst v63  }
0x31: {  	s24 =	simm.s32 $0xA300;
	s22 =	rddreg [dreg:$0x6]  }
0x32: {  	[tilespmem:s24], [sflag:$0x5] =	stream.linear.gather [hbm4b:s22+s4], $0x400, $0x38;
	[tilespmem:$0xD200] =	vst v63  }
0x33: {  	s30 =	simm.s32 $0xA700;
	s26 =	rddreg [dreg:$0x9]  }
0x34: {  	[tilespmem:s30], [sflag:$0x5] =	stream.linear.gather [hbm4b:s26+s4], $0x200, $0x38;
	[tilespmem:$0xD200] =	vst v63  }
0x35: {  	s31 =	rddreg [dreg:$0x7];
	s11 =	simm.s32 $0x0  }
0x36: {  	[tilespmem:s16], [sflag:$0x2] =	stream.linear.gather [hbm4b:s31+s4], $0x80, $0x38;
	[tilespmem:$0xD200] =	vst v63  }
.LBB2_2:
0x37: {  	_ =	swait.ge [sflag:s25], $0x80  }
0x38: {  	[sflag:s25] =	ssyncset.done $0x0  }
0x39: {  	[sflag:s25] =	ssyncadd.s32 $0xFFFFFF80  }
0x3a: {  	v3 =	vld [tilespmem:$0x80]  }
0x3b: {  	v4 =	vld [tilespmem:$0x90]  }
0x3c: {  	v5 =	vld [tilespmem:$0xA0]  }
0x3d: {  	v6 =	vld [tilespmem:$0xB0]  }
0x3e: {  	v7 =	vld [tilespmem:$0xC0]  }
0x3f: {  	v8 =	vld [tilespmem:$0xD0];
	vm0 =	vlt.s32 v3, $0x7B000  }
0x40: {  	v10 =	vld [tilespmem:$0xE0];
	vm9 =	vlt.s32 v4, $0x7B000;
	v9 =	vsel vm0, $0x0, v0  }
0x41: {  	v11 =	vld [tilespmem:$0xF0];
	vm10 =	vlt.s32 v5, $0x7B000;
	v57 =	vsel vm9, $0x0, v0;
	v3 =	vadd.s32 v3, v9  }
0x42: {  	vm11 =	vlt.s32 v6, $0x7B000;
	v58 =	vsel vm10, $0x0, v0;
	[tilespmem:$0x180] =	vst v3;
	v3 =	vadd.s32 v4, v57  }
0x43: {  	vm12 =	vlt.s32 v7, $0x7B000;
	v59 =	vsel vm11, $0x0, v0;
	[tilespmem:$0x190] =	vst v3;
	v3 =	vadd.s32 v5, v58  }
0x44: {  	s17 =	sshll.u32 s11, $0x10;
	vm13 =	vlt.s32 v8, $0x7B000;
	v60 =	vsel vm12, $0x0, v0;
	[tilespmem:$0x1A0] =	vst v3;
	v3 =	vadd.s32 v6, v59  }
0x45: {  	s17 =	sand.u32 $0x10000, s17;
	vm14 =	vlt.s32 v10, $0x7B000;
	v61 =	vsel vm13, $0x0, v0;
	[tilespmem:$0x1B0] =	vst v3;
	v3 =	vadd.s32 v7, v60  }
0x46: {  	s22 =	sshrl.u32 s11, $0x1;
	s26 =	sor.u32 s13, s17;
	vm15 =	vlt.s32 v11, $0x7B000;
	v62 =	vsel vm14, $0x0, v0;
	[tilespmem:$0x1C0] =	vst v3;
	v3 =	vadd.s32 v8, v61  }
0x47: {  	s24 =	sshll.u32 s22, $0x13;
	s17 =	sor.u32 $0x8000, s26;
	v63 =	vsel vm15, $0x0, v0;
	[tilespmem:$0x1D0] =	vst v3;
	v3 =	vadd.s32 v10, v62  }
0x48: {  	s24 =	sor.u32 s24, s17;
	[tilespmem:$0x1E0] =	vst v3;
	v3 =	vadd.s32 v11, v63  }
0x49: {  	s10 =	simm.s32 $0x180;
	s24 =	sshrl.u32 s24, $0x3;
	[tilespmem:$0x1F0] =	vst v3  }
0x4a: {  	[tilespmem:s28], [sflag:$0x4] =	stream.indirect.gather [hbm4b:s5+s16], $0x80, s10, s16, $0xb8;
	[tilespmem:$0xD200] =	vst v63  }
0x4b: {  	s30 =	sadd.s32 s6, s24  }
0x4c: {  	[tilespmem:s29], [sflag:$0x6] =	stream.strided.gather [hbm4b:s30+s19], $0x800, s20, s19, $0x38;
	[tilespmem:$0xD200] =	vst v63  }
0x4d: {  	s10 =	simm.s32 $0xCB00;
	s30 =	sadd.s32 s24, s8;
	s24 =	simm.s32 $0x0  }
0x4e: {  	[tilespmem:s10], [sflag:$0x6] =	stream.linear.gather [hbm4b:s30+s24], $0x400, $0x38;
	[tilespmem:$0xD200] =	vst v63  }
0x4f: {  	s30 =	sadd.s32 $0x4000, s30;
	s10 =	simm.s32 $0xCF00  }
0x50: {  	[tilespmem:s10], [sflag:$0x6] =	stream.linear.gather [hbm4b:s30+s24], $0x200, $0x38;
	[tilespmem:$0xD200] =	vst v63  }
0x51: {  	_ =	swait.ge [sflag:s0], $0x800  }
0x52: {  	[sflag:s0] =	ssyncset.done $0x0  }
0x53: {  	[sflag:s0] =	ssyncadd.s32 $0xFFFFF800  }
0x54: {  	_ =	swait.ge [sflag:s0], $0x600  }
0x55: {  	[sflag:s0] =	ssyncset.done $0x0  }
0x56: {  	[sflag:s0] =	ssyncadd.s32 $0xFFFFFA00  }
0x57: {  	_ =	swait.ge [sflag:s3], $0x4000  }
0x58: {  	[sflag:s3] =	ssyncset.done $0x0  }
0x59: {  	s31 =	simm.s32 $0x0;
	s30 =	simm.s32 $0x9280;
	[sflag:s3] =	ssyncadd.s32 $0xFFFFC000  }
.LBB2_3:
0x5a: {  	v3 =	vld [tilespmem:s24+$0x0];
	_ =	sdelay $0x3  }
0x5b: {  	v4 =	vmov s31  }
0x5c: {  	v4 =	vshll.u32 v4, $0x7;
	vm0 =	vgt.s32 v3, $0x7AFFF  }
0x5d: {  	v4 =	vor.u32 v2, v4;
	v3 =	vsel vm0, $0x40, v1  }
0x5e: {  	v3 =	vor.u32 v4, v3  }
0x5f: {  	v4 =	vor.u32 $0x1, v3  }
0x60: {  	v5 =	vor.u32 $0x2, v3  }
0x61: {  	v6 =	vor.u32 $0x3, v3  }
0x62: {  	v7 =	vor.u32 $0x4, v3  }
0x63: {  	v9 =	vor.u32 $0x5, v3;
	v8 =	vld.idx.msk [tilespmem:v3+s18+$0x0], $0xffff  }
0x64: {  	v10 =	vor.u32 $0x6, v3;
	v4 =	vld.idx.msk [tilespmem:v4+s18+$0x0], $0xffff  }
0x65: {  	v11 =	vor.u32 $0x7, v3;
	v5 =	vld.idx.msk [tilespmem:v5+s18+$0x0], $0xffff  }
0x66: {  	v6 =	vld.idx.msk [tilespmem:v6+s18+$0x0], $0xffff  }
0x67: {  	v7 =	vld.idx.msk [tilespmem:v7+s18+$0x0], $0xffff  }
0x68: {  	v9 =	vld.idx.msk [tilespmem:v9+s18+$0x0], $0xffff  }
0x69: {  	v10 =	vld.idx.msk [tilespmem:v10+s18+$0x0], $0xffff  }
0x6a: {  	v11 =	vld.idx.msk [tilespmem:v11+s18+$0x0], $0xffff;
	[tilespmem:s30+$0xFFFFF780] =	vst v8  }
0x6b: {  	[tilespmem:s30+$0xFFFFF800] =	vst v4  }
0x6c: {  	[tilespmem:s30+$0xFFFFF880] =	vst v5  }
0x6d: {  	v23 =	vor.u32 $0x8, v3;
	[tilespmem:s30+$0xFFFFF900] =	vst v6  }
0x6e: {  	v24 =	vor.u32 $0x9, v3;
	[tilespmem:s30+$0xFFFFF980] =	vst v7  }
0x6f: {  	v25 =	vor.u32 $0xA, v3;
	[tilespmem:s30+$0xFFFFFA00] =	vst v9  }
0x70: {  	v26 =	vor.u32 $0xB, v3;
	[tilespmem:s30+$0xFFFFFA80] =	vst v10  }
0x71: {  	v27 =	vor.u32 $0xC, v3;
	[tilespmem:s30+$0xFFFFFB00] =	vst v11  }
0x72: {  	v28 =	vor.u32 $0xD, v3;
	v4 =	vld.idx.msk [tilespmem:v23+s18+$0x0], $0xffff  }
0x73: {  	v29 =	vor.u32 $0xE, v3;
	v5 =	vld.idx.msk [tilespmem:v24+s18+$0x0], $0xffff  }
0x74: {  	v30 =	vor.u32 $0xF, v3;
	v6 =	vld.idx.msk [tilespmem:v25+s18+$0x0], $0xffff  }
0x75: {  	v7 =	vld.idx.msk [tilespmem:v26+s18+$0x0], $0xffff  }
0x76: {  	v8 =	vld.idx.msk [tilespmem:v27+s18+$0x0], $0xffff  }
0x77: {  	v9 =	vld.idx.msk [tilespmem:v28+s18+$0x0], $0xffff  }
0x78: {  	v10 =	vld.idx.msk [tilespmem:v29+s18+$0x0], $0xffff  }
0x79: {  	v11 =	vld.idx.msk [tilespmem:v30+s18+$0x0], $0xffff;
	[tilespmem:s30+$0xFFFFFB80] =	vst v4  }
0x7a: {  	[tilespmem:s30+$0xFFFFFC00] =	vst v5  }
0x7b: {  	[tilespmem:s30+$0xFFFFFC80] =	vst v6  }
0x7c: {  	v31 =	vor.u32 $0x10, v3;
	[tilespmem:s30+$0xFFFFFD00] =	vst v7  }
0x7d: {  	v32 =	vor.u32 $0x11, v3;
	[tilespmem:s30+$0xFFFFFD80] =	vst v8  }
0x7e: {  	v33 =	vor.u32 $0x12, v3;
	[tilespmem:s30+$0xFFFFFE00] =	vst v9  }
0x7f: {  	v34 =	vor.u32 $0x13, v3;
	[tilespmem:s30+$0xFFFFFE80] =	vst v10  }
0x80: {  	v35 =	vor.u32 $0x14, v3;
	[tilespmem:s30+$0xFFFFFF00] =	vst v11  }
0x81: {  	v36 =	vor.u32 $0x15, v3;
	v4 =	vld.idx.msk [tilespmem:v31+s18+$0x0], $0xffff  }
0x82: {  	v37 =	vor.u32 $0x16, v3;
	v5 =	vld.idx.msk [tilespmem:v32+s18+$0x0], $0xffff  }
0x83: {  	v38 =	vor.u32 $0x17, v3;
	v6 =	vld.idx.msk [tilespmem:v33+s18+$0x0], $0xffff  }
0x84: {  	v7 =	vld.idx.msk [tilespmem:v34+s18+$0x0], $0xffff  }
0x85: {  	v8 =	vld.idx.msk [tilespmem:v35+s18+$0x0], $0xffff  }
0x86: {  	v9 =	vld.idx.msk [tilespmem:v36+s18+$0x0], $0xffff  }
0x87: {  	v10 =	vld.idx.msk [tilespmem:v37+s18+$0x0], $0xffff  }
0x88: {  	v11 =	vld.idx.msk [tilespmem:v38+s18+$0x0], $0xffff;
	[tilespmem:s30+$0xFFFFFF80] =	vst v4  }
0x89: {  	[tilespmem:s30+$0x0] =	vst v5  }
0x8a: {  	[tilespmem:s30+$0x80] =	vst v6  }
0x8b: {  	v39 =	vor.u32 $0x18, v3;
	[tilespmem:s30+$0x100] =	vst v7  }
0x8c: {  	v40 =	vor.u32 $0x19, v3;
	[tilespmem:s30+$0x180] =	vst v8  }
0x8d: {  	v41 =	vor.u32 $0x1A, v3;
	[tilespmem:s30+$0x200] =	vst v9  }
0x8e: {  	v42 =	vor.u32 $0x1B, v3;
	[tilespmem:s30+$0x280] =	vst v10  }
0x8f: {  	v43 =	vor.u32 $0x1C, v3;
	[tilespmem:s30+$0x300] =	vst v11  }
0x90: {  	v44 =	vor.u32 $0x1D, v3;
	v4 =	vld.idx.msk [tilespmem:v39+s18+$0x0], $0xffff  }
0x91: {  	v45 =	vor.u32 $0x1E, v3;
	v5 =	vld.idx.msk [tilespmem:v40+s18+$0x0], $0xffff  }
0x92: {  	v46 =	vor.u32 $0x1F, v3;
	v6 =	vld.idx.msk [tilespmem:v41+s18+$0x0], $0xffff  }
0x93: {  	v7 =	vld.idx.msk [tilespmem:v42+s18+$0x0], $0xffff  }
0x94: {  	v8 =	vld.idx.msk [tilespmem:v43+s18+$0x0], $0xffff  }
0x95: {  	v9 =	vld.idx.msk [tilespmem:v44+s18+$0x0], $0xffff  }
0x96: {  	v10 =	vld.idx.msk [tilespmem:v45+s18+$0x0], $0xffff  }
0x97: {  	v11 =	vld.idx.msk [tilespmem:v46+s18+$0x0], $0xffff;
	[tilespmem:s30+$0x380] =	vst v4  }
0x98: {  	[tilespmem:s30+$0x400] =	vst v5  }
0x99: {  	[tilespmem:s30+$0x480] =	vst v6  }
0x9a: {  	v47 =	vor.u32 $0x20, v3;
	[tilespmem:s30+$0x500] =	vst v7  }
0x9b: {  	v48 =	vor.u32 $0x21, v3;
	[tilespmem:s30+$0x580] =	vst v8  }
0x9c: {  	v49 =	vor.u32 $0x22, v3;
	[tilespmem:s30+$0x600] =	vst v9  }
0x9d: {  	v50 =	vor.u32 $0x23, v3;
	[tilespmem:s30+$0x680] =	vst v10  }
0x9e: {  	v51 =	vor.u32 $0x24, v3;
	[tilespmem:s30+$0x700] =	vst v11  }
0x9f: {  	v52 =	vor.u32 $0x25, v3;
	v4 =	vld.idx.msk [tilespmem:v47+s18+$0x0], $0xffff  }
0xa0: {  	v53 =	vor.u32 $0x26, v3;
	v5 =	vld.idx.msk [tilespmem:v48+s18+$0x0], $0xffff  }
0xa1: {  	v54 =	vor.u32 $0x27, v3;
	v6 =	vld.idx.msk [tilespmem:v49+s18+$0x0], $0xffff  }
0xa2: {  	v7 =	vld.idx.msk [tilespmem:v50+s18+$0x0], $0xffff  }
0xa3: {  	v8 =	vld.idx.msk [tilespmem:v51+s18+$0x0], $0xffff  }
0xa4: {  	v9 =	vld.idx.msk [tilespmem:v52+s18+$0x0], $0xffff  }
0xa5: {  	v10 =	vld.idx.msk [tilespmem:v53+s18+$0x0], $0xffff  }
0xa6: {  	v11 =	vld.idx.msk [tilespmem:v54+s18+$0x0], $0xffff;
	[tilespmem:s30+$0x780] =	vst v4  }
0xa7: {  	[tilespmem:s30+$0x800] =	vst v5  }
0xa8: {  	[tilespmem:s30+$0x880] =	vst v6  }
0xa9: {  	v55 =	vor.u32 $0x28, v3;
	[tilespmem:s30+$0x900] =	vst v7  }
0xaa: {  	v56 =	vor.u32 $0x29, v3;
	[tilespmem:s30+$0x980] =	vst v8  }
0xab: {  	v57 =	vor.u32 $0x2A, v3;
	[tilespmem:s30+$0xA00] =	vst v9  }
0xac: {  	v58 =	vor.u32 $0x2B, v3;
	[tilespmem:s30+$0xA80] =	vst v10  }
0xad: {  	v59 =	vor.u32 $0x2C, v3;
	[tilespmem:s30+$0xB00] =	vst v11  }
0xae: {  	v60 =	vor.u32 $0x2D, v3;
	v4 =	vld.idx.msk [tilespmem:v55+s18+$0x0], $0xffff  }
0xaf: {  	v61 =	vor.u32 $0x2E, v3;
	v5 =	vld.idx.msk [tilespmem:v56+s18+$0x0], $0xffff  }
0xb0: {  	v62 =	vor.u32 $0x2F, v3;
	v6 =	vld.idx.msk [tilespmem:v57+s18+$0x0], $0xffff  }
0xb1: {  	v7 =	vld.idx.msk [tilespmem:v58+s18+$0x0], $0xffff  }
0xb2: {  	v8 =	vld.idx.msk [tilespmem:v59+s18+$0x0], $0xffff  }
0xb3: {  	v9 =	vld.idx.msk [tilespmem:v60+s18+$0x0], $0xffff  }
0xb4: {  	v10 =	vld.idx.msk [tilespmem:v61+s18+$0x0], $0xffff  }
0xb5: {  	v11 =	vld.idx.msk [tilespmem:v62+s18+$0x0], $0xffff;
	[tilespmem:s30+$0xB80] =	vst v4  }
0xb6: {  	[tilespmem:s30+$0xC00] =	vst v5  }
0xb7: {  	[tilespmem:s30+$0xC80] =	vst v6  }
0xb8: {  	v63 =	vor.u32 $0x30, v3;
	[tilespmem:s30+$0xD00] =	vst v7  }
0xb9: {  	v3 =	vor.u32 $0x31, v3;
	[tilespmem:s30+$0xD80] =	vst v8  }
0xba: {  	[tilespmem:s30+$0xE00] =	vst v9  }
0xbb: {  	[tilespmem:s30+$0xE80] =	vst v10  }
0xbc: {  	[tilespmem:s30+$0xF00] =	vst v11  }
0xbd: {  	v4 =	vld.idx.msk [tilespmem:v63+s18+$0x0], $0xffff  }
0xbe: {  	p0 =	sne.s32 s31, $0x70;
	v3 =	vld.idx.msk [tilespmem:v3+s18+$0x0], $0xffff  }
.Ltmp2:
0xbf: {  	_ = 	snop;
	(pc) =	sbr.rel @p0 .LBB2_3-.Ltmp2, $3  }
0xc0: {  	_ =	sdelay $0x1  }
0xc1: {  	[tilespmem:s30+$0xF80] =	vst v4  }
0xc2: {  	s24 =	sadd.s32 $0x10, s24;
	s31 =	sadd.s32 $0x10, s31;
	[tilespmem:s30+$0x1000] =	vst v3;
	s30 =	sadd.s32 $0x10, s30  }
0xc3: {  	s24 =	smul.u32 $0x140000, s22;
	_ =	sdelay $0x1  }
0xc4: {  	s22 =	sor.u32 s24, s26  }
0xc5: {  	s22 =	sshrl.u32 s22, $0x3  }
0xc6: {  	p0 =	seq.s32 s11, $0x63;
	s22 =	sadd.s32 s2, s22  }
0xc7: {  	[hbm4b:s22+s19] =	stream.strided.scatter [tilespmem:s21], [sflag:$0x7], $0x2400, s20, s19, $0x38;
	[tilespmem:$0xD200] =	vst v63  }
.Ltmp3:
0xc8: {  	s10 =	simm.s32 $0xA600;
	s22 =	sadd.s32 $0x24000, s22;
	(pc) =	sbr.rel @p0 .LBB2_6-.Ltmp3, $4  }
0xc9: {  	[hbm4b:s22+s4] =	stream.linear.scatter [tilespmem:s10], [sflag:$0x7], $0x300, $0x38;
	[tilespmem:$0xD200] =	vst v63  }
0xca: {  	_ =	swait.ge [sflag:s15], $0x2700  }
0xcb: {  	[sflag:s15] =	ssyncset.done $0x0  }
0xcc: {  	s22 =	sshll.u32 s11, $0x6;
	[sflag:s15] =	ssyncadd.s32 $0xFFFFD900  }
0xcd: {  	s26 =	sadd.s32 $0x40, s22  }
0xce: {  	s30 =	sand.u32 $0x40, s26;
	s31 =	sshll.u32 s26, $0x7  }
0xcf: {  	s10 =	sand.u32 $0x380, s26;
	s30 =	sor.u32 s7, s30;
	s31 =	sand.u32 $0x1E0000, s31  }
0xd0: {  	s30 =	sshll.u32 s30, $0xA;
	s10 =	sor.u32 s10, s31  }
0xd1: {  	s10 =	sor.u32 s30, s10  }
0xd2: {  	s10 =	sshrl.u32 s10, $0x3  }
0xd3: {  	s10 =	sadd.s32 s1, s10  }
0xd4: {  	[tilespmem:s4], [sflag:$0x1] =	stream.linear.gather [hbm4b:s10+s4], $0x80, $0x38;
	[tilespmem:$0xD200] =	vst v63  }
0xd5: {  	_ =	swait.ge [sflag:s9], $0x80  }
0xd6: {  	[sflag:s9] =	ssyncset.done $0x0  }
0xd7: {  	[sflag:s9] =	ssyncadd.s32 $0xFFFFFF80  }
0xd8: {  	v3 =	vld [tilespmem:$0x0]  }
0xd9: {  	v4 =	vld [tilespmem:$0x10]  }
0xda: {  	v5 =	vld [tilespmem:$0x20]  }
0xdb: {  	v6 =	vld [tilespmem:$0x30]  }
0xdc: {  	v7 =	vld [tilespmem:$0x40]  }
0xdd: {  	v8 =	vld [tilespmem:$0x50];
	vm0 =	vlt.s32 v3, $0x7B000  }
0xde: {  	v10 =	vld [tilespmem:$0x60];
	vm9 =	vlt.s32 v4, $0x7B000;
	v9 =	vsel vm0, $0x0, v0  }
0xdf: {  	v11 =	vld [tilespmem:$0x70];
	vm10 =	vlt.s32 v5, $0x7B000;
	v57 =	vsel vm9, $0x0, v0;
	v3 =	vadd.s32 v3, v9  }
0xe0: {  	vm11 =	vlt.s32 v6, $0x7B000;
	v58 =	vsel vm10, $0x0, v0;
	[tilespmem:$0x100] =	vst v3;
	v3 =	vadd.s32 v4, v57  }
0xe1: {  	vm12 =	vlt.s32 v7, $0x7B000;
	v59 =	vsel vm11, $0x0, v0;
	[tilespmem:$0x110] =	vst v3;
	v3 =	vadd.s32 v5, v58  }
0xe2: {  	vm13 =	vlt.s32 v8, $0x7B000;
	v60 =	vsel vm12, $0x0, v0;
	[tilespmem:$0x120] =	vst v3;
	v3 =	vadd.s32 v6, v59  }
0xe3: {  	vm14 =	vlt.s32 v10, $0x7B000;
	v61 =	vsel vm13, $0x0, v0;
	[tilespmem:$0x130] =	vst v3;
	v3 =	vadd.s32 v7, v60  }
0xe4: {  	s26 =	sshll.u32 s26, $0xC;
	vm15 =	vlt.s32 v11, $0x7B000;
	v62 =	vsel vm14, $0x0, v0;
	[tilespmem:$0x140] =	vst v3;
	v3 =	vadd.s32 v8, v61  }
0xe5: {  	s10 =	sand.u32 $0xFFF80000, s26;
	v63 =	vsel vm15, $0x0, v0;
	[tilespmem:$0x150] =	vst v3;
	v3 =	vadd.s32 v10, v62  }
0xe6: {  	s10 =	sor.u32 s10, s30;
	[tilespmem:$0x160] =	vst v3;
	v3 =	vadd.s32 v11, v63  }
0xe7: {  	s31 =	simm.s32 $0x100;
	s10 =	sshrl.u32 s10, $0x3;
	[tilespmem:$0x170] =	vst v3  }
0xe8: {  	[tilespmem:s18], [sflag:$0x3] =	stream.indirect.gather [hbm4b:s5+s16], $0x80, s31, s16, $0xb8;
	[tilespmem:$0xD200] =	vst v63  }
0xe9: {  	s31 =	sadd.s32 s6, s10  }
0xea: {  	[tilespmem:s21], [sflag:$0x5] =	stream.strided.gather [hbm4b:s31+s19], $0x800, s20, s19, $0x38;
	[tilespmem:$0xD200] =	vst v63  }
0xeb: {  	s30 =	simm.s32 $0xA300;
	s10 =	sadd.s32 s10, s8  }
0xec: {  	[tilespmem:s30], [sflag:$0x5] =	stream.linear.gather [hbm4b:s10+s4], $0x400, $0x38;
	[tilespmem:$0xD200] =	vst v63  }
0xed: {  	s31 =	simm.s32 $0xA700;
	s10 =	sadd.s32 $0x4000, s10  }
0xee: {  	[tilespmem:s31], [sflag:$0x5] =	stream.linear.gather [hbm4b:s10+s4], $0x200, $0x38;
	[tilespmem:$0xD200] =	vst v63  }
.LBB2_6:
0xef: {  	_ =	swait.ge [sflag:s12], $0x800  }
0xf0: {  	[sflag:s12] =	ssyncset.done $0x0  }
0xf1: {  	[sflag:s12] =	ssyncadd.s32 $0xFFFFF800  }
0xf2: {  	_ =	swait.ge [sflag:s12], $0x600  }
0xf3: {  	[sflag:s12] =	ssyncset.done $0x0  }
0xf4: {  	[sflag:s12] =	ssyncadd.s32 $0xFFFFFA00  }
0xf5: {  	_ =	swait.ge [sflag:s14], $0x4000  }
0xf6: {  	s26 =	simm.s32 $0x0;
	[sflag:s14] =	ssyncset.done $0x0  }
0xf7: {  	s30 =	simm.s32 $0x80;
	s31 =	simm.s32 $0xBA80;
	[sflag:s14] =	ssyncadd.s32 $0xFFFFC000  }
.LBB2_7:
0xf8: {  	v3 =	vld [tilespmem:s30+$0x0];
	_ =	sdelay $0x3  }
0xf9: {  	v4 =	vmov s26  }
0xfa: {  	v4 =	vshll.u32 v4, $0x7;
	vm0 =	vgt.s32 v3, $0x7AFFF  }
0xfb: {  	v4 =	vor.u32 v2, v4;
	v3 =	vsel vm0, $0x40, v1  }
0xfc: {  	v3 =	vor.u32 v4, v3  }
0xfd: {  	v4 =	vor.u32 $0x1, v3  }
0xfe: {  	v5 =	vor.u32 $0x2, v3  }
0xff: {  	v6 =	vor.u32 $0x3, v3  }
0x100: {  	v7 =	vor.u32 $0x4, v3  }
0x101: {  	v9 =	vor.u32 $0x5, v3;
	v8 =	vld.idx.msk [tilespmem:v3+s28+$0x0], $0xffff  }
0x102: {  	v10 =	vor.u32 $0x6, v3;
	v4 =	vld.idx.msk [tilespmem:v4+s28+$0x0], $0xffff  }
0x103: {  	v11 =	vor.u32 $0x7, v3;
	v5 =	vld.idx.msk [tilespmem:v5+s28+$0x0], $0xffff  }
0x104: {  	v6 =	vld.idx.msk [tilespmem:v6+s28+$0x0], $0xffff  }
0x105: {  	v7 =	vld.idx.msk [tilespmem:v7+s28+$0x0], $0xffff  }
0x106: {  	v9 =	vld.idx.msk [tilespmem:v9+s28+$0x0], $0xffff  }
0x107: {  	v10 =	vld.idx.msk [tilespmem:v10+s28+$0x0], $0xffff  }
0x108: {  	v11 =	vld.idx.msk [tilespmem:v11+s28+$0x0], $0xffff;
	[tilespmem:s31+$0xFFFFF780] =	vst v8  }
0x109: {  	[tilespmem:s31+$0xFFFFF800] =	vst v4  }
0x10a: {  	[tilespmem:s31+$0xFFFFF880] =	vst v5  }
0x10b: {  	v23 =	vor.u32 $0x8, v3;
	[tilespmem:s31+$0xFFFFF900] =	vst v6  }
0x10c: {  	v24 =	vor.u32 $0x9, v3;
	[tilespmem:s31+$0xFFFFF980] =	vst v7  }
0x10d: {  	v25 =	vor.u32 $0xA, v3;
	[tilespmem:s31+$0xFFFFFA00] =	vst v9  }
0x10e: {  	v26 =	vor.u32 $0xB, v3;
	[tilespmem:s31+$0xFFFFFA80] =	vst v10  }
0x10f: {  	v27 =	vor.u32 $0xC, v3;
	[tilespmem:s31+$0xFFFFFB00] =	vst v11  }
0x110: {  	v28 =	vor.u32 $0xD, v3;
	v4 =	vld.idx.msk [tilespmem:v23+s28+$0x0], $0xffff  }
0x111: {  	v29 =	vor.u32 $0xE, v3;
	v5 =	vld.idx.msk [tilespmem:v24+s28+$0x0], $0xffff  }
0x112: {  	v30 =	vor.u32 $0xF, v3;
	v6 =	vld.idx.msk [tilespmem:v25+s28+$0x0], $0xffff  }
0x113: {  	v7 =	vld.idx.msk [tilespmem:v26+s28+$0x0], $0xffff  }
0x114: {  	v8 =	vld.idx.msk [tilespmem:v27+s28+$0x0], $0xffff  }
0x115: {  	v9 =	vld.idx.msk [tilespmem:v28+s28+$0x0], $0xffff  }
0x116: {  	v10 =	vld.idx.msk [tilespmem:v29+s28+$0x0], $0xffff  }
0x117: {  	v11 =	vld.idx.msk [tilespmem:v30+s28+$0x0], $0xffff;
	[tilespmem:s31+$0xFFFFFB80] =	vst v4  }
0x118: {  	[tilespmem:s31+$0xFFFFFC00] =	vst v5  }
0x119: {  	[tilespmem:s31+$0xFFFFFC80] =	vst v6  }
0x11a: {  	v31 =	vor.u32 $0x10, v3;
	[tilespmem:s31+$0xFFFFFD00] =	vst v7  }
0x11b: {  	v32 =	vor.u32 $0x11, v3;
	[tilespmem:s31+$0xFFFFFD80] =	vst v8  }
0x11c: {  	v33 =	vor.u32 $0x12, v3;
	[tilespmem:s31+$0xFFFFFE00] =	vst v9  }
0x11d: {  	v34 =	vor.u32 $0x13, v3;
	[tilespmem:s31+$0xFFFFFE80] =	vst v10  }
0x11e: {  	v35 =	vor.u32 $0x14, v3;
	[tilespmem:s31+$0xFFFFFF00] =	vst v11  }
0x11f: {  	v36 =	vor.u32 $0x15, v3;
	v4 =	vld.idx.msk [tilespmem:v31+s28+$0x0], $0xffff  }
0x120: {  	v37 =	vor.u32 $0x16, v3;
	v5 =	vld.idx.msk [tilespmem:v32+s28+$0x0], $0xffff  }
0x121: {  	v38 =	vor.u32 $0x17, v3;
	v6 =	vld.idx.msk [tilespmem:v33+s28+$0x0], $0xffff  }
0x122: {  	v7 =	vld.idx.msk [tilespmem:v34+s28+$0x0], $0xffff  }
0x123: {  	v8 =	vld.idx.msk [tilespmem:v35+s28+$0x0], $0xffff  }
0x124: {  	v9 =	vld.idx.msk [tilespmem:v36+s28+$0x0], $0xffff  }
0x125: {  	v10 =	vld.idx.msk [tilespmem:v37+s28+$0x0], $0xffff  }
0x126: {  	v11 =	vld.idx.msk [tilespmem:v38+s28+$0x0], $0xffff;
	[tilespmem:s31+$0xFFFFFF80] =	vst v4  }
0x127: {  	[tilespmem:s31+$0x0] =	vst v5  }
0x128: {  	[tilespmem:s31+$0x80] =	vst v6  }
0x129: {  	v39 =	vor.u32 $0x18, v3;
	[tilespmem:s31+$0x100] =	vst v7  }
0x12a: {  	v40 =	vor.u32 $0x19, v3;
	[tilespmem:s31+$0x180] =	vst v8  }
0x12b: {  	v41 =	vor.u32 $0x1A, v3;
	[tilespmem:s31+$0x200] =	vst v9  }
0x12c: {  	v42 =	vor.u32 $0x1B, v3;
	[tilespmem:s31+$0x280] =	vst v10  }
0x12d: {  	v43 =	vor.u32 $0x1C, v3;
	[tilespmem:s31+$0x300] =	vst v11  }
0x12e: {  	v44 =	vor.u32 $0x1D, v3;
	v4 =	vld.idx.msk [tilespmem:v39+s28+$0x0], $0xffff  }
0x12f: {  	v45 =	vor.u32 $0x1E, v3;
	v5 =	vld.idx.msk [tilespmem:v40+s28+$0x0], $0xffff  }
0x130: {  	v46 =	vor.u32 $0x1F, v3;
	v6 =	vld.idx.msk [tilespmem:v41+s28+$0x0], $0xffff  }
0x131: {  	v7 =	vld.idx.msk [tilespmem:v42+s28+$0x0], $0xffff  }
0x132: {  	v8 =	vld.idx.msk [tilespmem:v43+s28+$0x0], $0xffff  }
0x133: {  	v9 =	vld.idx.msk [tilespmem:v44+s28+$0x0], $0xffff  }
0x134: {  	v10 =	vld.idx.msk [tilespmem:v45+s28+$0x0], $0xffff  }
0x135: {  	v11 =	vld.idx.msk [tilespmem:v46+s28+$0x0], $0xffff;
	[tilespmem:s31+$0x380] =	vst v4  }
0x136: {  	[tilespmem:s31+$0x400] =	vst v5  }
0x137: {  	[tilespmem:s31+$0x480] =	vst v6  }
0x138: {  	v47 =	vor.u32 $0x20, v3;
	[tilespmem:s31+$0x500] =	vst v7  }
0x139: {  	v48 =	vor.u32 $0x21, v3;
	[tilespmem:s31+$0x580] =	vst v8  }
0x13a: {  	v49 =	vor.u32 $0x22, v3;
	[tilespmem:s31+$0x600] =	vst v9  }
0x13b: {  	v50 =	vor.u32 $0x23, v3;
	[tilespmem:s31+$0x680] =	vst v10  }
0x13c: {  	v51 =	vor.u32 $0x24, v3;
	[tilespmem:s31+$0x700] =	vst v11  }
0x13d: {  	v52 =	vor.u32 $0x25, v3;
	v4 =	vld.idx.msk [tilespmem:v47+s28+$0x0], $0xffff  }
0x13e: {  	v53 =	vor.u32 $0x26, v3;
	v5 =	vld.idx.msk [tilespmem:v48+s28+$0x0], $0xffff  }
0x13f: {  	v54 =	vor.u32 $0x27, v3;
	v6 =	vld.idx.msk [tilespmem:v49+s28+$0x0], $0xffff  }
0x140: {  	v7 =	vld.idx.msk [tilespmem:v50+s28+$0x0], $0xffff  }
0x141: {  	v8 =	vld.idx.msk [tilespmem:v51+s28+$0x0], $0xffff  }
0x142: {  	v9 =	vld.idx.msk [tilespmem:v52+s28+$0x0], $0xffff  }
0x143: {  	v10 =	vld.idx.msk [tilespmem:v53+s28+$0x0], $0xffff  }
0x144: {  	v11 =	vld.idx.msk [tilespmem:v54+s28+$0x0], $0xffff;
	[tilespmem:s31+$0x780] =	vst v4  }
0x145: {  	[tilespmem:s31+$0x800] =	vst v5  }
0x146: {  	[tilespmem:s31+$0x880] =	vst v6  }
0x147: {  	v55 =	vor.u32 $0x28, v3;
	[tilespmem:s31+$0x900] =	vst v7  }
0x148: {  	v56 =	vor.u32 $0x29, v3;
	[tilespmem:s31+$0x980] =	vst v8  }
0x149: {  	v57 =	vor.u32 $0x2A, v3;
	[tilespmem:s31+$0xA00] =	vst v9  }
0x14a: {  	v58 =	vor.u32 $0x2B, v3;
	[tilespmem:s31+$0xA80] =	vst v10  }
0x14b: {  	v59 =	vor.u32 $0x2C, v3;
	[tilespmem:s31+$0xB00] =	vst v11  }
0x14c: {  	v60 =	vor.u32 $0x2D, v3;
	v4 =	vld.idx.msk [tilespmem:v55+s28+$0x0], $0xffff  }
0x14d: {  	v61 =	vor.u32 $0x2E, v3;
	v5 =	vld.idx.msk [tilespmem:v56+s28+$0x0], $0xffff  }
0x14e: {  	v62 =	vor.u32 $0x2F, v3;
	v6 =	vld.idx.msk [tilespmem:v57+s28+$0x0], $0xffff  }
0x14f: {  	v7 =	vld.idx.msk [tilespmem:v58+s28+$0x0], $0xffff  }
0x150: {  	v8 =	vld.idx.msk [tilespmem:v59+s28+$0x0], $0xffff  }
0x151: {  	v9 =	vld.idx.msk [tilespmem:v60+s28+$0x0], $0xffff  }
0x152: {  	v10 =	vld.idx.msk [tilespmem:v61+s28+$0x0], $0xffff  }
0x153: {  	v11 =	vld.idx.msk [tilespmem:v62+s28+$0x0], $0xffff;
	[tilespmem:s31+$0xB80] =	vst v4  }
0x154: {  	[tilespmem:s31+$0xC00] =	vst v5  }
0x155: {  	[tilespmem:s31+$0xC80] =	vst v6  }
0x156: {  	v63 =	vor.u32 $0x30, v3;
	[tilespmem:s31+$0xD00] =	vst v7  }
0x157: {  	v3 =	vor.u32 $0x31, v3;
	[tilespmem:s31+$0xD80] =	vst v8  }
0x158: {  	[tilespmem:s31+$0xE00] =	vst v9  }
0x159: {  	[tilespmem:s31+$0xE80] =	vst v10  }
0x15a: {  	[tilespmem:s31+$0xF00] =	vst v11  }
0x15b: {  	v4 =	vld.idx.msk [tilespmem:v63+s28+$0x0], $0xffff  }
0x15c: {  	p1 =	sne.s32 s26, $0x70;
	v3 =	vld.idx.msk [tilespmem:v3+s28+$0x0], $0xffff  }
.Ltmp4:
0x15d: {  	_ = 	snop;
	(pc) =	sbr.rel @p1 .LBB2_7-.Ltmp4, $3  }
0x15e: {  	_ =	sdelay $0x1  }
0x15f: {  	[tilespmem:s31+$0xF80] =	vst v4  }
0x160: {  	s30 =	sadd.s32 $0x10, s30;
	s26 =	sadd.s32 $0x10, s26;
	[tilespmem:s31+$0x1000] =	vst v3;
	s31 =	sadd.s32 $0x10, s31  }
0x161: {  	s10 =	sor.u32 s24, s17  }
0x162: {  	s10 =	sshrl.u32 s10, $0x3  }
0x163: {  	s10 =	sadd.s32 s2, s10  }
0x164: {  	[hbm4b:s10+s19] =	stream.strided.scatter [tilespmem:s29], [sflag:$0x7], $0x2400, s20, s19, $0x38;
	[tilespmem:$0xD200] =	vst v63  }
.Ltmp5:
0x165: {  	s10 =	sadd.s32 $0x24000, s10;
	(pc) =	sbr.rel @p0 .LBB2_10-.Ltmp5, $4  }
0x166: {  	[hbm4b:s10+s4] =	stream.linear.scatter [tilespmem:s23], [sflag:$0x7], $0x300, $0x38;
	[tilespmem:$0xD200] =	vst v63  }
0x167: {  	_ =	swait.ge [sflag:s15], $0x2700  }
0x168: {  	[sflag:s15] =	ssyncset.done $0x0  }
0x169: {  	[sflag:s15] =	ssyncadd.s32 $0xFFFFD900  }
0x16a: {  	s10 =	sadd.s32 $0x60, s22  }
0x16b: {  	s17 =	sand.u32 $0x60, s10  }
0x16c: {  	s22 =	sshll.u32 s10, $0x7;
	s17 =	sor.u32 s7, s17  }
0x16d: {  	s22 =	sand.u32 $0x1E0000, s22;
	s17 =	sshll.u32 s17, $0xA  }
.Ltmp6:
0x16e: {  	s10 =	sand.u32 $0x380, s10;
	s17 =	sor.u32 s22, s17;
	(pc) =	sbr.rel .LBB2_2-.Ltmp6, $4  }
0x16f: {  	s10 =	sor.u32 s10, s17  }
0x170: {  	s10 =	sshrl.u32 s10, $0x3  }
0x171: {  	s11 =	sadd.s32 $0x1, s11;
	s10 =	sadd.s32 s1, s10  }
0x172: {  	[tilespmem:s16], [sflag:$0x2] =	stream.linear.gather [hbm4b:s10+s4], $0x80, $0x38;
	[tilespmem:$0xD200] =	vst v63  }
.LBB2_11:
0x173: {  	_ =	sfence.sel $0x180000  }
0x174: {  	[bflag:$0x0] =	sbarrier.arrive $0xFFFF  }
0x175: {  	_ =	strace $0x9000004A  }
0x176: {  	s0 =	stileid.u32;
	[bflag:$0x2] =	sbarrier.arrive $0xFFFF  }
0x177: {  	p0 =	sne.s32 s0, $0x0;
	s0 =	rddreg [dreg:$0x3]  }
0x178: {  	s0 =	sadd.s32 @!p0 $0x100000, s0  }
0x179: {  	[sflag:s0] =	ssyncadd.tile.s32 @!p0 $0x1;
	_ =	shalt  }
.Lfunc_end2:
_tile_overlayer_lowered:
.L_overlay_start_2:
0x17a: {  	(tag) =	ssettag $0x2  }
0x17b: {  	s0 =	rddreg [dreg:$0x0];
	s2 =	stileid.u32  }
0x17c: {  	s1 =	rddreg [dreg:$0x1];
	p0 =	sne.s32 s2, $0x0  }
0x17d: {  	s3 =	rddreg [dreg:$0x2];
	[bflag:$0x3] =	sbarrier.arrive $0xFFFF;
	s2 =	simm.s32 @!p0 $0x1C07  }
0x17e: {  	[timem:s3], [sflag:s2] =	dma.local @!p0 [hbm:s0], s1  }
0x17f: {  	s0 =	simm.s32 @!p0 $0x7  }
0x180: {  	_ =	swait.ge @!p0 [sflag:s0], s1  }
0x181: {  	s1 =	ssub.s32 @!p0 $0x0, s1;
	[sflag:s0] =	ssyncset.done @!p0 $0x0  }
0x182: {  	[sflag:s0] =	ssyncadd.s32 @!p0 s1  }
0x183: {  	[bflag:$0x3] =	sbarrier.arrive $0xFFFF  }
0x184: {  	_ =	shalt  }

</sc_bundles>
